<compile_context>
chip_gen: v7x
topology: tpu7x:2x2x1
jax: 0.10.2.dev20260603
libtpu: 0.0.44.dev20260713+nightly
codegen_flags: <defaults>
</compile_context>

<pallas_src>
import functools

import jax
import jax.numpy as jnp
from jax import lax
from jax.experimental import pallas as pl
from jax.experimental.pallas import tpu as pltpu
from jax.experimental.pallas import tpu_sc as plsc

N = 10000
E = 320000
H = 128
F = 128
C = 64

_NC = 2
_NS = 16
_NW = _NC * _NS
_HH = H // 2
_K = 128
_CHUNKS = 160
_EPT = _K * _CHUNKS
_EPAD = _EPT * _NS
_NPAD = 10240
_TRASH = N
_SLICE = _NPAD // _NS
_ZCH = _SLICE // _K

_BN = 2000

_sc_mesh = plsc.VectorSubcoreMesh(core_axis_name="c", subcore_axis_name="s")
_sc_params = pltpu.CompilerParams(use_tc_tiling_on_sc=False)



@functools.partial(
    pl.kernel,
    out_type=jax.ShapeDtypeStruct((_NC, _NPAD, 16), jnp.float32),
    mesh=_sc_mesh,
    compiler_params=_sc_params,
    scratch_types=[
        pltpu.VMEM((_CHUNKS // 2, _K), jnp.int32),
        pltpu.VMEM((_K, 16), jnp.float32),
        pltpu.VMEM_SHARED((_NPAD, 16), jnp.float32),
    ],
)
def _sc_deg(dstb_hbm, ones_hbm, zeros_hbm, out_hbm, dst_v, ones_v, acc_sh):
    c = lax.axis_index("c")
    s = lax.axis_index("s")
    pltpu.sync_copy(dstb_hbm.at[s, pl.ds(c * (_CHUNKS // 2), _CHUNKS // 2)],
                    dst_v)
    pltpu.sync_copy(ones_hbm, ones_v)
    base = s * _SLICE
    pltpu.sync_copy(zeros_hbm.at[pl.ds(base, _SLICE)],
                    acc_sh.at[pl.ds(base, _SLICE)])
    plsc.subcore_barrier()

    def body(j, carry):
        pltpu.sync_copy(ones_v, acc_sh.at[dst_v.at[j]], add=True)
        return carry

    lax.fori_loop(0, _CHUNKS // 2, body, 0)
    plsc.subcore_barrier()
    for z in range(_ZCH):
        off = base + z * _K
        pltpu.sync_copy(acc_sh.at[pl.ds(off, _K)],
                        out_hbm.at[c, pl.ds(off, _K)])


@functools.partial(
    pl.kernel,
    out_type=jax.ShapeDtypeStruct((_NC, _NPAD, _HH), jnp.float32),
    mesh=_sc_mesh,
    compiler_params=_sc_params,
    scratch_types=[
        pltpu.VMEM((_CHUNKS, _K), jnp.int32),
        pltpu.VMEM((_CHUNKS, _K), jnp.int32),
        pltpu.VMEM((4, _K, _HH), jnp.float32),
        pltpu.VMEM_SHARED((_NPAD, _HH), jnp.float32),
        [pltpu.SemaphoreType.DMA] * 4,
        [pltpu.SemaphoreType.DMA] * 4,
    ],
)
def _sc_agg(y_hbm, srcb_hbm, dstb_hbm, zeros_hbm, out_hbm,
            src_v, dst_v, rows_v, acc_sh, gsem, tsem):
    c = lax.axis_index("c")
    s = lax.axis_index("s")
    pltpu.sync_copy(srcb_hbm.at[c, s], src_v)
    pltpu.sync_copy(dstb_hbm.at[s], dst_v)
    base = s * _SLICE
    pltpu.sync_copy(zeros_hbm.at[pl.ds(base, _SLICE)],
                    acc_sh.at[pl.ds(base, _SLICE)])
    plsc.subcore_barrier()

    for b in range(2):
        pltpu.async_copy(y_hbm.at[src_v.at[b]], rows_v.at[b], gsem[b])

    def body(jo, carry):
        for k in range(4):
            j = 4 * jo + k
            bn = (k + 2) % 4

            @pl.when(j >= 2)
            def _():
                pltpu.make_async_copy(rows_v.at[bn],
                                      acc_sh.at[dst_v.at[j - 2]],
                                      tsem[bn]).wait()

            @pl.when(j + 2 < _CHUNKS)
            def _():
                pltpu.async_copy(y_hbm.at[src_v.at[j + 2]], rows_v.at[bn],
                                 gsem[bn])

            pltpu.make_async_copy(y_hbm.at[src_v.at[j]], rows_v.at[k],
                                  gsem[k]).wait()
            pltpu.async_copy(rows_v.at[k], acc_sh.at[dst_v.at[j]], tsem[k],
                             add=True)
        return carry

    lax.fori_loop(0, _CHUNKS // 4, body, 0)
    for k in range(2):
        j = _CHUNKS - 2 + k
        pltpu.make_async_copy(rows_v.at[j % 4], acc_sh.at[dst_v.at[j]],
                              tsem[j % 4]).wait()
    plsc.subcore_barrier()
    for z in range(_ZCH):
        off = base + z * _K
        pltpu.sync_copy(acc_sh.at[pl.ds(off, _K)],
                        out_hbm.at[c, pl.ds(off, _K)])



def _k1_body(emb_ref, w_ref, da_ref, db_ref, y_ref, dis_ref):
    deg = da_ref[0, :, 0:1] + db_ref[0, :, 0:1] + 1.0
    dis = lax.rsqrt(deg)
    dis_ref[...] = dis
    y_ref[...] = jnp.dot(emb_ref[...], w_ref[...],
                         preferred_element_type=jnp.float32) * dis


def _k2_body(t0_ref, t1_ref, y1_ref, dis_ref, b1_ref, w2_ref, o_ref):
    t = jnp.concatenate((t0_ref[0], t1_ref[0]), axis=1) + y1_ref[...]
    h = jnp.maximum(t * dis_ref[...] + b1_ref[...], 0.0)
    o_ref[...] = jnp.dot(h, w2_ref[...],
                         preferred_element_type=jnp.float32) * dis_ref[...]


def _k3_body(t0_ref, t1_ref, y2_ref, dis_ref, b2_ref, rnd_ref, wx_ref, bx_ref,
             wy_ref, by_ref, x_ref, y_ref):
    t = jnp.concatenate((t0_ref[0], t1_ref[0]), axis=1) + y2_ref[...]
    h2 = t * dis_ref[...] + b2_ref[...]
    valid = jnp.sum((h2 != 0.0).astype(jnp.float32), axis=1, keepdims=True) > 0.0
    v = jnp.where(valid, h2, rnd_ref[...])
    z = v / jnp.sqrt(jnp.sum(v * v, axis=1, keepdims=True))
    x_ref[...] = jnp.dot(z, wx_ref[...],
                         preferred_element_type=jnp.float32) + bx_ref[...]
    y_ref[...] = jnp.dot(z, wy_ref[...],
                         preferred_element_type=jnp.float32) + by_ref[...]


def _row_spec(width):
    return pl.BlockSpec((_BN, width), lambda i: (i, 0))


def _part_spec(part, width):
    return pl.BlockSpec((1, _BN, width), lambda i, _p=part: (_p, i, 0))


def _full_spec(r, c):
    return pl.BlockSpec((r, c), lambda i: (0, 0))


def _dense1(emb, W1, degp):
    return pl.pallas_call(
        _k1_body,
        grid=(N // _BN,),
        in_specs=[_row_spec(H), _full_spec(H, H),
                  _part_spec(0, 16), _part_spec(1, 16)],
        out_specs=[_row_spec(H), _row_spec(1)],
        out_shape=[jax.ShapeDtypeStruct((N, H), jnp.float32),
                   jax.ShapeDtypeStruct((N, 1), jnp.float32)],
    )(emb, W1, degp, degp)


def _dense2(T1p, Y1, dis, b1, W2):
    return pl.pallas_call(
        _k2_body,
        grid=(N // _BN,),
        in_specs=[_part_spec(0, _HH), _part_spec(1, _HH), _row_spec(H),
                  _row_spec(1), _full_spec(1, H), _full_spec(H, H)],
        out_specs=_row_spec(H),
        out_shape=jax.ShapeDtypeStruct((N, H), jnp.float32),
    )(T1p, T1p, Y1, dis, b1, W2)


def _dense3(T2p, Y2, dis, b2, rnd, Wx, bx, Wy, by):
    return pl.pallas_call(
        _k3_body,
        grid=(N // _BN,),
        in_specs=[_part_spec(0, _HH), _part_spec(1, _HH), _row_spec(H),
                  _row_spec(1), _full_spec(1, H), _row_spec(H),
                  _full_spec(H, F), _full_spec(1, F),
                  _full_spec(H, C), _full_spec(1, C)],
        out_specs=[_row_spec(F), _row_spec(C)],
        out_shape=[jax.ShapeDtypeStruct((N, F), jnp.float32),
                   jax.ShapeDtypeStruct((N, C), jnp.float32)],
    )(T2p, T2p, Y2, dis, b2, rnd, Wx, bx, Wy, by)


def kernel(emb, W1, b1, W2, b2, Wx, bx, Wy, by, edge_index):
    src = edge_index[0]
    dst = edge_index[1]
    pad = _EPAD - E
    src_p = jnp.concatenate([src, jnp.zeros((pad,), jnp.int32)])
    srcb = jnp.stack([2 * src_p, 2 * src_p + 1]).reshape(
        _NC, _NS, _CHUNKS, _K)
    dstb = jnp.concatenate(
        [dst, jnp.full((pad,), _TRASH, jnp.int32)]).reshape(_NS, _CHUNKS, _K)

    zerosH = jnp.zeros((_NPAD, _HH), jnp.float32)
    zeros16 = jnp.zeros((_NPAD, 16), jnp.float32)
    ones16 = jnp.zeros((_K, 16), jnp.float32).at[:, 0].set(1.0)
    rnd = jax.random.normal(jax.random.key(42), (N, H), jnp.float32)

    degp = _sc_deg(dstb, ones16, zeros16)
    Y1, dis = _dense1(emb, W1, degp)
    T1p = _sc_agg(Y1.reshape(2 * N, _HH), srcb, dstb, zerosH)
    Y2 = _dense2(T1p, Y1, dis, b1.reshape(1, H), W2)
    T2p = _sc_agg(Y2.reshape(2 * N, _HH), srcb, dstb, zerosH)
    x_hat, y_hat = _dense3(T2p, Y2, dis, b2.reshape(1, H), rnd,
                           Wx, bx.reshape(1, F), Wy, by.reshape(1, C))
    return x_hat, y_hat

# --- scband reference (transcript-rebuilt; emitter-appended) ---
"""Pipeline reference for scband-svga-7318624272625 (READ-ONLY COPY).

The authoritative reference and input builder live on the scoring server;
editing this copy changes nothing except your own understanding.
"""

import jax, jax.numpy as jnp
import numpy as np

N = 10000
E = 320000
H = 128
F = 128
C = 64


def setup_inputs(seed: int = 0):
    key = jax.random.key(seed)
    ks = jax.random.split(key, 12)
    edge_index = jax.random.randint(ks[0], (2, E), 0, N, dtype=jnp.int32)
    # Learnable node embeddings (Features module inside the Encoder)
    emb = jax.random.normal(ks[1], (N, H), dtype=jnp.float32) * 0.1
    # Encoder GNN: 2 GCN layers (hidden_size -> hidden_size)
    W1 = jax.random.normal(ks[2], (H, H), dtype=jnp.float32) * (1.0 / np.sqrt(H))
    b1 = jnp.zeros((H,), jnp.float32)
    W2 = jax.random.normal(ks[3], (H, H), dtype=jnp.float32) * (1.0 / np.sqrt(H))
    b2 = jnp.zeros((H,), jnp.float32)
    # Feature decoder (hidden_size -> num_features) and label decoder (hidden_size -> num_classes)
    Wx = jax.random.normal(ks[4], (H, F), dtype=jnp.float32) * (1.0 / np.sqrt(H))
    bx = jnp.zeros((F,), jnp.float32)
    Wy = jax.random.normal(ks[5], (H, C), dtype=jnp.float32) * (1.0 / np.sqrt(H))
    by = jnp.zeros((C,), jnp.float32)
    return {"emb": emb, "W1": W1, "b1": b1, "W2": W2, "b2": b2, "Wx": Wx, "bx": bx, "Wy": Wy, "by": by, "edge_index": edge_index}


def _gcn_norm(edge_index, n):
    # PyG gcn_norm with add_self_loops=True, symmetric normalization
    src = edge_index[0]
    dst = edge_index[1]
    loop = jnp.arange(n, dtype=edge_index.dtype)
    src = jnp.concatenate([src, loop])
    dst = jnp.concatenate([dst, loop])
    w = jnp.ones(src.shape[0], jnp.float32)
    deg = jax.ops.segment_sum(w, dst, num_segments=n)
    dis = jnp.where(deg > 0, 1.0 / jnp.sqrt(deg), 0.0)
    norm = dis[src] * w * dis[dst]
    return src, dst, norm


def _gcn_conv(x, W, b, src, dst, norm, n):
    x = x @ W
    msg = jnp.take(x, src, axis=0) * norm[:, None]
    out = jax.ops.segment_sum(msg, dst, num_segments=n)
    return out + b


def _unit_norm(v):
    # UnitNorm: replace all-zero rows by (fixed) gaussian noise, then L2-normalize rows
    valid = (v != 0).sum(1, keepdims=True) > 0
    rnd = jax.random.normal(jax.random.key(42), v.shape, v.dtype)
    v = jnp.where(valid, v, rnd)
    return v / jnp.sqrt((v ** 2).sum(1, keepdims=True))


def reference(emb, W1, b1, W2, b2, Wx, bx, Wy, by, edge_index):
    src, dst, norm = _gcn_norm(edge_index, N)
    # Encoder GNN (eval mode: dropout = identity); 2 layers -> no residual add at i=0
    h = jax.nn.relu(_gcn_conv(emb, W1, b1, src, dst, norm, N))
    h = _gcn_conv(h, W2, b2, src, dst, norm, N)
    z = _unit_norm(h)
    x_hat = z @ Wx + bx
    y_hat = z @ Wy + by
    return x_hat, y_hat

if __name__ == "__main__":
    import jax
    _d = setup_inputs()
    print(jax.jit(kernel)(*tuple(_d.values())))

</pallas_src>

<mosaic_0001>
#map = affine_map<(d0, d1) -> (0, 0, 0)>
#map1 = affine_map<(d0, d1) -> (0, 0)>
module attributes {stable_mosaic.version = 14 : i64} {
  func.func @_sc_deg(%arg0: i32, %arg1: i32, %arg2: memref<16x160x128xi32, #tpu.memory_space<hbm>>, %arg3: memref<128x16xf32, #tpu.memory_space<hbm>>, %arg4: memref<10240x16xf32, #tpu.memory_space<hbm>>, %arg5: memref<2x10240x16xf32, #tpu.memory_space<hbm>>, %arg6: memref<80x128xi32, #tpu.memory_space<vmem>>, %arg7: memref<128x16xf32, #tpu.memory_space<vmem>>, %arg8: memref<10240x16xf32, #tpu.memory_space<vmem_shared>>) attributes {dimension_semantics = [#tpu.dimension_semantics<core_parallel>, #tpu.dimension_semantics<subcore_parallel>], iteration_bounds = array<i64: 2, 16>, scalar_prefetch = 0 : i64, scratch_operands = 3 : i64, tpu.core_type = #tpu.core_type<sc_vector_subcore>, window_params = [{transform_indices = #map}, {transform_indices = #map1}, {transform_indices = #map1}, {transform_indices = #map}]} {
    %mul3A = arith.constant 80 : i32
    %mul3A_0 = arith.muli %arg0, %mul3A : i32
    "tpu.region"() ({
      %run_scoped3A = tpu.sem_alloc : memref<!tpu.dma_semaphore, #tpu.memory_space<semaphore_mem>>
      %dma_start3A = arith.constant 0 : i32
      %dma_start3A_18 = tpu.memref_slice %arg2[%arg1, %mul3A_0, %dma_start3A] : memref<16x160x128xi32, #tpu.memory_space<hbm>> -> memref<1x80x128xi32, #tpu.memory_space<hbm>>
      %dma_start3A_19 = tpu.memref_squeeze %dma_start3A_18 : memref<1x80x128xi32, #tpu.memory_space<hbm>> -> memref<80x128xi32, #tpu.memory_space<hbm>>
      %dma_start3A_20 = arith.constant 0 : i32
      %dma_start3A_21 = tpu.memref_slice %arg2[%arg1, %mul3A_0, %dma_start3A_20] : memref<16x160x128xi32, #tpu.memory_space<hbm>> -> memref<1x80x128xi32, #tpu.memory_space<hbm>>
      %dma_start3A_22 = tpu.memref_squeeze %dma_start3A_21 : memref<1x80x128xi32, #tpu.memory_space<hbm>> -> memref<80x128xi32, #tpu.memory_space<hbm>>
      tpu.enqueue_dma source(%dma_start3A_22 : memref<80x128xi32, #tpu.memory_space<hbm>>) target(%arg6 : memref<80x128xi32, #tpu.memory_space<vmem>>) target_semaphore(%run_scoped3A : memref<!tpu.dma_semaphore, #tpu.memory_space<semaphore_mem>>)
      %dma_wait3A = arith.constant 0 : i32
      %dma_wait3A_23 = tpu.memref_slice %arg2[%arg1, %mul3A_0, %dma_wait3A] : memref<16x160x128xi32, #tpu.memory_space<hbm>> -> memref<1x80x128xi32, #tpu.memory_space<hbm>>
      %dma_wait3A_24 = tpu.memref_squeeze %dma_wait3A_23 : memref<1x80x128xi32, #tpu.memory_space<hbm>> -> memref<80x128xi32, #tpu.memory_space<hbm>>
      %dma_wait3A_25 = arith.constant 0 : i32
      %dma_wait3A_26 = tpu.memref_slice %arg2[%arg1, %mul3A_0, %dma_wait3A_25] : memref<16x160x128xi32, #tpu.memory_space<hbm>> -> memref<1x80x128xi32, #tpu.memory_space<hbm>>
      %dma_wait3A_27 = tpu.memref_squeeze %dma_wait3A_26 : memref<1x80x128xi32, #tpu.memory_space<hbm>> -> memref<80x128xi32, #tpu.memory_space<hbm>>
      tpu.wait_dma2 semaphore(%run_scoped3A : memref<!tpu.dma_semaphore, #tpu.memory_space<semaphore_mem>>) src(%dma_wait3A_27 : memref<80x128xi32, #tpu.memory_space<hbm>>) dst(%arg6 : memref<80x128xi32, #tpu.memory_space<vmem>>)
      tpu.yield
    }) : () -> ()
    "tpu.region"() ({
      %run_scoped3A = tpu.sem_alloc : memref<!tpu.dma_semaphore, #tpu.memory_space<semaphore_mem>>
      tpu.enqueue_dma source(%arg3 : memref<128x16xf32, #tpu.memory_space<hbm>>) target(%arg7 : memref<128x16xf32, #tpu.memory_space<vmem>>) target_semaphore(%run_scoped3A : memref<!tpu.dma_semaphore, #tpu.memory_space<semaphore_mem>>)
      tpu.wait_dma2 semaphore(%run_scoped3A : memref<!tpu.dma_semaphore, #tpu.memory_space<semaphore_mem>>) src(%arg3 : memref<128x16xf32, #tpu.memory_space<hbm>>) dst(%arg7 : memref<128x16xf32, #tpu.memory_space<vmem>>)
      tpu.yield
    }) : () -> ()
    %mul3A_1 = arith.constant 640 : i32
    %mul3A_2 = arith.muli %arg1, %mul3A_1 : i32
    "tpu.region"() ({
      %run_scoped3A = tpu.sem_alloc : memref<!tpu.dma_semaphore, #tpu.memory_space<semaphore_mem>>
      %dma_start3A = arith.constant 0 : i32
      %dma_start3A_18 = tpu.memref_slice %arg8[%mul3A_2, %dma_start3A] : memref<10240x16xf32, #tpu.memory_space<vmem_shared>> -> memref<640x16xf32, #tpu.memory_space<vmem_shared>>
      %dma_start3A_19 = arith.constant 0 : i32
      %dma_start3A_20 = tpu.memref_slice %arg4[%mul3A_2, %dma_start3A_19] : memref<10240x16xf32, #tpu.memory_space<hbm>> -> memref<640x16xf32, #tpu.memory_space<hbm>>
      tpu.enqueue_dma source(%dma_start3A_20 : memref<640x16xf32, #tpu.memory_space<hbm>>) target(%dma_start3A_18 : memref<640x16xf32, #tpu.memory_space<vmem_shared>>) target_semaphore(%run_scoped3A : memref<!tpu.dma_semaphore, #tpu.memory_space<semaphore_mem>>)
      %dma_wait3A = arith.constant 0 : i32
      %dma_wait3A_21 = tpu.memref_slice %arg8[%mul3A_2, %dma_wait3A] : memref<10240x16xf32, #tpu.memory_space<vmem_shared>> -> memref<640x16xf32, #tpu.memory_space<vmem_shared>>
      %dma_wait3A_22 = arith.constant 0 : i32
      %dma_wait3A_23 = tpu.memref_slice %arg4[%mul3A_2, %dma_wait3A_22] : memref<10240x16xf32, #tpu.memory_space<hbm>> -> memref<640x16xf32, #tpu.memory_space<hbm>>
      tpu.wait_dma2 semaphore(%run_scoped3A : memref<!tpu.dma_semaphore, #tpu.memory_space<semaphore_mem>>) src(%dma_wait3A_23 : memref<640x16xf32, #tpu.memory_space<hbm>>) dst(%dma_wait3A_21 : memref<640x16xf32, #tpu.memory_space<vmem_shared>>)
      tpu.yield
    }) : () -> ()
    %barrier3A = arith.constant 0 : index
    tpu.barrier barrier_id(%barrier3A)
    %scan3A = arith.constant 0 : i32
    %scan3A_3 = arith.constant 0 : i32
    %scan3A_4 = arith.constant 80 : i32
    %scan3A_5 = arith.addi %scan3A_3, %scan3A_4 : i32
    %scan3A_6 = arith.constant 1 : i32
    scf.for %scan3A_18 = %scan3A_3 to %scan3A_5 step %scan3A_6  : i32 {
      "tpu.region"() ({
        %run_scoped3A = tpu.sem_alloc : memref<!tpu.dma_semaphore, #tpu.memory_space<semaphore_mem>>
        %dma_start3A = arith.constant 0 : i32
        %dma_start3A_19 = tpu.memref_slice %arg6[%scan3A_18, %dma_start3A] : memref<80x128xi32, #tpu.memory_space<vmem>> -> memref<1x128xi32, #tpu.memory_space<vmem>>
        %dma_start3A_20 = tpu.memref_squeeze %dma_start3A_19 : memref<1x128xi32, #tpu.memory_space<vmem>> -> memref<128xi32, #tpu.memory_space<vmem>>
        %dma_start3A_21 = arith.constant 0 : i32
        %dma_start3A_22 = arith.constant 0 : i32
        %dma_start3A_23 = tpu.memref_slice %arg8[%dma_start3A_21, %dma_start3A_22] : memref<10240x16xf32, #tpu.memory_space<vmem_shared>> -> memref<10240x16xf32, #tpu.memory_space<vmem_shared>>
        tpu.enqueue_indirect_dma source(%arg7 : memref<128x16xf32, #tpu.memory_space<vmem>>) target(%dma_start3A_23 : memref<10240x16xf32, #tpu.memory_space<vmem_shared>>) offsets(%dma_start3A_20 : memref<128xi32, #tpu.memory_space<vmem>>) semaphore(%run_scoped3A : memref<!tpu.dma_semaphore, #tpu.memory_space<semaphore_mem>>) {add = true}
        %dma_wait3A = arith.constant 0 : i32
        %dma_wait3A_24 = tpu.memref_slice %arg6[%scan3A_18, %dma_wait3A] : memref<80x128xi32, #tpu.memory_space<vmem>> -> memref<1x128xi32, #tpu.memory_space<vmem>>
        %dma_wait3A_25 = tpu.memref_squeeze %dma_wait3A_24 : memref<1x128xi32, #tpu.memory_space<vmem>> -> memref<128xi32, #tpu.memory_space<vmem>>
        %dma_wait3A_26 = arith.constant 0 : i32
        %dma_wait3A_27 = arith.constant 0 : i32
        %dma_wait3A_28 = tpu.memref_slice %arg8[%dma_wait3A_26, %dma_wait3A_27] : memref<10240x16xf32, #tpu.memory_space<vmem_shared>> -> memref<10240x16xf32, #tpu.memory_space<vmem_shared>>
        tpu.wait_indirect_dma semaphore(%run_scoped3A : memref<!tpu.dma_semaphore, #tpu.memory_space<semaphore_mem>>) src(%arg7 : memref<128x16xf32, #tpu.memory_space<vmem>>) dst(%dma_wait3A_28 : memref<10240x16xf32, #tpu.memory_space<vmem_shared>>)
        tpu.yield
      }) : () -> ()
    }
    %scan3A_7 = arith.constant 80 : i32
    %barrier3A_8 = arith.constant 0 : index
    tpu.barrier barrier_id(%barrier3A_8)
    %add3A = arith.constant 0 : i32
    %add3A_9 = arith.addi %mul3A_2, %add3A : i32
    "tpu.region"() ({
      %run_scoped3A = tpu.sem_alloc : memref<!tpu.dma_semaphore, #tpu.memory_space<semaphore_mem>>
      %dma_start3A = arith.constant 0 : i32
      %dma_start3A_18 = tpu.memref_slice %arg5[%arg0, %add3A_9, %dma_start3A] : memref<2x10240x16xf32, #tpu.memory_space<hbm>> -> memref<1x128x16xf32, #tpu.memory_space<hbm>>
      %dma_start3A_19 = tpu.memref_squeeze %dma_start3A_18 : memref<1x128x16xf32, #tpu.memory_space<hbm>> -> memref<128x16xf32, #tpu.memory_space<hbm>>
      %dma_start3A_20 = arith.constant 0 : i32
      %dma_start3A_21 = tpu.memref_slice %arg8[%add3A_9, %dma_start3A_20] : memref<10240x16xf32, #tpu.memory_space<vmem_shared>> -> memref<128x16xf32, #tpu.memory_space<vmem_shared>>
      tpu.enqueue_dma source(%dma_start3A_21 : memref<128x16xf32, #tpu.memory_space<vmem_shared>>) target(%dma_start3A_19 : memref<128x16xf32, #tpu.memory_space<hbm>>) target_semaphore(%run_scoped3A : memref<!tpu.dma_semaphore, #tpu.memory_space<semaphore_mem>>)
      %dma_wait3A = arith.constant 0 : i32
      %dma_wait3A_22 = tpu.memref_slice %arg5[%arg0, %add3A_9, %dma_wait3A] : memref<2x10240x16xf32, #tpu.memory_space<hbm>> -> memref<1x128x16xf32, #tpu.memory_space<hbm>>
      %dma_wait3A_23 = tpu.memref_squeeze %dma_wait3A_22 : memref<1x128x16xf32, #tpu.memory_space<hbm>> -> memref<128x16xf32, #tpu.memory_space<hbm>>
      %dma_wait3A_24 = arith.constant 0 : i32
      %dma_wait3A_25 = tpu.memref_slice %arg8[%add3A_9, %dma_wait3A_24] : memref<10240x16xf32, #tpu.memory_space<vmem_shared>> -> memref<128x16xf32, #tpu.memory_space<vmem_shared>>
      tpu.wait_dma2 semaphore(%run_scoped3A : memref<!tpu.dma_semaphore, #tpu.memory_space<semaphore_mem>>) src(%dma_wait3A_25 : memref<128x16xf32, #tpu.memory_space<vmem_shared>>) dst(%dma_wait3A_23 : memref<128x16xf32, #tpu.memory_space<hbm>>)
      tpu.yield
    }) : () -> ()
    %add3A_10 = arith.constant 128 : i32
    %add3A_11 = arith.addi %mul3A_2, %add3A_10 : i32
    "tpu.region"() ({
      %run_scoped3A = tpu.sem_alloc : memref<!tpu.dma_semaphore, #tpu.memory_space<semaphore_mem>>
      %dma_start3A = arith.constant 0 : i32
      %dma_start3A_18 = tpu.memref_slice %arg5[%arg0, %add3A_11, %dma_start3A] : memref<2x10240x16xf32, #tpu.memory_space<hbm>> -> memref<1x128x16xf32, #tpu.memory_space<hbm>>
      %dma_start3A_19 = tpu.memref_squeeze %dma_start3A_18 : memref<1x128x16xf32, #tpu.memory_space<hbm>> -> memref<128x16xf32, #tpu.memory_space<hbm>>
      %dma_start3A_20 = arith.constant 0 : i32
      %dma_start3A_21 = tpu.memref_slice %arg8[%add3A_11, %dma_start3A_20] : memref<10240x16xf32, #tpu.memory_space<vmem_shared>> -> memref<128x16xf32, #tpu.memory_space<vmem_shared>>
      tpu.enqueue_dma source(%dma_start3A_21 : memref<128x16xf32, #tpu.memory_space<vmem_shared>>) target(%dma_start3A_19 : memref<128x16xf32, #tpu.memory_space<hbm>>) target_semaphore(%run_scoped3A : memref<!tpu.dma_semaphore, #tpu.memory_space<semaphore_mem>>)
      %dma_wait3A = arith.constant 0 : i32
      %dma_wait3A_22 = tpu.memref_slice %arg5[%arg0, %add3A_11, %dma_wait3A] : memref<2x10240x16xf32, #tpu.memory_space<hbm>> -> memref<1x128x16xf32, #tpu.memory_space<hbm>>
      %dma_wait3A_23 = tpu.memref_squeeze %dma_wait3A_22 : memref<1x128x16xf32, #tpu.memory_space<hbm>> -> memref<128x16xf32, #tpu.memory_space<hbm>>
      %dma_wait3A_24 = arith.constant 0 : i32
      %dma_wait3A_25 = tpu.memref_slice %arg8[%add3A_11, %dma_wait3A_24] : memref<10240x16xf32, #tpu.memory_space<vmem_shared>> -> memref<128x16xf32, #tpu.memory_space<vmem_shared>>
      tpu.wait_dma2 semaphore(%run_scoped3A : memref<!tpu.dma_semaphore, #tpu.memory_space<semaphore_mem>>) src(%dma_wait3A_25 : memref<128x16xf32, #tpu.memory_space<vmem_shared>>) dst(%dma_wait3A_23 : memref<128x16xf32, #tpu.memory_space<hbm>>)
      tpu.yield
    }) : () -> ()
    %add3A_12 = arith.constant 256 : i32
    %add3A_13 = arith.addi %mul3A_2, %add3A_12 : i32
    "tpu.region"() ({
      %run_scoped3A = tpu.sem_alloc : memref<!tpu.dma_semaphore, #tpu.memory_space<semaphore_mem>>
      %dma_start3A = arith.constant 0 : i32
      %dma_start3A_18 = tpu.memref_slice %arg5[%arg0, %add3A_13, %dma_start3A] : memref<2x10240x16xf32, #tpu.memory_space<hbm>> -> memref<1x128x16xf32, #tpu.memory_space<hbm>>
      %dma_start3A_19 = tpu.memref_squeeze %dma_start3A_18 : memref<1x128x16xf32, #tpu.memory_space<hbm>> -> memref<128x16xf32, #tpu.memory_space<hbm>>
      %dma_start3A_20 = arith.constant 0 : i32
      %dma_start3A_21 = tpu.memref_slice %arg8[%add3A_13, %dma_start3A_20] : memref<10240x16xf32, #tpu.memory_space<vmem_shared>> -> memref<128x16xf32, #tpu.memory_space<vmem_shared>>
      tpu.enqueue_dma source(%dma_start3A_21 : memref<128x16xf32, #tpu.memory_space<vmem_shared>>) target(%dma_start3A_19 : memref<128x16xf32, #tpu.memory_space<hbm>>) target_semaphore(%run_scoped3A : memref<!tpu.dma_semaphore, #tpu.memory_space<semaphore_mem>>)
      %dma_wait3A = arith.constant 0 : i32
      %dma_wait3A_22 = tpu.memref_slice %arg5[%arg0, %add3A_13, %dma_wait3A] : memref<2x10240x16xf32, #tpu.memory_space<hbm>> -> memref<1x128x16xf32, #tpu.memory_space<hbm>>
      %dma_wait3A_23 = tpu.memref_squeeze %dma_wait3A_22 : memref<1x128x16xf32, #tpu.memory_space<hbm>> -> memref<128x16xf32, #tpu.memory_space<hbm>>
      %dma_wait3A_24 = arith.constant 0 : i32
      %dma_wait3A_25 = tpu.memref_slice %arg8[%add3A_13, %dma_wait3A_24] : memref<10240x16xf32, #tpu.memory_space<vmem_shared>> -> memref<128x16xf32, #tpu.memory_space<vmem_shared>>
      tpu.wait_dma2 semaphore(%run_scoped3A : memref<!tpu.dma_semaphore, #tpu.memory_space<semaphore_mem>>) src(%dma_wait3A_25 : memref<128x16xf32, #tpu.memory_space<vmem_shared>>) dst(%dma_wait3A_23 : memref<128x16xf32, #tpu.memory_space<hbm>>)
      tpu.yield
    }) : () -> ()
    %add3A_14 = arith.constant 384 : i32
    %add3A_15 = arith.addi %mul3A_2, %add3A_14 : i32
    "tpu.region"() ({
      %run_scoped3A = tpu.sem_alloc : memref<!tpu.dma_semaphore, #tpu.memory_space<semaphore_mem>>
      %dma_start3A = arith.constant 0 : i32
      %dma_start3A_18 = tpu.memref_slice %arg5[%arg0, %add3A_15, %dma_start3A] : memref<2x10240x16xf32, #tpu.memory_space<hbm>> -> memref<1x128x16xf32, #tpu.memory_space<hbm>>
      %dma_start3A_19 = tpu.memref_squeeze %dma_start3A_18 : memref<1x128x16xf32, #tpu.memory_space<hbm>> -> memref<128x16xf32, #tpu.memory_space<hbm>>
      %dma_start3A_20 = arith.constant 0 : i32
      %dma_start3A_21 = tpu.memref_slice %arg8[%add3A_15, %dma_start3A_20] : memref<10240x16xf32, #tpu.memory_space<vmem_shared>> -> memref<128x16xf32, #tpu.memory_space<vmem_shared>>
      tpu.enqueue_dma source(%dma_start3A_21 : memref<128x16xf32, #tpu.memory_space<vmem_shared>>) target(%dma_start3A_19 : memref<128x16xf32, #tpu.memory_space<hbm>>) target_semaphore(%run_scoped3A : memref<!tpu.dma_semaphore, #tpu.memory_space<semaphore_mem>>)
      %dma_wait3A = arith.constant 0 : i32
      %dma_wait3A_22 = tpu.memref_slice %arg5[%arg0, %add3A_15, %dma_wait3A] : memref<2x10240x16xf32, #tpu.memory_space<hbm>> -> memref<1x128x16xf32, #tpu.memory_space<hbm>>
      %dma_wait3A_23 = tpu.memref_squeeze %dma_wait3A_22 : memref<1x128x16xf32, #tpu.memory_space<hbm>> -> memref<128x16xf32, #tpu.memory_space<hbm>>
      %dma_wait3A_24 = arith.constant 0 : i32
      %dma_wait3A_25 = tpu.memref_slice %arg8[%add3A_15, %dma_wait3A_24] : memref<10240x16xf32, #tpu.memory_space<vmem_shared>> -> memref<128x16xf32, #tpu.memory_space<vmem_shared>>
      tpu.wait_dma2 semaphore(%run_scoped3A : memref<!tpu.dma_semaphore, #tpu.memory_space<semaphore_mem>>) src(%dma_wait3A_25 : memref<128x16xf32, #tpu.memory_space<vmem_shared>>) dst(%dma_wait3A_23 : memref<128x16xf32, #tpu.memory_space<hbm>>)
      tpu.yield
    }) : () -> ()
    %add3A_16 = arith.constant 512 : i32
    %add3A_17 = arith.addi %mul3A_2, %add3A_16 : i32
    "tpu.region"() ({
      %run_scoped3A = tpu.sem_alloc : memref<!tpu.dma_semaphore, #tpu.memory_space<semaphore_mem>>
      %dma_start3A = arith.constant 0 : i32
      %dma_start3A_18 = tpu.memref_slice %arg5[%arg0, %add3A_17, %dma_start3A] : memref<2x10240x16xf32, #tpu.memory_space<hbm>> -> memref<1x128x16xf32, #tpu.memory_space<hbm>>
      %dma_start3A_19 = tpu.memref_squeeze %dma_start3A_18 : memref<1x128x16xf32, #tpu.memory_space<hbm>> -> memref<128x16xf32, #tpu.memory_space<hbm>>
      %dma_start3A_20 = arith.constant 0 : i32
      %dma_start3A_21 = tpu.memref_slice %arg8[%add3A_17, %dma_start3A_20] : memref<10240x16xf32, #tpu.memory_space<vmem_shared>> -> memref<128x16xf32, #tpu.memory_space<vmem_shared>>
      tpu.enqueue_dma source(%dma_start3A_21 : memref<128x16xf32, #tpu.memory_space<vmem_shared>>) target(%dma_start3A_19 : memref<128x16xf32, #tpu.memory_space<hbm>>) target_semaphore(%run_scoped3A : memref<!tpu.dma_semaphore, #tpu.memory_space<semaphore_mem>>)
      %dma_wait3A = arith.constant 0 : i32
      %dma_wait3A_22 = tpu.memref_slice %arg5[%arg0, %add3A_17, %dma_wait3A] : memref<2x10240x16xf32, #tpu.memory_space<hbm>> -> memref<1x128x16xf32, #tpu.memory_space<hbm>>
      %dma_wait3A_23 = tpu.memref_squeeze %dma_wait3A_22 : memref<1x128x16xf32, #tpu.memory_space<hbm>> -> memref<128x16xf32, #tpu.memory_space<hbm>>
      %dma_wait3A_24 = arith.constant 0 : i32
      %dma_wait3A_25 = tpu.memref_slice %arg8[%add3A_17, %dma_wait3A_24] : memref<10240x16xf32, #tpu.memory_space<vmem_shared>> -> memref<128x16xf32, #tpu.memory_space<vmem_shared>>
      tpu.wait_dma2 semaphore(%run_scoped3A : memref<!tpu.dma_semaphore, #tpu.memory_space<semaphore_mem>>) src(%dma_wait3A_25 : memref<128x16xf32, #tpu.memory_space<vmem_shared>>) dst(%dma_wait3A_23 : memref<128x16xf32, #tpu.memory_space<hbm>>)
      tpu.yield
    }) : () -> ()
    return
  }
}

#map = affine_map<(d0, d1) -> (0, 0)>
#map1 = affine_map<(d0, d1) -> (0, 0, 0, 0)>
#map2 = affine_map<(d0, d1) -> (0, 0, 0)>
module attributes {stable_mosaic.version = 14 : i64} {
  func.func @_sc_agg(%arg0: i32, %arg1: i32, %arg2: memref<20000x64xf32, #tpu.memory_space<hbm>>, %arg3: memref<2x16x160x128xi32, #tpu.memory_space<hbm>>, %arg4: memref<16x160x128xi32, #tpu.memory_space<hbm>>, %arg5: memref<10240x64xf32, #tpu.memory_space<hbm>>, %arg6: memref<2x10240x64xf32, #tpu.memory_space<hbm>>, %arg7: memref<160x128xi32, #tpu.memory_space<vmem>>, %arg8: memref<160x128xi32, #tpu.memory_space<vmem>>, %arg9: memref<4x128x64xf32, #tpu.memory_space<vmem>>, %arg10: memref<10240x64xf32, #tpu.memory_space<vmem_shared>>, %arg11: memref<!tpu.dma_semaphore, #tpu.memory_space<semaphore_mem>>, %arg12: memref<!tpu.dma_semaphore, #tpu.memory_space<semaphore_mem>>, %arg13: memref<!tpu.dma_semaphore, #tpu.memory_space<semaphore_mem>>, %arg14: memref<!tpu.dma_semaphore, #tpu.memory_space<semaphore_mem>>, %arg15: memref<!tpu.dma_semaphore, #tpu.memory_space<semaphore_mem>>, %arg16: memref<!tpu.dma_semaphore, #tpu.memory_space<semaphore_mem>>, %arg17: memref<!tpu.dma_semaphore, #tpu.memory_space<semaphore_mem>>, %arg18: memref<!tpu.dma_semaphore, #tpu.memory_space<semaphore_mem>>) attributes {dimension_semantics = [#tpu.dimension_semantics<core_parallel>, #tpu.dimension_semantics<subcore_parallel>], iteration_bounds = array<i64: 2, 16>, scalar_prefetch = 0 : i64, scratch_operands = 12 : i64, tpu.core_type = #tpu.core_type<sc_vector_subcore>, window_params = [{transform_indices = #map}, {transform_indices = #map1}, {transform_indices = #map2}, {transform_indices = #map}, {transform_indices = #map2}]} {
    "tpu.region"() ({
      %run_scoped3A = tpu.sem_alloc : memref<!tpu.dma_semaphore, #tpu.memory_space<semaphore_mem>>
      %dma_start3A_62 = arith.constant 0 : i32
      %dma_start3A_63 = arith.constant 0 : i32
      %dma_start3A_64 = tpu.memref_slice %arg3[%arg0, %arg1, %dma_start3A_62, %dma_start3A_63] : memref<2x16x160x128xi32, #tpu.memory_space<hbm>> -> memref<1x1x160x128xi32, #tpu.memory_space<hbm>>
      %dma_start3A_65 = tpu.memref_squeeze %dma_start3A_64 : memref<1x1x160x128xi32, #tpu.memory_space<hbm>> -> memref<160x128xi32, #tpu.memory_space<hbm>>
      %dma_start3A_66 = arith.constant 0 : i32
      %dma_start3A_67 = arith.constant 0 : i32
      %dma_start3A_68 = tpu.memref_slice %arg3[%arg0, %arg1, %dma_start3A_66, %dma_start3A_67] : memref<2x16x160x128xi32, #tpu.memory_space<hbm>> -> memref<1x1x160x128xi32, #tpu.memory_space<hbm>>
      %dma_start3A_69 = tpu.memref_squeeze %dma_start3A_68 : memref<1x1x160x128xi32, #tpu.memory_space<hbm>> -> memref<160x128xi32, #tpu.memory_space<hbm>>
      tpu.enqueue_dma source(%dma_start3A_69 : memref<160x128xi32, #tpu.memory_space<hbm>>) target(%arg7 : memref<160x128xi32, #tpu.memory_space<vmem>>) target_semaphore(%run_scoped3A : memref<!tpu.dma_semaphore, #tpu.memory_space<semaphore_mem>>)
      %dma_wait3A_70 = arith.constant 0 : i32
      %dma_wait3A_71 = arith.constant 0 : i32
      %dma_wait3A_72 = tpu.memref_slice %arg3[%arg0, %arg1, %dma_wait3A_70, %dma_wait3A_71] : memref<2x16x160x128xi32, #tpu.memory_space<hbm>> -> memref<1x1x160x128xi32, #tpu.memory_space<hbm>>
      %dma_wait3A_73 = tpu.memref_squeeze %dma_wait3A_72 : memref<1x1x160x128xi32, #tpu.memory_space<hbm>> -> memref<160x128xi32, #tpu.memory_space<hbm>>
      %dma_wait3A_74 = arith.constant 0 : i32
      %dma_wait3A_75 = arith.constant 0 : i32
      %dma_wait3A_76 = tpu.memref_slice %arg3[%arg0, %arg1, %dma_wait3A_74, %dma_wait3A_75] : memref<2x16x160x128xi32, #tpu.memory_space<hbm>> -> memref<1x1x160x128xi32, #tpu.memory_space<hbm>>
      %dma_wait3A_77 = tpu.memref_squeeze %dma_wait3A_76 : memref<1x1x160x128xi32, #tpu.memory_space<hbm>> -> memref<160x128xi32, #tpu.memory_space<hbm>>
      tpu.wait_dma2 semaphore(%run_scoped3A : memref<!tpu.dma_semaphore, #tpu.memory_space<semaphore_mem>>) src(%dma_wait3A_77 : memref<160x128xi32, #tpu.memory_space<hbm>>) dst(%arg7 : memref<160x128xi32, #tpu.memory_space<vmem>>)
      tpu.yield
    }) : () -> ()
    "tpu.region"() ({
      %run_scoped3A = tpu.sem_alloc : memref<!tpu.dma_semaphore, #tpu.memory_space<semaphore_mem>>
      %dma_start3A_62 = arith.constant 0 : i32
      %dma_start3A_63 = arith.constant 0 : i32
      %dma_start3A_64 = tpu.memref_slice %arg4[%arg1, %dma_start3A_62, %dma_start3A_63] : memref<16x160x128xi32, #tpu.memory_space<hbm>> -> memref<1x160x128xi32, #tpu.memory_space<hbm>>
      %dma_start3A_65 = tpu.memref_squeeze %dma_start3A_64 : memref<1x160x128xi32, #tpu.memory_space<hbm>> -> memref<160x128xi32, #tpu.memory_space<hbm>>
      %dma_start3A_66 = arith.constant 0 : i32
      %dma_start3A_67 = arith.constant 0 : i32
      %dma_start3A_68 = tpu.memref_slice %arg4[%arg1, %dma_start3A_66, %dma_start3A_67] : memref<16x160x128xi32, #tpu.memory_space<hbm>> -> memref<1x160x128xi32, #tpu.memory_space<hbm>>
      %dma_start3A_69 = tpu.memref_squeeze %dma_start3A_68 : memref<1x160x128xi32, #tpu.memory_space<hbm>> -> memref<160x128xi32, #tpu.memory_space<hbm>>
      tpu.enqueue_dma source(%dma_start3A_69 : memref<160x128xi32, #tpu.memory_space<hbm>>) target(%arg8 : memref<160x128xi32, #tpu.memory_space<vmem>>) target_semaphore(%run_scoped3A : memref<!tpu.dma_semaphore, #tpu.memory_space<semaphore_mem>>)
      %dma_wait3A_70 = arith.constant 0 : i32
      %dma_wait3A_71 = arith.constant 0 : i32
      %dma_wait3A_72 = tpu.memref_slice %arg4[%arg1, %dma_wait3A_70, %dma_wait3A_71] : memref<16x160x128xi32, #tpu.memory_space<hbm>> -> memref<1x160x128xi32, #tpu.memory_space<hbm>>
      %dma_wait3A_73 = tpu.memref_squeeze %dma_wait3A_72 : memref<1x160x128xi32, #tpu.memory_space<hbm>> -> memref<160x128xi32, #tpu.memory_space<hbm>>
      %dma_wait3A_74 = arith.constant 0 : i32
      %dma_wait3A_75 = arith.constant 0 : i32
      %dma_wait3A_76 = tpu.memref_slice %arg4[%arg1, %dma_wait3A_74, %dma_wait3A_75] : memref<16x160x128xi32, #tpu.memory_space<hbm>> -> memref<1x160x128xi32, #tpu.memory_space<hbm>>
      %dma_wait3A_77 = tpu.memref_squeeze %dma_wait3A_76 : memref<1x160x128xi32, #tpu.memory_space<hbm>> -> memref<160x128xi32, #tpu.memory_space<hbm>>
      tpu.wait_dma2 semaphore(%run_scoped3A : memref<!tpu.dma_semaphore, #tpu.memory_space<semaphore_mem>>) src(%dma_wait3A_77 : memref<160x128xi32, #tpu.memory_space<hbm>>) dst(%arg8 : memref<160x128xi32, #tpu.memory_space<vmem>>)
      tpu.yield
    }) : () -> ()
    %mul3A = arith.constant 640 : i32
    %mul3A_0 = arith.muli %arg1, %mul3A : i32
    "tpu.region"() ({
      %run_scoped3A = tpu.sem_alloc : memref<!tpu.dma_semaphore, #tpu.memory_space<semaphore_mem>>
      %dma_start3A_62 = arith.constant 0 : i32
      %dma_start3A_63 = tpu.memref_slice %arg10[%mul3A_0, %dma_start3A_62] : memref<10240x64xf32, #tpu.memory_space<vmem_shared>> -> memref<640x64xf32, #tpu.memory_space<vmem_shared>>
      %dma_start3A_64 = arith.constant 0 : i32
      %dma_start3A_65 = tpu.memref_slice %arg5[%mul3A_0, %dma_start3A_64] : memref<10240x64xf32, #tpu.memory_space<hbm>> -> memref<640x64xf32, #tpu.memory_space<hbm>>
      tpu.enqueue_dma source(%dma_start3A_65 : memref<640x64xf32, #tpu.memory_space<hbm>>) target(%dma_start3A_63 : memref<640x64xf32, #tpu.memory_space<vmem_shared>>) target_semaphore(%run_scoped3A : memref<!tpu.dma_semaphore, #tpu.memory_space<semaphore_mem>>)
      %dma_wait3A_66 = arith.constant 0 : i32
      %dma_wait3A_67 = tpu.memref_slice %arg10[%mul3A_0, %dma_wait3A_66] : memref<10240x64xf32, #tpu.memory_space<vmem_shared>> -> memref<640x64xf32, #tpu.memory_space<vmem_shared>>
      %dma_wait3A_68 = arith.constant 0 : i32
      %dma_wait3A_69 = tpu.memref_slice %arg5[%mul3A_0, %dma_wait3A_68] : memref<10240x64xf32, #tpu.memory_space<hbm>> -> memref<640x64xf32, #tpu.memory_space<hbm>>
      tpu.wait_dma2 semaphore(%run_scoped3A : memref<!tpu.dma_semaphore, #tpu.memory_space<semaphore_mem>>) src(%dma_wait3A_69 : memref<640x64xf32, #tpu.memory_space<hbm>>) dst(%dma_wait3A_67 : memref<640x64xf32, #tpu.memory_space<vmem_shared>>)
      tpu.yield
    }) : () -> ()
    %barrier3A = arith.constant 0 : index
    tpu.barrier barrier_id(%barrier3A)
    %dma_start3A = arith.constant 0 : i32
    %dma_start3A_1 = arith.constant 0 : i32
    %dma_start3A_2 = arith.constant 0 : i32
    %dma_start3A_3 = arith.constant 0 : i32
    %dma_start3A_4 = tpu.memref_slice %arg9[%dma_start3A_1, %dma_start3A_2, %dma_start3A_3] : memref<4x128x64xf32, #tpu.memory_space<vmem>> -> memref<1x128x64xf32, #tpu.memory_space<vmem>>
    %dma_start3A_5 = tpu.memref_squeeze %dma_start3A_4 : memref<1x128x64xf32, #tpu.memory_space<vmem>> -> memref<128x64xf32, #tpu.memory_space<vmem>>
    %dma_start3A_6 = arith.constant 0 : i32
    %dma_start3A_7 = tpu.memref_slice %arg7[%dma_start3A, %dma_start3A_6] : memref<160x128xi32, #tpu.memory_space<vmem>> -> memref<1x128xi32, #tpu.memory_space<vmem>>
    %dma_start3A_8 = tpu.memref_squeeze %dma_start3A_7 : memref<1x128xi32, #tpu.memory_space<vmem>> -> memref<128xi32, #tpu.memory_space<vmem>>
    %dma_start3A_9 = arith.constant 0 : i32
    %dma_start3A_10 = arith.constant 0 : i32
    %dma_start3A_11 = tpu.memref_slice %arg2[%dma_start3A_9, %dma_start3A_10] : memref<20000x64xf32, #tpu.memory_space<hbm>> -> memref<20000x64xf32, #tpu.memory_space<hbm>>
    tpu.enqueue_indirect_dma source(%dma_start3A_11 : memref<20000x64xf32, #tpu.memory_space<hbm>>) target(%dma_start3A_5 : memref<128x64xf32, #tpu.memory_space<vmem>>) offsets(%dma_start3A_8 : memref<128xi32, #tpu.memory_space<vmem>>) semaphore(%arg11 : memref<!tpu.dma_semaphore, #tpu.memory_space<semaphore_mem>>)
    %dma_start3A_12 = arith.constant 1 : i32
    %dma_start3A_13 = arith.constant 1 : i32
    %dma_start3A_14 = arith.constant 0 : i32
    %dma_start3A_15 = arith.constant 0 : i32
    %dma_start3A_16 = tpu.memref_slice %arg9[%dma_start3A_13, %dma_start3A_14, %dma_start3A_15] : memref<4x128x64xf32, #tpu.memory_space<vmem>> -> memref<1x128x64xf32, #tpu.memory_space<vmem>>
    %dma_start3A_17 = tpu.memref_squeeze %dma_start3A_16 : memref<1x128x64xf32, #tpu.memory_space<vmem>> -> memref<128x64xf32, #tpu.memory_space<vmem>>
    %dma_start3A_18 = arith.constant 0 : i32
    %dma_start3A_19 = tpu.memref_slice %arg7[%dma_start3A_12, %dma_start3A_18] : memref<160x128xi32, #tpu.memory_space<vmem>> -> memref<1x128xi32, #tpu.memory_space<vmem>>
    %dma_start3A_20 = tpu.memref_squeeze %dma_start3A_19 : memref<1x128xi32, #tpu.memory_space<vmem>> -> memref<128xi32, #tpu.memory_space<vmem>>
    %dma_start3A_21 = arith.constant 0 : i32
    %dma_start3A_22 = arith.constant 0 : i32
    %dma_start3A_23 = tpu.memref_slice %arg2[%dma_start3A_21, %dma_start3A_22] : memref<20000x64xf32, #tpu.memory_space<hbm>> -> memref<20000x64xf32, #tpu.memory_space<hbm>>
    tpu.enqueue_indirect_dma source(%dma_start3A_23 : memref<20000x64xf32, #tpu.memory_space<hbm>>) target(%dma_start3A_17 : memref<128x64xf32, #tpu.memory_space<vmem>>) offsets(%dma_start3A_20 : memref<128xi32, #tpu.memory_space<vmem>>) semaphore(%arg12 : memref<!tpu.dma_semaphore, #tpu.memory_space<semaphore_mem>>)
    %scan3A = arith.constant 0 : i32
    %scan3A_24 = arith.constant 0 : i32
    %scan3A_25 = arith.constant 40 : i32
    %scan3A_26 = arith.addi %scan3A_24, %scan3A_25 : i32
    %scan3A_27 = arith.constant 1 : i32
    scf.for %scan3A_62 = %scan3A_24 to %scan3A_26 step %scan3A_27  : i32 {
      %mul3A_63 = arith.constant 4 : i32
      %mul3A_64 = arith.muli %mul3A_63, %scan3A_62 : i32
      %add3A_65 = arith.constant 0 : i32
      %add3A_66 = arith.addi %mul3A_64, %add3A_65 : i32
      %ge3A = arith.constant 2 : i32
      %ge3A_67 = arith.cmpi sge, %add3A_66, %ge3A : i32
      %convert_element_type3A = arith.extui %ge3A_67 : i1 to i32
      %cond3A = arith.constant 0 : i32
      %cond3A_68 = arith.cmpi ne, %convert_element_type3A, %cond3A : i32
      scf.if %cond3A_68 {
        %sub3A = arith.constant 2 : i32
        %sub3A_211 = arith.subi %add3A_66, %sub3A : i32
        %dma_wait3A_212 = arith.constant 2 : i32
        %dma_wait3A_213 = arith.constant 0 : i32
        %dma_wait3A_214 = arith.constant 0 : i32
        %dma_wait3A_215 = tpu.memref_slice %arg9[%dma_wait3A_212, %dma_wait3A_213, %dma_wait3A_214] : memref<4x128x64xf32, #tpu.memory_space<vmem>> -> memref<1x128x64xf32, #tpu.memory_space<vmem>>
        %dma_wait3A_216 = tpu.memref_squeeze %dma_wait3A_215 : memref<1x128x64xf32, #tpu.memory_space<vmem>> -> memref<128x64xf32, #tpu.memory_space<vmem>>
        %dma_wait3A_217 = arith.constant 0 : i32
        %dma_wait3A_218 = tpu.memref_slice %arg8[%sub3A_211, %dma_wait3A_217] : memref<160x128xi32, #tpu.memory_space<vmem>> -> memref<1x128xi32, #tpu.memory_space<vmem>>
        %dma_wait3A_219 = tpu.memref_squeeze %dma_wait3A_218 : memref<1x128xi32, #tpu.memory_space<vmem>> -> memref<128xi32, #tpu.memory_space<vmem>>
        %dma_wait3A_220 = arith.constant 0 : i32
        %dma_wait3A_221 = arith.constant 0 : i32
        %dma_wait3A_222 = tpu.memref_slice %arg10[%dma_wait3A_220, %dma_wait3A_221] : memref<10240x64xf32, #tpu.memory_space<vmem_shared>> -> memref<10240x64xf32, #tpu.memory_space<vmem_shared>>
        tpu.wait_indirect_dma semaphore(%arg17 : memref<!tpu.dma_semaphore, #tpu.memory_space<semaphore_mem>>) src(%dma_wait3A_216 : memref<128x64xf32, #tpu.memory_space<vmem>>) dst(%dma_wait3A_222 : memref<10240x64xf32, #tpu.memory_space<vmem_shared>>)
      } else {
      }
      %add3A_69 = arith.constant 2 : i32
      %add3A_70 = arith.addi %add3A_66, %add3A_69 : i32
      %lt3A = arith.constant 160 : i32
      %lt3A_71 = arith.cmpi slt, %add3A_70, %lt3A : i32
      %convert_element_type3A_72 = arith.extui %lt3A_71 : i1 to i32
      %cond3A_73 = arith.constant 0 : i32
      %cond3A_74 = arith.cmpi ne, %convert_element_type3A_72, %cond3A_73 : i32
      scf.if %cond3A_74 {
        %add3A_211 = arith.constant 2 : i32
        %add3A_212 = arith.addi %add3A_66, %add3A_211 : i32
        %dma_start3A_213 = arith.constant 2 : i32
        %dma_start3A_214 = arith.constant 0 : i32
        %dma_start3A_215 = arith.constant 0 : i32
        %dma_start3A_216 = tpu.memref_slice %arg9[%dma_start3A_213, %dma_start3A_214, %dma_start3A_215] : memref<4x128x64xf32, #tpu.memory_space<vmem>> -> memref<1x128x64xf32, #tpu.memory_space<vmem>>
        %dma_start3A_217 = tpu.memref_squeeze %dma_start3A_216 : memref<1x128x64xf32, #tpu.memory_space<vmem>> -> memref<128x64xf32, #tpu.memory_space<vmem>>
        %dma_start3A_218 = arith.constant 0 : i32
        %dma_start3A_219 = tpu.memref_slice %arg7[%add3A_212, %dma_start3A_218] : memref<160x128xi32, #tpu.memory_space<vmem>> -> memref<1x128xi32, #tpu.memory_space<vmem>>
        %dma_start3A_220 = tpu.memref_squeeze %dma_start3A_219 : memref<1x128xi32, #tpu.memory_space<vmem>> -> memref<128xi32, #tpu.memory_space<vmem>>
        %dma_start3A_221 = arith.constant 0 : i32
        %dma_start3A_222 = arith.constant 0 : i32
        %dma_start3A_223 = tpu.memref_slice %arg2[%dma_start3A_221, %dma_start3A_222] : memref<20000x64xf32, #tpu.memory_space<hbm>> -> memref<20000x64xf32, #tpu.memory_space<hbm>>
        tpu.enqueue_indirect_dma source(%dma_start3A_223 : memref<20000x64xf32, #tpu.memory_space<hbm>>) target(%dma_start3A_217 : memref<128x64xf32, #tpu.memory_space<vmem>>) offsets(%dma_start3A_220 : memref<128xi32, #tpu.memory_space<vmem>>) semaphore(%arg13 : memref<!tpu.dma_semaphore, #tpu.memory_space<semaphore_mem>>)
      } else {
      }
      %dma_wait3A_75 = arith.constant 0 : i32
      %dma_wait3A_76 = arith.constant 0 : i32
      %dma_wait3A_77 = arith.constant 0 : i32
      %dma_wait3A_78 = tpu.memref_slice %arg9[%dma_wait3A_75, %dma_wait3A_76, %dma_wait3A_77] : memref<4x128x64xf32, #tpu.memory_space<vmem>> -> memref<1x128x64xf32, #tpu.memory_space<vmem>>
      %dma_wait3A_79 = tpu.memref_squeeze %dma_wait3A_78 : memref<1x128x64xf32, #tpu.memory_space<vmem>> -> memref<128x64xf32, #tpu.memory_space<vmem>>
      %dma_wait3A_80 = arith.constant 0 : i32
      %dma_wait3A_81 = tpu.memref_slice %arg7[%add3A_66, %dma_wait3A_80] : memref<160x128xi32, #tpu.memory_space<vmem>> -> memref<1x128xi32, #tpu.memory_space<vmem>>
      %dma_wait3A_82 = tpu.memref_squeeze %dma_wait3A_81 : memref<1x128xi32, #tpu.memory_space<vmem>> -> memref<128xi32, #tpu.memory_space<vmem>>
      %dma_wait3A_83 = arith.constant 0 : i32
      %dma_wait3A_84 = arith.constant 0 : i32
      %dma_wait3A_85 = tpu.memref_slice %arg2[%dma_wait3A_83, %dma_wait3A_84] : memref<20000x64xf32, #tpu.memory_space<hbm>> -> memref<20000x64xf32, #tpu.memory_space<hbm>>
      tpu.wait_indirect_dma semaphore(%arg11 : memref<!tpu.dma_semaphore, #tpu.memory_space<semaphore_mem>>) src(%dma_wait3A_85 : memref<20000x64xf32, #tpu.memory_space<hbm>>) dst(%dma_wait3A_79 : memref<128x64xf32, #tpu.memory_space<vmem>>)
      %dma_start3A_86 = arith.constant 0 : i32
      %dma_start3A_87 = arith.constant 0 : i32
      %dma_start3A_88 = arith.constant 0 : i32
      %dma_start3A_89 = tpu.memref_slice %arg9[%dma_start3A_86, %dma_start3A_87, %dma_start3A_88] : memref<4x128x64xf32, #tpu.memory_space<vmem>> -> memref<1x128x64xf32, #tpu.memory_space<vmem>>
      %dma_start3A_90 = tpu.memref_squeeze %dma_start3A_89 : memref<1x128x64xf32, #tpu.memory_space<vmem>> -> memref<128x64xf32, #tpu.memory_space<vmem>>
      %dma_start3A_91 = arith.constant 0 : i32
      %dma_start3A_92 = tpu.memref_slice %arg8[%add3A_66, %dma_start3A_91] : memref<160x128xi32, #tpu.memory_space<vmem>> -> memref<1x128xi32, #tpu.memory_space<vmem>>
      %dma_start3A_93 = tpu.memref_squeeze %dma_start3A_92 : memref<1x128xi32, #tpu.memory_space<vmem>> -> memref<128xi32, #tpu.memory_space<vmem>>
      %dma_start3A_94 = arith.constant 0 : i32
      %dma_start3A_95 = arith.constant 0 : i32
      %dma_start3A_96 = tpu.memref_slice %arg10[%dma_start3A_94, %dma_start3A_95] : memref<10240x64xf32, #tpu.memory_space<vmem_shared>> -> memref<10240x64xf32, #tpu.memory_space<vmem_shared>>
      tpu.enqueue_indirect_dma source(%dma_start3A_90 : memref<128x64xf32, #tpu.memory_space<vmem>>) target(%dma_start3A_96 : memref<10240x64xf32, #tpu.memory_space<vmem_shared>>) offsets(%dma_start3A_93 : memref<128xi32, #tpu.memory_space<vmem>>) semaphore(%arg15 : memref<!tpu.dma_semaphore, #tpu.memory_space<semaphore_mem>>) {add = true}
      %mul3A_97 = arith.constant 4 : i32
      %mul3A_98 = arith.muli %mul3A_97, %scan3A_62 : i32
      %add3A_99 = arith.constant 1 : i32
      %add3A_100 = arith.addi %mul3A_98, %add3A_99 : i32
      %ge3A_101 = arith.constant 2 : i32
      %ge3A_102 = arith.cmpi sge, %add3A_100, %ge3A_101 : i32
      %convert_element_type3A_103 = arith.extui %ge3A_102 : i1 to i32
      %cond3A_104 = arith.constant 0 : i32
      %cond3A_105 = arith.cmpi ne, %convert_element_type3A_103, %cond3A_104 : i32
      scf.if %cond3A_105 {
        %sub3A = arith.constant 2 : i32
        %sub3A_211 = arith.subi %add3A_100, %sub3A : i32
        %dma_wait3A_212 = arith.constant 3 : i32
        %dma_wait3A_213 = arith.constant 0 : i32
        %dma_wait3A_214 = arith.constant 0 : i32
        %dma_wait3A_215 = tpu.memref_slice %arg9[%dma_wait3A_212, %dma_wait3A_213, %dma_wait3A_214] : memref<4x128x64xf32, #tpu.memory_space<vmem>> -> memref<1x128x64xf32, #tpu.memory_space<vmem>>
        %dma_wait3A_216 = tpu.memref_squeeze %dma_wait3A_215 : memref<1x128x64xf32, #tpu.memory_space<vmem>> -> memref<128x64xf32, #tpu.memory_space<vmem>>
        %dma_wait3A_217 = arith.constant 0 : i32
        %dma_wait3A_218 = tpu.memref_slice %arg8[%sub3A_211, %dma_wait3A_217] : memref<160x128xi32, #tpu.memory_space<vmem>> -> memref<1x128xi32, #tpu.memory_space<vmem>>
        %dma_wait3A_219 = tpu.memref_squeeze %dma_wait3A_218 : memref<1x128xi32, #tpu.memory_space<vmem>> -> memref<128xi32, #tpu.memory_space<vmem>>
        %dma_wait3A_220 = arith.constant 0 : i32
        %dma_wait3A_221 = arith.constant 0 : i32
        %dma_wait3A_222 = tpu.memref_slice %arg10[%dma_wait3A_220, %dma_wait3A_221] : memref<10240x64xf32, #tpu.memory_space<vmem_shared>> -> memref<10240x64xf32, #tpu.memory_space<vmem_shared>>
        tpu.wait_indirect_dma semaphore(%arg18 : memref<!tpu.dma_semaphore, #tpu.memory_space<semaphore_mem>>) src(%dma_wait3A_216 : memref<128x64xf32, #tpu.memory_space<vmem>>) dst(%dma_wait3A_222 : memref<10240x64xf32, #tpu.memory_space<vmem_shared>>)
      } else {
      }
      %add3A_106 = arith.constant 2 : i32
      %add3A_107 = arith.addi %add3A_100, %add3A_106 : i32
      %lt3A_108 = arith.constant 160 : i32
      %lt3A_109 = arith.cmpi slt, %add3A_107, %lt3A_108 : i32
      %convert_element_type3A_110 = arith.extui %lt3A_109 : i1 to i32
      %cond3A_111 = arith.constant 0 : i32
      %cond3A_112 = arith.cmpi ne, %convert_element_type3A_110, %cond3A_111 : i32
      scf.if %cond3A_112 {
        %add3A_211 = arith.constant 2 : i32
        %add3A_212 = arith.addi %add3A_100, %add3A_211 : i32
        %dma_start3A_213 = arith.constant 3 : i32
        %dma_start3A_214 = arith.constant 0 : i32
        %dma_start3A_215 = arith.constant 0 : i32
        %dma_start3A_216 = tpu.memref_slice %arg9[%dma_start3A_213, %dma_start3A_214, %dma_start3A_215] : memref<4x128x64xf32, #tpu.memory_space<vmem>> -> memref<1x128x64xf32, #tpu.memory_space<vmem>>
        %dma_start3A_217 = tpu.memref_squeeze %dma_start3A_216 : memref<1x128x64xf32, #tpu.memory_space<vmem>> -> memref<128x64xf32, #tpu.memory_space<vmem>>
        %dma_start3A_218 = arith.constant 0 : i32
        %dma_start3A_219 = tpu.memref_slice %arg7[%add3A_212, %dma_start3A_218] : memref<160x128xi32, #tpu.memory_space<vmem>> -> memref<1x128xi32, #tpu.memory_space<vmem>>
        %dma_start3A_220 = tpu.memref_squeeze %dma_start3A_219 : memref<1x128xi32, #tpu.memory_space<vmem>> -> memref<128xi32, #tpu.memory_space<vmem>>
        %dma_start3A_221 = arith.constant 0 : i32
        %dma_start3A_222 = arith.constant 0 : i32
        %dma_start3A_223 = tpu.memref_slice %arg2[%dma_start3A_221, %dma_start3A_222] : memref<20000x64xf32, #tpu.memory_space<hbm>> -> memref<20000x64xf32, #tpu.memory_space<hbm>>
        tpu.enqueue_indirect_dma source(%dma_start3A_223 : memref<20000x64xf32, #tpu.memory_space<hbm>>) target(%dma_start3A_217 : memref<128x64xf32, #tpu.memory_space<vmem>>) offsets(%dma_start3A_220 : memref<128xi32, #tpu.memory_space<vmem>>) semaphore(%arg14 : memref<!tpu.dma_semaphore, #tpu.memory_space<semaphore_mem>>)
      } else {
      }
      %dma_wait3A_113 = arith.constant 1 : i32
      %dma_wait3A_114 = arith.constant 0 : i32
      %dma_wait3A_115 = arith.constant 0 : i32
      %dma_wait3A_116 = tpu.memref_slice %arg9[%dma_wait3A_113, %dma_wait3A_114, %dma_wait3A_115] : memref<4x128x64xf32, #tpu.memory_space<vmem>> -> memref<1x128x64xf32, #tpu.memory_space<vmem>>
      %dma_wait3A_117 = tpu.memref_squeeze %dma_wait3A_116 : memref<1x128x64xf32, #tpu.memory_space<vmem>> -> memref<128x64xf32, #tpu.memory_space<vmem>>
      %dma_wait3A_118 = arith.constant 0 : i32
      %dma_wait3A_119 = tpu.memref_slice %arg7[%add3A_100, %dma_wait3A_118] : memref<160x128xi32, #tpu.memory_space<vmem>> -> memref<1x128xi32, #tpu.memory_space<vmem>>
      %dma_wait3A_120 = tpu.memref_squeeze %dma_wait3A_119 : memref<1x128xi32, #tpu.memory_space<vmem>> -> memref<128xi32, #tpu.memory_space<vmem>>
      %dma_wait3A_121 = arith.constant 0 : i32
      %dma_wait3A_122 = arith.constant 0 : i32
      %dma_wait3A_123 = tpu.memref_slice %arg2[%dma_wait3A_121, %dma_wait3A_122] : memref<20000x64xf32, #tpu.memory_space<hbm>> -> memref<20000x64xf32, #tpu.memory_space<hbm>>
      tpu.wait_indirect_dma semaphore(%arg12 : memref<!tpu.dma_semaphore, #tpu.memory_space<semaphore_mem>>) src(%dma_wait3A_123 : memref<20000x64xf32, #tpu.memory_space<hbm>>) dst(%dma_wait3A_117 : memref<128x64xf32, #tpu.memory_space<vmem>>)
      %dma_start3A_124 = arith.constant 1 : i32
      %dma_start3A_125 = arith.constant 0 : i32
      %dma_start3A_126 = arith.constant 0 : i32
      %dma_start3A_127 = tpu.memref_slice %arg9[%dma_start3A_124, %dma_start3A_125, %dma_start3A_126] : memref<4x128x64xf32, #tpu.memory_space<vmem>> -> memref<1x128x64xf32, #tpu.memory_space<vmem>>
      %dma_start3A_128 = tpu.memref_squeeze %dma_start3A_127 : memref<1x128x64xf32, #tpu.memory_space<vmem>> -> memref<128x64xf32, #tpu.memory_space<vmem>>
      %dma_start3A_129 = arith.constant 0 : i32
      %dma_start3A_130 = tpu.memref_slice %arg8[%add3A_100, %dma_start3A_129] : memref<160x128xi32, #tpu.memory_space<vmem>> -> memref<1x128xi32, #tpu.memory_space<vmem>>
      %dma_start3A_131 = tpu.memref_squeeze %dma_start3A_130 : memref<1x128xi32, #tpu.memory_space<vmem>> -> memref<128xi32, #tpu.memory_space<vmem>>
      %dma_start3A_132 = arith.constant 0 : i32
      %dma_start3A_133 = arith.constant 0 : i32
      %dma_start3A_134 = tpu.memref_slice %arg10[%dma_start3A_132, %dma_start3A_133] : memref<10240x64xf32, #tpu.memory_space<vmem_shared>> -> memref<10240x64xf32, #tpu.memory_space<vmem_shared>>
      tpu.enqueue_indirect_dma source(%dma_start3A_128 : memref<128x64xf32, #tpu.memory_space<vmem>>) target(%dma_start3A_134 : memref<10240x64xf32, #tpu.memory_space<vmem_shared>>) offsets(%dma_start3A_131 : memref<128xi32, #tpu.memory_space<vmem>>) semaphore(%arg16 : memref<!tpu.dma_semaphore, #tpu.memory_space<semaphore_mem>>) {add = true}
      %mul3A_135 = arith.constant 4 : i32
      %mul3A_136 = arith.muli %mul3A_135, %scan3A_62 : i32
      %add3A_137 = arith.constant 2 : i32
      %add3A_138 = arith.addi %mul3A_136, %add3A_137 : i32
      %ge3A_139 = arith.constant 2 : i32
      %ge3A_140 = arith.cmpi sge, %add3A_138, %ge3A_139 : i32
      %convert_element_type3A_141 = arith.extui %ge3A_140 : i1 to i32
      %cond3A_142 = arith.constant 0 : i32
      %cond3A_143 = arith.cmpi ne, %convert_element_type3A_141, %cond3A_142 : i32
      scf.if %cond3A_143 {
        %sub3A = arith.constant 2 : i32
        %sub3A_211 = arith.subi %add3A_138, %sub3A : i32
        %dma_wait3A_212 = arith.constant 0 : i32
        %dma_wait3A_213 = arith.constant 0 : i32
        %dma_wait3A_214 = arith.constant 0 : i32
        %dma_wait3A_215 = tpu.memref_slice %arg9[%dma_wait3A_212, %dma_wait3A_213, %dma_wait3A_214] : memref<4x128x64xf32, #tpu.memory_space<vmem>> -> memref<1x128x64xf32, #tpu.memory_space<vmem>>
        %dma_wait3A_216 = tpu.memref_squeeze %dma_wait3A_215 : memref<1x128x64xf32, #tpu.memory_space<vmem>> -> memref<128x64xf32, #tpu.memory_space<vmem>>
        %dma_wait3A_217 = arith.constant 0 : i32
        %dma_wait3A_218 = tpu.memref_slice %arg8[%sub3A_211, %dma_wait3A_217] : memref<160x128xi32, #tpu.memory_space<vmem>> -> memref<1x128xi32, #tpu.memory_space<vmem>>
        %dma_wait3A_219 = tpu.memref_squeeze %dma_wait3A_218 : memref<1x128xi32, #tpu.memory_space<vmem>> -> memref<128xi32, #tpu.memory_space<vmem>>
        %dma_wait3A_220 = arith.constant 0 : i32
        %dma_wait3A_221 = arith.constant 0 : i32
        %dma_wait3A_222 = tpu.memref_slice %arg10[%dma_wait3A_220, %dma_wait3A_221] : memref<10240x64xf32, #tpu.memory_space<vmem_shared>> -> memref<10240x64xf32, #tpu.memory_space<vmem_shared>>
        tpu.wait_indirect_dma semaphore(%arg15 : memref<!tpu.dma_semaphore, #tpu.memory_space<semaphore_mem>>) src(%dma_wait3A_216 : memref<128x64xf32, #tpu.memory_space<vmem>>) dst(%dma_wait3A_222 : memref<10240x64xf32, #tpu.memory_space<vmem_shared>>)
      } else {
      }
      %add3A_144 = arith.constant 2 : i32
      %add3A_145 = arith.addi %add3A_138, %add3A_144 : i32
      %lt3A_146 = arith.constant 160 : i32
      %lt3A_147 = arith.cmpi slt, %add3A_145, %lt3A_146 : i32
      %convert_element_type3A_148 = arith.extui %lt3A_147 : i1 to i32
      %cond3A_149 = arith.constant 0 : i32
      %cond3A_150 = arith.cmpi ne, %convert_element_type3A_148, %cond3A_149 : i32
      scf.if %cond3A_150 {
        %add3A_211 = arith.constant 2 : i32
        %add3A_212 = arith.addi %add3A_138, %add3A_211 : i32
        %dma_start3A_213 = arith.constant 0 : i32
        %dma_start3A_214 = arith.constant 0 : i32
        %dma_start3A_215 = arith.constant 0 : i32
        %dma_start3A_216 = tpu.memref_slice %arg9[%dma_start3A_213, %dma_start3A_214, %dma_start3A_215] : memref<4x128x64xf32, #tpu.memory_space<vmem>> -> memref<1x128x64xf32, #tpu.memory_space<vmem>>
        %dma_start3A_217 = tpu.memref_squeeze %dma_start3A_216 : memref<1x128x64xf32, #tpu.memory_space<vmem>> -> memref<128x64xf32, #tpu.memory_space<vmem>>
        %dma_start3A_218 = arith.constant 0 : i32
        %dma_start3A_219 = tpu.memref_slice %arg7[%add3A_212, %dma_start3A_218] : memref<160x128xi32, #tpu.memory_space<vmem>> -> memref<1x128xi32, #tpu.memory_space<vmem>>
        %dma_start3A_220 = tpu.memref_squeeze %dma_start3A_219 : memref<1x128xi32, #tpu.memory_space<vmem>> -> memref<128xi32, #tpu.memory_space<vmem>>
        %dma_start3A_221 = arith.constant 0 : i32
        %dma_start3A_222 = arith.constant 0 : i32
        %dma_start3A_223 = tpu.memref_slice %arg2[%dma_start3A_221, %dma_start3A_222] : memref<20000x64xf32, #tpu.memory_space<hbm>> -> memref<20000x64xf32, #tpu.memory_space<hbm>>
        tpu.enqueue_indirect_dma source(%dma_start3A_223 : memref<20000x64xf32, #tpu.memory_space<hbm>>) target(%dma_start3A_217 : memref<128x64xf32, #tpu.memory_space<vmem>>) offsets(%dma_start3A_220 : memref<128xi32, #tpu.memory_space<vmem>>) semaphore(%arg11 : memref<!tpu.dma_semaphore, #tpu.memory_space<semaphore_mem>>)
      } else {
      }
      %dma_wait3A_151 = arith.constant 2 : i32
      %dma_wait3A_152 = arith.constant 0 : i32
      %dma_wait3A_153 = arith.constant 0 : i32
      %dma_wait3A_154 = tpu.memref_slice %arg9[%dma_wait3A_151, %dma_wait3A_152, %dma_wait3A_153] : memref<4x128x64xf32, #tpu.memory_space<vmem>> -> memref<1x128x64xf32, #tpu.memory_space<vmem>>
      %dma_wait3A_155 = tpu.memref_squeeze %dma_wait3A_154 : memref<1x128x64xf32, #tpu.memory_space<vmem>> -> memref<128x64xf32, #tpu.memory_space<vmem>>
      %dma_wait3A_156 = arith.constant 0 : i32
      %dma_wait3A_157 = tpu.memref_slice %arg7[%add3A_138, %dma_wait3A_156] : memref<160x128xi32, #tpu.memory_space<vmem>> -> memref<1x128xi32, #tpu.memory_space<vmem>>
      %dma_wait3A_158 = tpu.memref_squeeze %dma_wait3A_157 : memref<1x128xi32, #tpu.memory_space<vmem>> -> memref<128xi32, #tpu.memory_space<vmem>>
      %dma_wait3A_159 = arith.constant 0 : i32
      %dma_wait3A_160 = arith.constant 0 : i32
      %dma_wait3A_161 = tpu.memref_slice %arg2[%dma_wait3A_159, %dma_wait3A_160] : memref<20000x64xf32, #tpu.memory_space<hbm>> -> memref<20000x64xf32, #tpu.memory_space<hbm>>
      tpu.wait_indirect_dma semaphore(%arg13 : memref<!tpu.dma_semaphore, #tpu.memory_space<semaphore_mem>>) src(%dma_wait3A_161 : memref<20000x64xf32, #tpu.memory_space<hbm>>) dst(%dma_wait3A_155 : memref<128x64xf32, #tpu.memory_space<vmem>>)
      %dma_start3A_162 = arith.constant 2 : i32
      %dma_start3A_163 = arith.constant 0 : i32
      %dma_start3A_164 = arith.constant 0 : i32
      %dma_start3A_165 = tpu.memref_slice %arg9[%dma_start3A_162, %dma_start3A_163, %dma_start3A_164] : memref<4x128x64xf32, #tpu.memory_space<vmem>> -> memref<1x128x64xf32, #tpu.memory_space<vmem>>
      %dma_start3A_166 = tpu.memref_squeeze %dma_start3A_165 : memref<1x128x64xf32, #tpu.memory_space<vmem>> -> memref<128x64xf32, #tpu.memory_space<vmem>>
      %dma_start3A_167 = arith.constant 0 : i32
      %dma_start3A_168 = tpu.memref_slice %arg8[%add3A_138, %dma_start3A_167] : memref<160x128xi32, #tpu.memory_space<vmem>> -> memref<1x128xi32, #tpu.memory_space<vmem>>
      %dma_start3A_169 = tpu.memref_squeeze %dma_start3A_168 : memref<1x128xi32, #tpu.memory_space<vmem>> -> memref<128xi32, #tpu.memory_space<vmem>>
      %dma_start3A_170 = arith.constant 0 : i32
      %dma_start3A_171 = arith.constant 0 : i32
      %dma_start3A_172 = tpu.memref_slice %arg10[%dma_start3A_170, %dma_start3A_171] : memref<10240x64xf32, #tpu.memory_space<vmem_shared>> -> memref<10240x64xf32, #tpu.memory_space<vmem_shared>>
      tpu.enqueue_indirect_dma source(%dma_start3A_166 : memref<128x64xf32, #tpu.memory_space<vmem>>) target(%dma_start3A_172 : memref<10240x64xf32, #tpu.memory_space<vmem_shared>>) offsets(%dma_start3A_169 : memref<128xi32, #tpu.memory_space<vmem>>) semaphore(%arg17 : memref<!tpu.dma_semaphore, #tpu.memory_space<semaphore_mem>>) {add = true}
      %mul3A_173 = arith.constant 4 : i32
      %mul3A_174 = arith.muli %mul3A_173, %scan3A_62 : i32
      %add3A_175 = arith.constant 3 : i32
      %add3A_176 = arith.addi %mul3A_174, %add3A_175 : i32
      %ge3A_177 = arith.constant 2 : i32
      %ge3A_178 = arith.cmpi sge, %add3A_176, %ge3A_177 : i32
      %convert_element_type3A_179 = arith.extui %ge3A_178 : i1 to i32
      %cond3A_180 = arith.constant 0 : i32
      %cond3A_181 = arith.cmpi ne, %convert_element_type3A_179, %cond3A_180 : i32
      scf.if %cond3A_181 {
        %sub3A = arith.constant 2 : i32
        %sub3A_211 = arith.subi %add3A_176, %sub3A : i32
        %dma_wait3A_212 = arith.constant 1 : i32
        %dma_wait3A_213 = arith.constant 0 : i32
        %dma_wait3A_214 = arith.constant 0 : i32
        %dma_wait3A_215 = tpu.memref_slice %arg9[%dma_wait3A_212, %dma_wait3A_213, %dma_wait3A_214] : memref<4x128x64xf32, #tpu.memory_space<vmem>> -> memref<1x128x64xf32, #tpu.memory_space<vmem>>
        %dma_wait3A_216 = tpu.memref_squeeze %dma_wait3A_215 : memref<1x128x64xf32, #tpu.memory_space<vmem>> -> memref<128x64xf32, #tpu.memory_space<vmem>>
        %dma_wait3A_217 = arith.constant 0 : i32
        %dma_wait3A_218 = tpu.memref_slice %arg8[%sub3A_211, %dma_wait3A_217] : memref<160x128xi32, #tpu.memory_space<vmem>> -> memref<1x128xi32, #tpu.memory_space<vmem>>
        %dma_wait3A_219 = tpu.memref_squeeze %dma_wait3A_218 : memref<1x128xi32, #tpu.memory_space<vmem>> -> memref<128xi32, #tpu.memory_space<vmem>>
        %dma_wait3A_220 = arith.constant 0 : i32
        %dma_wait3A_221 = arith.constant 0 : i32
        %dma_wait3A_222 = tpu.memref_slice %arg10[%dma_wait3A_220, %dma_wait3A_221] : memref<10240x64xf32, #tpu.memory_space<vmem_shared>> -> memref<10240x64xf32, #tpu.memory_space<vmem_shared>>
        tpu.wait_indirect_dma semaphore(%arg16 : memref<!tpu.dma_semaphore, #tpu.memory_space<semaphore_mem>>) src(%dma_wait3A_216 : memref<128x64xf32, #tpu.memory_space<vmem>>) dst(%dma_wait3A_222 : memref<10240x64xf32, #tpu.memory_space<vmem_shared>>)
      } else {
      }
      %add3A_182 = arith.constant 2 : i32
      %add3A_183 = arith.addi %add3A_176, %add3A_182 : i32
      %lt3A_184 = arith.constant 160 : i32
      %lt3A_185 = arith.cmpi slt, %add3A_183, %lt3A_184 : i32
      %convert_element_type3A_186 = arith.extui %lt3A_185 : i1 to i32
      %cond3A_187 = arith.constant 0 : i32
      %cond3A_188 = arith.cmpi ne, %convert_element_type3A_186, %cond3A_187 : i32
      scf.if %cond3A_188 {
        %add3A_211 = arith.constant 2 : i32
        %add3A_212 = arith.addi %add3A_176, %add3A_211 : i32
        %dma_start3A_213 = arith.constant 1 : i32
        %dma_start3A_214 = arith.constant 0 : i32
        %dma_start3A_215 = arith.constant 0 : i32
        %dma_start3A_216 = tpu.memref_slice %arg9[%dma_start3A_213, %dma_start3A_214, %dma_start3A_215] : memref<4x128x64xf32, #tpu.memory_space<vmem>> -> memref<1x128x64xf32, #tpu.memory_space<vmem>>
        %dma_start3A_217 = tpu.memref_squeeze %dma_start3A_216 : memref<1x128x64xf32, #tpu.memory_space<vmem>> -> memref<128x64xf32, #tpu.memory_space<vmem>>
        %dma_start3A_218 = arith.constant 0 : i32
        %dma_start3A_219 = tpu.memref_slice %arg7[%add3A_212, %dma_start3A_218] : memref<160x128xi32, #tpu.memory_space<vmem>> -> memref<1x128xi32, #tpu.memory_space<vmem>>
        %dma_start3A_220 = tpu.memref_squeeze %dma_start3A_219 : memref<1x128xi32, #tpu.memory_space<vmem>> -> memref<128xi32, #tpu.memory_space<vmem>>
        %dma_start3A_221 = arith.constant 0 : i32
        %dma_start3A_222 = arith.constant 0 : i32
        %dma_start3A_223 = tpu.memref_slice %arg2[%dma_start3A_221, %dma_start3A_222] : memref<20000x64xf32, #tpu.memory_space<hbm>> -> memref<20000x64xf32, #tpu.memory_space<hbm>>
        tpu.enqueue_indirect_dma source(%dma_start3A_223 : memref<20000x64xf32, #tpu.memory_space<hbm>>) target(%dma_start3A_217 : memref<128x64xf32, #tpu.memory_space<vmem>>) offsets(%dma_start3A_220 : memref<128xi32, #tpu.memory_space<vmem>>) semaphore(%arg12 : memref<!tpu.dma_semaphore, #tpu.memory_space<semaphore_mem>>)
      } else {
      }
      %dma_wait3A_189 = arith.constant 3 : i32
      %dma_wait3A_190 = arith.constant 0 : i32
      %dma_wait3A_191 = arith.constant 0 : i32
      %dma_wait3A_192 = tpu.memref_slice %arg9[%dma_wait3A_189, %dma_wait3A_190, %dma_wait3A_191] : memref<4x128x64xf32, #tpu.memory_space<vmem>> -> memref<1x128x64xf32, #tpu.memory_space<vmem>>
      %dma_wait3A_193 = tpu.memref_squeeze %dma_wait3A_192 : memref<1x128x64xf32, #tpu.memory_space<vmem>> -> memref<128x64xf32, #tpu.memory_space<vmem>>
      %dma_wait3A_194 = arith.constant 0 : i32
      %dma_wait3A_195 = tpu.memref_slice %arg7[%add3A_176, %dma_wait3A_194] : memref<160x128xi32, #tpu.memory_space<vmem>> -> memref<1x128xi32, #tpu.memory_space<vmem>>
      %dma_wait3A_196 = tpu.memref_squeeze %dma_wait3A_195 : memref<1x128xi32, #tpu.memory_space<vmem>> -> memref<128xi32, #tpu.memory_space<vmem>>
      %dma_wait3A_197 = arith.constant 0 : i32
      %dma_wait3A_198 = arith.constant 0 : i32
      %dma_wait3A_199 = tpu.memref_slice %arg2[%dma_wait3A_197, %dma_wait3A_198] : memref<20000x64xf32, #tpu.memory_space<hbm>> -> memref<20000x64xf32, #tpu.memory_space<hbm>>
      tpu.wait_indirect_dma semaphore(%arg14 : memref<!tpu.dma_semaphore, #tpu.memory_space<semaphore_mem>>) src(%dma_wait3A_199 : memref<20000x64xf32, #tpu.memory_space<hbm>>) dst(%dma_wait3A_193 : memref<128x64xf32, #tpu.memory_space<vmem>>)
      %dma_start3A_200 = arith.constant 3 : i32
      %dma_start3A_201 = arith.constant 0 : i32
      %dma_start3A_202 = arith.constant 0 : i32
      %dma_start3A_203 = tpu.memref_slice %arg9[%dma_start3A_200, %dma_start3A_201, %dma_start3A_202] : memref<4x128x64xf32, #tpu.memory_space<vmem>> -> memref<1x128x64xf32, #tpu.memory_space<vmem>>
      %dma_start3A_204 = tpu.memref_squeeze %dma_start3A_203 : memref<1x128x64xf32, #tpu.memory_space<vmem>> -> memref<128x64xf32, #tpu.memory_space<vmem>>
      %dma_start3A_205 = arith.constant 0 : i32
      %dma_start3A_206 = tpu.memref_slice %arg8[%add3A_176, %dma_start3A_205] : memref<160x128xi32, #tpu.memory_space<vmem>> -> memref<1x128xi32, #tpu.memory_space<vmem>>
      %dma_start3A_207 = tpu.memref_squeeze %dma_start3A_206 : memref<1x128xi32, #tpu.memory_space<vmem>> -> memref<128xi32, #tpu.memory_space<vmem>>
      %dma_start3A_208 = arith.constant 0 : i32
      %dma_start3A_209 = arith.constant 0 : i32
      %dma_start3A_210 = tpu.memref_slice %arg10[%dma_start3A_208, %dma_start3A_209] : memref<10240x64xf32, #tpu.memory_space<vmem_shared>> -> memref<10240x64xf32, #tpu.memory_space<vmem_shared>>
      tpu.enqueue_indirect_dma source(%dma_start3A_204 : memref<128x64xf32, #tpu.memory_space<vmem>>) target(%dma_start3A_210 : memref<10240x64xf32, #tpu.memory_space<vmem_shared>>) offsets(%dma_start3A_207 : memref<128xi32, #tpu.memory_space<vmem>>) semaphore(%arg18 : memref<!tpu.dma_semaphore, #tpu.memory_space<semaphore_mem>>) {add = true}
    }
    %scan3A_28 = arith.constant 40 : i32
    %dma_wait3A = arith.constant 2 : i32
    %dma_wait3A_29 = arith.constant 158 : i32
    %dma_wait3A_30 = arith.constant 0 : i32
    %dma_wait3A_31 = arith.constant 0 : i32
    %dma_wait3A_32 = tpu.memref_slice %arg9[%dma_wait3A, %dma_wait3A_30, %dma_wait3A_31] : memref<4x128x64xf32, #tpu.memory_space<vmem>> -> memref<1x128x64xf32, #tpu.memory_space<vmem>>
    %dma_wait3A_33 = tpu.memref_squeeze %dma_wait3A_32 : memref<1x128x64xf32, #tpu.memory_space<vmem>> -> memref<128x64xf32, #tpu.memory_space<vmem>>
    %dma_wait3A_34 = arith.constant 0 : i32
    %dma_wait3A_35 = tpu.memref_slice %arg8[%dma_wait3A_29, %dma_wait3A_34] : memref<160x128xi32, #tpu.memory_space<vmem>> -> memref<1x128xi32, #tpu.memory_space<vmem>>
    %dma_wait3A_36 = tpu.memref_squeeze %dma_wait3A_35 : memref<1x128xi32, #tpu.memory_space<vmem>> -> memref<128xi32, #tpu.memory_space<vmem>>
    %dma_wait3A_37 = arith.constant 0 : i32
    %dma_wait3A_38 = arith.constant 0 : i32
    %dma_wait3A_39 = tpu.memref_slice %arg10[%dma_wait3A_37, %dma_wait3A_38] : memref<10240x64xf32, #tpu.memory_space<vmem_shared>> -> memref<10240x64xf32, #tpu.memory_space<vmem_shared>>
    tpu.wait_indirect_dma semaphore(%arg17 : memref<!tpu.dma_semaphore, #tpu.memory_space<semaphore_mem>>) src(%dma_wait3A_33 : memref<128x64xf32, #tpu.memory_space<vmem>>) dst(%dma_wait3A_39 : memref<10240x64xf32, #tpu.memory_space<vmem_shared>>)
    %dma_wait3A_40 = arith.constant 3 : i32
    %dma_wait3A_41 = arith.constant 159 : i32
    %dma_wait3A_42 = arith.constant 0 : i32
    %dma_wait3A_43 = arith.constant 0 : i32
    %dma_wait3A_44 = tpu.memref_slice %arg9[%dma_wait3A_40, %dma_wait3A_42, %dma_wait3A_43] : memref<4x128x64xf32, #tpu.memory_space<vmem>> -> memref<1x128x64xf32, #tpu.memory_space<vmem>>
    %dma_wait3A_45 = tpu.memref_squeeze %dma_wait3A_44 : memref<1x128x64xf32, #tpu.memory_space<vmem>> -> memref<128x64xf32, #tpu.memory_space<vmem>>
    %dma_wait3A_46 = arith.constant 0 : i32
    %dma_wait3A_47 = tpu.memref_slice %arg8[%dma_wait3A_41, %dma_wait3A_46] : memref<160x128xi32, #tpu.memory_space<vmem>> -> memref<1x128xi32, #tpu.memory_space<vmem>>
    %dma_wait3A_48 = tpu.memref_squeeze %dma_wait3A_47 : memref<1x128xi32, #tpu.memory_space<vmem>> -> memref<128xi32, #tpu.memory_space<vmem>>
    %dma_wait3A_49 = arith.constant 0 : i32
    %dma_wait3A_50 = arith.constant 0 : i32
    %dma_wait3A_51 = tpu.memref_slice %arg10[%dma_wait3A_49, %dma_wait3A_50] : memref<10240x64xf32, #tpu.memory_space<vmem_shared>> -> memref<10240x64xf32, #tpu.memory_space<vmem_shared>>
    tpu.wait_indirect_dma semaphore(%arg18 : memref<!tpu.dma_semaphore, #tpu.memory_space<semaphore_mem>>) src(%dma_wait3A_45 : memref<128x64xf32, #tpu.memory_space<vmem>>) dst(%dma_wait3A_51 : memref<10240x64xf32, #tpu.memory_space<vmem_shared>>)
    %barrier3A_52 = arith.constant 0 : index
    tpu.barrier barrier_id(%barrier3A_52)
    %add3A = arith.constant 0 : i32
    %add3A_53 = arith.addi %mul3A_0, %add3A : i32
    "tpu.region"() ({
      %run_scoped3A = tpu.sem_alloc : memref<!tpu.dma_semaphore, #tpu.memory_space<semaphore_mem>>
      %dma_start3A_62 = arith.constant 0 : i32
      %dma_start3A_63 = tpu.memref_slice %arg6[%arg0, %add3A_53, %dma_start3A_62] : memref<2x10240x64xf32, #tpu.memory_space<hbm>> -> memref<1x128x64xf32, #tpu.memory_space<hbm>>
      %dma_start3A_64 = tpu.memref_squeeze %dma_start3A_63 : memref<1x128x64xf32, #tpu.memory_space<hbm>> -> memref<128x64xf32, #tpu.memory_space<hbm>>
      %dma_start3A_65 = arith.constant 0 : i32
      %dma_start3A_66 = tpu.memref_slice %arg10[%add3A_53, %dma_start3A_65] : memref<10240x64xf32, #tpu.memory_space<vmem_shared>> -> memref<128x64xf32, #tpu.memory_space<vmem_shared>>
      tpu.enqueue_dma source(%dma_start3A_66 : memref<128x64xf32, #tpu.memory_space<vmem_shared>>) target(%dma_start3A_64 : memref<128x64xf32, #tpu.memory_space<hbm>>) target_semaphore(%run_scoped3A : memref<!tpu.dma_semaphore, #tpu.memory_space<semaphore_mem>>)
      %dma_wait3A_67 = arith.constant 0 : i32
      %dma_wait3A_68 = tpu.memref_slice %arg6[%arg0, %add3A_53, %dma_wait3A_67] : memref<2x10240x64xf32, #tpu.memory_space<hbm>> -> memref<1x128x64xf32, #tpu.memory_space<hbm>>
      %dma_wait3A_69 = tpu.memref_squeeze %dma_wait3A_68 : memref<1x128x64xf32, #tpu.memory_space<hbm>> -> memref<128x64xf32, #tpu.memory_space<hbm>>
      %dma_wait3A_70 = arith.constant 0 : i32
      %dma_wait3A_71 = tpu.memref_slice %arg10[%add3A_53, %dma_wait3A_70] : memref<10240x64xf32, #tpu.memory_space<vmem_shared>> -> memref<128x64xf32, #tpu.memory_space<vmem_shared>>
      tpu.wait_dma2 semaphore(%run_scoped3A : memref<!tpu.dma_semaphore, #tpu.memory_space<semaphore_mem>>) src(%dma_wait3A_71 : memref<128x64xf32, #tpu.memory_space<vmem_shared>>) dst(%dma_wait3A_69 : memref<128x64xf32, #tpu.memory_space<hbm>>)
      tpu.yield
    }) : () -> ()
    %add3A_54 = arith.constant 128 : i32
    %add3A_55 = arith.addi %mul3A_0, %add3A_54 : i32
    "tpu.region"() ({
      %run_scoped3A = tpu.sem_alloc : memref<!tpu.dma_semaphore, #tpu.memory_space<semaphore_mem>>
      %dma_start3A_62 = arith.constant 0 : i32
      %dma_start3A_63 = tpu.memref_slice %arg6[%arg0, %add3A_55, %dma_start3A_62] : memref<2x10240x64xf32, #tpu.memory_space<hbm>> -> memref<1x128x64xf32, #tpu.memory_space<hbm>>
      %dma_start3A_64 = tpu.memref_squeeze %dma_start3A_63 : memref<1x128x64xf32, #tpu.memory_space<hbm>> -> memref<128x64xf32, #tpu.memory_space<hbm>>
      %dma_start3A_65 = arith.constant 0 : i32
      %dma_start3A_66 = tpu.memref_slice %arg10[%add3A_55, %dma_start3A_65] : memref<10240x64xf32, #tpu.memory_space<vmem_shared>> -> memref<128x64xf32, #tpu.memory_space<vmem_shared>>
      tpu.enqueue_dma source(%dma_start3A_66 : memref<128x64xf32, #tpu.memory_space<vmem_shared>>) target(%dma_start3A_64 : memref<128x64xf32, #tpu.memory_space<hbm>>) target_semaphore(%run_scoped3A : memref<!tpu.dma_semaphore, #tpu.memory_space<semaphore_mem>>)
      %dma_wait3A_67 = arith.constant 0 : i32
      %dma_wait3A_68 = tpu.memref_slice %arg6[%arg0, %add3A_55, %dma_wait3A_67] : memref<2x10240x64xf32, #tpu.memory_space<hbm>> -> memref<1x128x64xf32, #tpu.memory_space<hbm>>
      %dma_wait3A_69 = tpu.memref_squeeze %dma_wait3A_68 : memref<1x128x64xf32, #tpu.memory_space<hbm>> -> memref<128x64xf32, #tpu.memory_space<hbm>>
      %dma_wait3A_70 = arith.constant 0 : i32
      %dma_wait3A_71 = tpu.memref_slice %arg10[%add3A_55, %dma_wait3A_70] : memref<10240x64xf32, #tpu.memory_space<vmem_shared>> -> memref<128x64xf32, #tpu.memory_space<vmem_shared>>
      tpu.wait_dma2 semaphore(%run_scoped3A : memref<!tpu.dma_semaphore, #tpu.memory_space<semaphore_mem>>) src(%dma_wait3A_71 : memref<128x64xf32, #tpu.memory_space<vmem_shared>>) dst(%dma_wait3A_69 : memref<128x64xf32, #tpu.memory_space<hbm>>)
      tpu.yield
    }) : () -> ()
    %add3A_56 = arith.constant 256 : i32
    %add3A_57 = arith.addi %mul3A_0, %add3A_56 : i32
    "tpu.region"() ({
      %run_scoped3A = tpu.sem_alloc : memref<!tpu.dma_semaphore, #tpu.memory_space<semaphore_mem>>
      %dma_start3A_62 = arith.constant 0 : i32
      %dma_start3A_63 = tpu.memref_slice %arg6[%arg0, %add3A_57, %dma_start3A_62] : memref<2x10240x64xf32, #tpu.memory_space<hbm>> -> memref<1x128x64xf32, #tpu.memory_space<hbm>>
      %dma_start3A_64 = tpu.memref_squeeze %dma_start3A_63 : memref<1x128x64xf32, #tpu.memory_space<hbm>> -> memref<128x64xf32, #tpu.memory_space<hbm>>
      %dma_start3A_65 = arith.constant 0 : i32
      %dma_start3A_66 = tpu.memref_slice %arg10[%add3A_57, %dma_start3A_65] : memref<10240x64xf32, #tpu.memory_space<vmem_shared>> -> memref<128x64xf32, #tpu.memory_space<vmem_shared>>
      tpu.enqueue_dma source(%dma_start3A_66 : memref<128x64xf32, #tpu.memory_space<vmem_shared>>) target(%dma_start3A_64 : memref<128x64xf32, #tpu.memory_space<hbm>>) target_semaphore(%run_scoped3A : memref<!tpu.dma_semaphore, #tpu.memory_space<semaphore_mem>>)
      %dma_wait3A_67 = arith.constant 0 : i32
      %dma_wait3A_68 = tpu.memref_slice %arg6[%arg0, %add3A_57, %dma_wait3A_67] : memref<2x10240x64xf32, #tpu.memory_space<hbm>> -> memref<1x128x64xf32, #tpu.memory_space<hbm>>
      %dma_wait3A_69 = tpu.memref_squeeze %dma_wait3A_68 : memref<1x128x64xf32, #tpu.memory_space<hbm>> -> memref<128x64xf32, #tpu.memory_space<hbm>>
      %dma_wait3A_70 = arith.constant 0 : i32
      %dma_wait3A_71 = tpu.memref_slice %arg10[%add3A_57, %dma_wait3A_70] : memref<10240x64xf32, #tpu.memory_space<vmem_shared>> -> memref<128x64xf32, #tpu.memory_space<vmem_shared>>
      tpu.wait_dma2 semaphore(%run_scoped3A : memref<!tpu.dma_semaphore, #tpu.memory_space<semaphore_mem>>) src(%dma_wait3A_71 : memref<128x64xf32, #tpu.memory_space<vmem_shared>>) dst(%dma_wait3A_69 : memref<128x64xf32, #tpu.memory_space<hbm>>)
      tpu.yield
    }) : () -> ()
    %add3A_58 = arith.constant 384 : i32
    %add3A_59 = arith.addi %mul3A_0, %add3A_58 : i32
    "tpu.region"() ({
      %run_scoped3A = tpu.sem_alloc : memref<!tpu.dma_semaphore, #tpu.memory_space<semaphore_mem>>
      %dma_start3A_62 = arith.constant 0 : i32
      %dma_start3A_63 = tpu.memref_slice %arg6[%arg0, %add3A_59, %dma_start3A_62] : memref<2x10240x64xf32, #tpu.memory_space<hbm>> -> memref<1x128x64xf32, #tpu.memory_space<hbm>>
      %dma_start3A_64 = tpu.memref_squeeze %dma_start3A_63 : memref<1x128x64xf32, #tpu.memory_space<hbm>> -> memref<128x64xf32, #tpu.memory_space<hbm>>
      %dma_start3A_65 = arith.constant 0 : i32
      %dma_start3A_66 = tpu.memref_slice %arg10[%add3A_59, %dma_start3A_65] : memref<10240x64xf32, #tpu.memory_space<vmem_shared>> -> memref<128x64xf32, #tpu.memory_space<vmem_shared>>
      tpu.enqueue_dma source(%dma_start3A_66 : memref<128x64xf32, #tpu.memory_space<vmem_shared>>) target(%dma_start3A_64 : memref<128x64xf32, #tpu.memory_space<hbm>>) target_semaphore(%run_scoped3A : memref<!tpu.dma_semaphore, #tpu.memory_space<semaphore_mem>>)
      %dma_wait3A_67 = arith.constant 0 : i32
      %dma_wait3A_68 = tpu.memref_slice %arg6[%arg0, %add3A_59, %dma_wait3A_67] : memref<2x10240x64xf32, #tpu.memory_space<hbm>> -> memref<1x128x64xf32, #tpu.memory_space<hbm>>
      %dma_wait3A_69 = tpu.memref_squeeze %dma_wait3A_68 : memref<1x128x64xf32, #tpu.memory_space<hbm>> -> memref<128x64xf32, #tpu.memory_space<hbm>>
      %dma_wait3A_70 = arith.constant 0 : i32
      %dma_wait3A_71 = tpu.memref_slice %arg10[%add3A_59, %dma_wait3A_70] : memref<10240x64xf32, #tpu.memory_space<vmem_shared>> -> memref<128x64xf32, #tpu.memory_space<vmem_shared>>
      tpu.wait_dma2 semaphore(%run_scoped3A : memref<!tpu.dma_semaphore, #tpu.memory_space<semaphore_mem>>) src(%dma_wait3A_71 : memref<128x64xf32, #tpu.memory_space<vmem_shared>>) dst(%dma_wait3A_69 : memref<128x64xf32, #tpu.memory_space<hbm>>)
      tpu.yield
    }) : () -> ()
    %add3A_60 = arith.constant 512 : i32
    %add3A_61 = arith.addi %mul3A_0, %add3A_60 : i32
    "tpu.region"() ({
      %run_scoped3A = tpu.sem_alloc : memref<!tpu.dma_semaphore, #tpu.memory_space<semaphore_mem>>
      %dma_start3A_62 = arith.constant 0 : i32
      %dma_start3A_63 = tpu.memref_slice %arg6[%arg0, %add3A_61, %dma_start3A_62] : memref<2x10240x64xf32, #tpu.memory_space<hbm>> -> memref<1x128x64xf32, #tpu.memory_space<hbm>>
      %dma_start3A_64 = tpu.memref_squeeze %dma_start3A_63 : memref<1x128x64xf32, #tpu.memory_space<hbm>> -> memref<128x64xf32, #tpu.memory_space<hbm>>
      %dma_start3A_65 = arith.constant 0 : i32
      %dma_start3A_66 = tpu.memref_slice %arg10[%add3A_61, %dma_start3A_65] : memref<10240x64xf32, #tpu.memory_space<vmem_shared>> -> memref<128x64xf32, #tpu.memory_space<vmem_shared>>
      tpu.enqueue_dma source(%dma_start3A_66 : memref<128x64xf32, #tpu.memory_space<vmem_shared>>) target(%dma_start3A_64 : memref<128x64xf32, #tpu.memory_space<hbm>>) target_semaphore(%run_scoped3A : memref<!tpu.dma_semaphore, #tpu.memory_space<semaphore_mem>>)
      %dma_wait3A_67 = arith.constant 0 : i32
      %dma_wait3A_68 = tpu.memref_slice %arg6[%arg0, %add3A_61, %dma_wait3A_67] : memref<2x10240x64xf32, #tpu.memory_space<hbm>> -> memref<1x128x64xf32, #tpu.memory_space<hbm>>
      %dma_wait3A_69 = tpu.memref_squeeze %dma_wait3A_68 : memref<1x128x64xf32, #tpu.memory_space<hbm>> -> memref<128x64xf32, #tpu.memory_space<hbm>>
      %dma_wait3A_70 = arith.constant 0 : i32
      %dma_wait3A_71 = tpu.memref_slice %arg10[%add3A_61, %dma_wait3A_70] : memref<10240x64xf32, #tpu.memory_space<vmem_shared>> -> memref<128x64xf32, #tpu.memory_space<vmem_shared>>
      tpu.wait_dma2 semaphore(%run_scoped3A : memref<!tpu.dma_semaphore, #tpu.memory_space<semaphore_mem>>) src(%dma_wait3A_71 : memref<128x64xf32, #tpu.memory_space<vmem_shared>>) dst(%dma_wait3A_69 : memref<128x64xf32, #tpu.memory_space<hbm>>)
      tpu.yield
    }) : () -> ()
    return
  }
}

#map = affine_map<(d0, d1) -> (0, 0)>
#map1 = affine_map<(d0, d1) -> (0, 0, 0, 0)>
#map2 = affine_map<(d0, d1) -> (0, 0, 0)>
module attributes {stable_mosaic.version = 14 : i64} {
  func.func @_sc_agg(%arg0: i32, %arg1: i32, %arg2: memref<20000x64xf32, #tpu.memory_space<hbm>>, %arg3: memref<2x16x160x128xi32, #tpu.memory_space<hbm>>, %arg4: memref<16x160x128xi32, #tpu.memory_space<hbm>>, %arg5: memref<10240x64xf32, #tpu.memory_space<hbm>>, %arg6: memref<2x10240x64xf32, #tpu.memory_space<hbm>>, %arg7: memref<160x128xi32, #tpu.memory_space<vmem>>, %arg8: memref<160x128xi32, #tpu.memory_space<vmem>>, %arg9: memref<4x128x64xf32, #tpu.memory_space<vmem>>, %arg10: memref<10240x64xf32, #tpu.memory_space<vmem_shared>>, %arg11: memref<!tpu.dma_semaphore, #tpu.memory_space<semaphore_mem>>, %arg12: memref<!tpu.dma_semaphore, #tpu.memory_space<semaphore_mem>>, %arg13: memref<!tpu.dma_semaphore, #tpu.memory_space<semaphore_mem>>, %arg14: memref<!tpu.dma_semaphore, #tpu.memory_space<semaphore_mem>>, %arg15: memref<!tpu.dma_semaphore, #tpu.memory_space<semaphore_mem>>, %arg16: memref<!tpu.dma_semaphore, #tpu.memory_space<semaphore_mem>>, %arg17: memref<!tpu.dma_semaphore, #tpu.memory_space<semaphore_mem>>, %arg18: memref<!tpu.dma_semaphore, #tpu.memory_space<semaphore_mem>>) attributes {dimension_semantics = [#tpu.dimension_semantics<core_parallel>, #tpu.dimension_semantics<subcore_parallel>], iteration_bounds = array<i64: 2, 16>, scalar_prefetch = 0 : i64, scratch_operands = 12 : i64, tpu.core_type = #tpu.core_type<sc_vector_subcore>, window_params = [{transform_indices = #map}, {transform_indices = #map1}, {transform_indices = #map2}, {transform_indices = #map}, {transform_indices = #map2}]} {
    "tpu.region"() ({
      %run_scoped3A = tpu.sem_alloc : memref<!tpu.dma_semaphore, #tpu.memory_space<semaphore_mem>>
      %dma_start3A_62 = arith.constant 0 : i32
      %dma_start3A_63 = arith.constant 0 : i32
      %dma_start3A_64 = tpu.memref_slice %arg3[%arg0, %arg1, %dma_start3A_62, %dma_start3A_63] : memref<2x16x160x128xi32, #tpu.memory_space<hbm>> -> memref<1x1x160x128xi32, #tpu.memory_space<hbm>>
      %dma_start3A_65 = tpu.memref_squeeze %dma_start3A_64 : memref<1x1x160x128xi32, #tpu.memory_space<hbm>> -> memref<160x128xi32, #tpu.memory_space<hbm>>
      %dma_start3A_66 = arith.constant 0 : i32
      %dma_start3A_67 = arith.constant 0 : i32
      %dma_start3A_68 = tpu.memref_slice %arg3[%arg0, %arg1, %dma_start3A_66, %dma_start3A_67] : memref<2x16x160x128xi32, #tpu.memory_space<hbm>> -> memref<1x1x160x128xi32, #tpu.memory_space<hbm>>
      %dma_start3A_69 = tpu.memref_squeeze %dma_start3A_68 : memref<1x1x160x128xi32, #tpu.memory_space<hbm>> -> memref<160x128xi32, #tpu.memory_space<hbm>>
      tpu.enqueue_dma source(%dma_start3A_69 : memref<160x128xi32, #tpu.memory_space<hbm>>) target(%arg7 : memref<160x128xi32, #tpu.memory_space<vmem>>) target_semaphore(%run_scoped3A : memref<!tpu.dma_semaphore, #tpu.memory_space<semaphore_mem>>)
      %dma_wait3A_70 = arith.constant 0 : i32
      %dma_wait3A_71 = arith.constant 0 : i32
      %dma_wait3A_72 = tpu.memref_slice %arg3[%arg0, %arg1, %dma_wait3A_70, %dma_wait3A_71] : memref<2x16x160x128xi32, #tpu.memory_space<hbm>> -> memref<1x1x160x128xi32, #tpu.memory_space<hbm>>
      %dma_wait3A_73 = tpu.memref_squeeze %dma_wait3A_72 : memref<1x1x160x128xi32, #tpu.memory_space<hbm>> -> memref<160x128xi32, #tpu.memory_space<hbm>>
      %dma_wait3A_74 = arith.constant 0 : i32
      %dma_wait3A_75 = arith.constant 0 : i32
      %dma_wait3A_76 = tpu.memref_slice %arg3[%arg0, %arg1, %dma_wait3A_74, %dma_wait3A_75] : memref<2x16x160x128xi32, #tpu.memory_space<hbm>> -> memref<1x1x160x128xi32, #tpu.memory_space<hbm>>
      %dma_wait3A_77 = tpu.memref_squeeze %dma_wait3A_76 : memref<1x1x160x128xi32, #tpu.memory_space<hbm>> -> memref<160x128xi32, #tpu.memory_space<hbm>>
      tpu.wait_dma2 semaphore(%run_scoped3A : memref<!tpu.dma_semaphore, #tpu.memory_space<semaphore_mem>>) src(%dma_wait3A_77 : memref<160x128xi32, #tpu.memory_space<hbm>>) dst(%arg7 : memref<160x128xi32, #tpu.memory_space<vmem>>)
      tpu.yield
    }) : () -> ()
    "tpu.region"() ({
      %run_scoped3A = tpu.sem_alloc : memref<!tpu.dma_semaphore, #tpu.memory_space<semaphore_mem>>
      %dma_start3A_62 = arith.constant 0 : i32
      %dma_start3A_63 = arith.constant 0 : i32
      %dma_start3A_64 = tpu.memref_slice %arg4[%arg1, %dma_start3A_62, %dma_start3A_63] : memref<16x160x128xi32, #tpu.memory_space<hbm>> -> memref<1x160x128xi32, #tpu.memory_space<hbm>>
      %dma_start3A_65 = tpu.memref_squeeze %dma_start3A_64 : memref<1x160x128xi32, #tpu.memory_space<hbm>> -> memref<160x128xi32, #tpu.memory_space<hbm>>
      %dma_start3A_66 = arith.constant 0 : i32
      %dma_start3A_67 = arith.constant 0 : i32
      %dma_start3A_68 = tpu.memref_slice %arg4[%arg1, %dma_start3A_66, %dma_start3A_67] : memref<16x160x128xi32, #tpu.memory_space<hbm>> -> memref<1x160x128xi32, #tpu.memory_space<hbm>>
      %dma_start3A_69 = tpu.memref_squeeze %dma_start3A_68 : memref<1x160x128xi32, #tpu.memory_space<hbm>> -> memref<160x128xi32, #tpu.memory_space<hbm>>
      tpu.enqueue_dma source(%dma_start3A_69 : memref<160x128xi32, #tpu.memory_space<hbm>>) target(%arg8 : memref<160x128xi32, #tpu.memory_space<vmem>>) target_semaphore(%run_scoped3A : memref<!tpu.dma_semaphore, #tpu.memory_space<semaphore_mem>>)
      %dma_wait3A_70 = arith.constant 0 : i32
      %dma_wait3A_71 = arith.constant 0 : i32
      %dma_wait3A_72 = tpu.memref_slice %arg4[%arg1, %dma_wait3A_70, %dma_wait3A_71] : memref<16x160x128xi32, #tpu.memory_space<hbm>> -> memref<1x160x128xi32, #tpu.memory_space<hbm>>
      %dma_wait3A_73 = tpu.memref_squeeze %dma_wait3A_72 : memref<1x160x128xi32, #tpu.memory_space<hbm>> -> memref<160x128xi32, #tpu.memory_space<hbm>>
      %dma_wait3A_74 = arith.constant 0 : i32
      %dma_wait3A_75 = arith.constant 0 : i32
      %dma_wait3A_76 = tpu.memref_slice %arg4[%arg1, %dma_wait3A_74, %dma_wait3A_75] : memref<16x160x128xi32, #tpu.memory_space<hbm>> -> memref<1x160x128xi32, #tpu.memory_space<hbm>>
      %dma_wait3A_77 = tpu.memref_squeeze %dma_wait3A_76 : memref<1x160x128xi32, #tpu.memory_space<hbm>> -> memref<160x128xi32, #tpu.memory_space<hbm>>
      tpu.wait_dma2 semaphore(%run_scoped3A : memref<!tpu.dma_semaphore, #tpu.memory_space<semaphore_mem>>) src(%dma_wait3A_77 : memref<160x128xi32, #tpu.memory_space<hbm>>) dst(%arg8 : memref<160x128xi32, #tpu.memory_space<vmem>>)
      tpu.yield
    }) : () -> ()
    %mul3A = arith.constant 640 : i32
    %mul3A_0 = arith.muli %arg1, %mul3A : i32
    "tpu.region"() ({
      %run_scoped3A = tpu.sem_alloc : memref<!tpu.dma_semaphore, #tpu.memory_space<semaphore_mem>>
      %dma_start3A_62 = arith.constant 0 : i32
      %dma_start3A_63 = tpu.memref_slice %arg10[%mul3A_0, %dma_start3A_62] : memref<10240x64xf32, #tpu.memory_space<vmem_shared>> -> memref<640x64xf32, #tpu.memory_space<vmem_shared>>
      %dma_start3A_64 = arith.constant 0 : i32
      %dma_start3A_65 = tpu.memref_slice %arg5[%mul3A_0, %dma_start3A_64] : memref<10240x64xf32, #tpu.memory_space<hbm>> -> memref<640x64xf32, #tpu.memory_space<hbm>>
      tpu.enqueue_dma source(%dma_start3A_65 : memref<640x64xf32, #tpu.memory_space<hbm>>) target(%dma_start3A_63 : memref<640x64xf32, #tpu.memory_space<vmem_shared>>) target_semaphore(%run_scoped3A : memref<!tpu.dma_semaphore, #tpu.memory_space<semaphore_mem>>)
      %dma_wait3A_66 = arith.constant 0 : i32
      %dma_wait3A_67 = tpu.memref_slice %arg10[%mul3A_0, %dma_wait3A_66] : memref<10240x64xf32, #tpu.memory_space<vmem_shared>> -> memref<640x64xf32, #tpu.memory_space<vmem_shared>>
      %dma_wait3A_68 = arith.constant 0 : i32
      %dma_wait3A_69 = tpu.memref_slice %arg5[%mul3A_0, %dma_wait3A_68] : memref<10240x64xf32, #tpu.memory_space<hbm>> -> memref<640x64xf32, #tpu.memory_space<hbm>>
      tpu.wait_dma2 semaphore(%run_scoped3A : memref<!tpu.dma_semaphore, #tpu.memory_space<semaphore_mem>>) src(%dma_wait3A_69 : memref<640x64xf32, #tpu.memory_space<hbm>>) dst(%dma_wait3A_67 : memref<640x64xf32, #tpu.memory_space<vmem_shared>>)
      tpu.yield
    }) : () -> ()
    %barrier3A = arith.constant 0 : index
    tpu.barrier barrier_id(%barrier3A)
    %dma_start3A = arith.constant 0 : i32
    %dma_start3A_1 = arith.constant 0 : i32
    %dma_start3A_2 = arith.constant 0 : i32
    %dma_start3A_3 = arith.constant 0 : i32
    %dma_start3A_4 = tpu.memref_slice %arg9[%dma_start3A_1, %dma_start3A_2, %dma_start3A_3] : memref<4x128x64xf32, #tpu.memory_space<vmem>> -> memref<1x128x64xf32, #tpu.memory_space<vmem>>
    %dma_start3A_5 = tpu.memref_squeeze %dma_start3A_4 : memref<1x128x64xf32, #tpu.memory_space<vmem>> -> memref<128x64xf32, #tpu.memory_space<vmem>>
    %dma_start3A_6 = arith.constant 0 : i32
    %dma_start3A_7 = tpu.memref_slice %arg7[%dma_start3A, %dma_start3A_6] : memref<160x128xi32, #tpu.memory_space<vmem>> -> memref<1x128xi32, #tpu.memory_space<vmem>>
    %dma_start3A_8 = tpu.memref_squeeze %dma_start3A_7 : memref<1x128xi32, #tpu.memory_space<vmem>> -> memref<128xi32, #tpu.memory_space<vmem>>
    %dma_start3A_9 = arith.constant 0 : i32
    %dma_start3A_10 = arith.constant 0 : i32
    %dma_start3A_11 = tpu.memref_slice %arg2[%dma_start3A_9, %dma_start3A_10] : memref<20000x64xf32, #tpu.memory_space<hbm>> -> memref<20000x64xf32, #tpu.memory_space<hbm>>
    tpu.enqueue_indirect_dma source(%dma_start3A_11 : memref<20000x64xf32, #tpu.memory_space<hbm>>) target(%dma_start3A_5 : memref<128x64xf32, #tpu.memory_space<vmem>>) offsets(%dma_start3A_8 : memref<128xi32, #tpu.memory_space<vmem>>) semaphore(%arg11 : memref<!tpu.dma_semaphore, #tpu.memory_space<semaphore_mem>>)
    %dma_start3A_12 = arith.constant 1 : i32
    %dma_start3A_13 = arith.constant 1 : i32
    %dma_start3A_14 = arith.constant 0 : i32
    %dma_start3A_15 = arith.constant 0 : i32
    %dma_start3A_16 = tpu.memref_slice %arg9[%dma_start3A_13, %dma_start3A_14, %dma_start3A_15] : memref<4x128x64xf32, #tpu.memory_space<vmem>> -> memref<1x128x64xf32, #tpu.memory_space<vmem>>
    %dma_start3A_17 = tpu.memref_squeeze %dma_start3A_16 : memref<1x128x64xf32, #tpu.memory_space<vmem>> -> memref<128x64xf32, #tpu.memory_space<vmem>>
    %dma_start3A_18 = arith.constant 0 : i32
    %dma_start3A_19 = tpu.memref_slice %arg7[%dma_start3A_12, %dma_start3A_18] : memref<160x128xi32, #tpu.memory_space<vmem>> -> memref<1x128xi32, #tpu.memory_space<vmem>>
    %dma_start3A_20 = tpu.memref_squeeze %dma_start3A_19 : memref<1x128xi32, #tpu.memory_space<vmem>> -> memref<128xi32, #tpu.memory_space<vmem>>
    %dma_start3A_21 = arith.constant 0 : i32
    %dma_start3A_22 = arith.constant 0 : i32
    %dma_start3A_23 = tpu.memref_slice %arg2[%dma_start3A_21, %dma_start3A_22] : memref<20000x64xf32, #tpu.memory_space<hbm>> -> memref<20000x64xf32, #tpu.memory_space<hbm>>
    tpu.enqueue_indirect_dma source(%dma_start3A_23 : memref<20000x64xf32, #tpu.memory_space<hbm>>) target(%dma_start3A_17 : memref<128x64xf32, #tpu.memory_space<vmem>>) offsets(%dma_start3A_20 : memref<128xi32, #tpu.memory_space<vmem>>) semaphore(%arg12 : memref<!tpu.dma_semaphore, #tpu.memory_space<semaphore_mem>>)
    %scan3A = arith.constant 0 : i32
    %scan3A_24 = arith.constant 0 : i32
    %scan3A_25 = arith.constant 40 : i32
    %scan3A_26 = arith.addi %scan3A_24, %scan3A_25 : i32
    %scan3A_27 = arith.constant 1 : i32
    scf.for %scan3A_62 = %scan3A_24 to %scan3A_26 step %scan3A_27  : i32 {
      %mul3A_63 = arith.constant 4 : i32
      %mul3A_64 = arith.muli %mul3A_63, %scan3A_62 : i32
      %add3A_65 = arith.constant 0 : i32
      %add3A_66 = arith.addi %mul3A_64, %add3A_65 : i32
      %ge3A = arith.constant 2 : i32
      %ge3A_67 = arith.cmpi sge, %add3A_66, %ge3A : i32
      %convert_element_type3A = arith.extui %ge3A_67 : i1 to i32
      %cond3A = arith.constant 0 : i32
      %cond3A_68 = arith.cmpi ne, %convert_element_type3A, %cond3A : i32
      scf.if %cond3A_68 {
        %sub3A = arith.constant 2 : i32
        %sub3A_211 = arith.subi %add3A_66, %sub3A : i32
        %dma_wait3A_212 = arith.constant 2 : i32
        %dma_wait3A_213 = arith.constant 0 : i32
        %dma_wait3A_214 = arith.constant 0 : i32
        %dma_wait3A_215 = tpu.memref_slice %arg9[%dma_wait3A_212, %dma_wait3A_213, %dma_wait3A_214] : memref<4x128x64xf32, #tpu.memory_space<vmem>> -> memref<1x128x64xf32, #tpu.memory_space<vmem>>
        %dma_wait3A_216 = tpu.memref_squeeze %dma_wait3A_215 : memref<1x128x64xf32, #tpu.memory_space<vmem>> -> memref<128x64xf32, #tpu.memory_space<vmem>>
        %dma_wait3A_217 = arith.constant 0 : i32
        %dma_wait3A_218 = tpu.memref_slice %arg8[%sub3A_211, %dma_wait3A_217] : memref<160x128xi32, #tpu.memory_space<vmem>> -> memref<1x128xi32, #tpu.memory_space<vmem>>
        %dma_wait3A_219 = tpu.memref_squeeze %dma_wait3A_218 : memref<1x128xi32, #tpu.memory_space<vmem>> -> memref<128xi32, #tpu.memory_space<vmem>>
        %dma_wait3A_220 = arith.constant 0 : i32
        %dma_wait3A_221 = arith.constant 0 : i32
        %dma_wait3A_222 = tpu.memref_slice %arg10[%dma_wait3A_220, %dma_wait3A_221] : memref<10240x64xf32, #tpu.memory_space<vmem_shared>> -> memref<10240x64xf32, #tpu.memory_space<vmem_shared>>
        tpu.wait_indirect_dma semaphore(%arg17 : memref<!tpu.dma_semaphore, #tpu.memory_space<semaphore_mem>>) src(%dma_wait3A_216 : memref<128x64xf32, #tpu.memory_space<vmem>>) dst(%dma_wait3A_222 : memref<10240x64xf32, #tpu.memory_space<vmem_shared>>)
      } else {
      }
      %add3A_69 = arith.constant 2 : i32
      %add3A_70 = arith.addi %add3A_66, %add3A_69 : i32
      %lt3A = arith.constant 160 : i32
      %lt3A_71 = arith.cmpi slt, %add3A_70, %lt3A : i32
      %convert_element_type3A_72 = arith.extui %lt3A_71 : i1 to i32
      %cond3A_73 = arith.constant 0 : i32
      %cond3A_74 = arith.cmpi ne, %convert_element_type3A_72, %cond3A_73 : i32
      scf.if %cond3A_74 {
        %add3A_211 = arith.constant 2 : i32
        %add3A_212 = arith.addi %add3A_66, %add3A_211 : i32
        %dma_start3A_213 = arith.constant 2 : i32
        %dma_start3A_214 = arith.constant 0 : i32
        %dma_start3A_215 = arith.constant 0 : i32
        %dma_start3A_216 = tpu.memref_slice %arg9[%dma_start3A_213, %dma_start3A_214, %dma_start3A_215] : memref<4x128x64xf32, #tpu.memory_space<vmem>> -> memref<1x128x64xf32, #tpu.memory_space<vmem>>
        %dma_start3A_217 = tpu.memref_squeeze %dma_start3A_216 : memref<1x128x64xf32, #tpu.memory_space<vmem>> -> memref<128x64xf32, #tpu.memory_space<vmem>>
        %dma_start3A_218 = arith.constant 0 : i32
        %dma_start3A_219 = tpu.memref_slice %arg7[%add3A_212, %dma_start3A_218] : memref<160x128xi32, #tpu.memory_space<vmem>> -> memref<1x128xi32, #tpu.memory_space<vmem>>
        %dma_start3A_220 = tpu.memref_squeeze %dma_start3A_219 : memref<1x128xi32, #tpu.memory_space<vmem>> -> memref<128xi32, #tpu.memory_space<vmem>>
        %dma_start3A_221 = arith.constant 0 : i32
        %dma_start3A_222 = arith.constant 0 : i32
        %dma_start3A_223 = tpu.memref_slice %arg2[%dma_start3A_221, %dma_start3A_222] : memref<20000x64xf32, #tpu.memory_space<hbm>> -> memref<20000x64xf32, #tpu.memory_space<hbm>>
        tpu.enqueue_indirect_dma source(%dma_start3A_223 : memref<20000x64xf32, #tpu.memory_space<hbm>>) target(%dma_start3A_217 : memref<128x64xf32, #tpu.memory_space<vmem>>) offsets(%dma_start3A_220 : memref<128xi32, #tpu.memory_space<vmem>>) semaphore(%arg13 : memref<!tpu.dma_semaphore, #tpu.memory_space<semaphore_mem>>)
      } else {
      }
      %dma_wait3A_75 = arith.constant 0 : i32
      %dma_wait3A_76 = arith.constant 0 : i32
      %dma_wait3A_77 = arith.constant 0 : i32
      %dma_wait3A_78 = tpu.memref_slice %arg9[%dma_wait3A_75, %dma_wait3A_76, %dma_wait3A_77] : memref<4x128x64xf32, #tpu.memory_space<vmem>> -> memref<1x128x64xf32, #tpu.memory_space<vmem>>
      %dma_wait3A_79 = tpu.memref_squeeze %dma_wait3A_78 : memref<1x128x64xf32, #tpu.memory_space<vmem>> -> memref<128x64xf32, #tpu.memory_space<vmem>>
      %dma_wait3A_80 = arith.constant 0 : i32
      %dma_wait3A_81 = tpu.memref_slice %arg7[%add3A_66, %dma_wait3A_80] : memref<160x128xi32, #tpu.memory_space<vmem>> -> memref<1x128xi32, #tpu.memory_space<vmem>>
      %dma_wait3A_82 = tpu.memref_squeeze %dma_wait3A_81 : memref<1x128xi32, #tpu.memory_space<vmem>> -> memref<128xi32, #tpu.memory_space<vmem>>
      %dma_wait3A_83 = arith.constant 0 : i32
      %dma_wait3A_84 = arith.constant 0 : i32
      %dma_wait3A_85 = tpu.memref_slice %arg2[%dma_wait3A_83, %dma_wait3A_84] : memref<20000x64xf32, #tpu.memory_space<hbm>> -> memref<20000x64xf32, #tpu.memory_space<hbm>>
      tpu.wait_indirect_dma semaphore(%arg11 : memref<!tpu.dma_semaphore, #tpu.memory_space<semaphore_mem>>) src(%dma_wait3A_85 : memref<20000x64xf32, #tpu.memory_space<hbm>>) dst(%dma_wait3A_79 : memref<128x64xf32, #tpu.memory_space<vmem>>)
      %dma_start3A_86 = arith.constant 0 : i32
      %dma_start3A_87 = arith.constant 0 : i32
      %dma_start3A_88 = arith.constant 0 : i32
      %dma_start3A_89 = tpu.memref_slice %arg9[%dma_start3A_86, %dma_start3A_87, %dma_start3A_88] : memref<4x128x64xf32, #tpu.memory_space<vmem>> -> memref<1x128x64xf32, #tpu.memory_space<vmem>>
      %dma_start3A_90 = tpu.memref_squeeze %dma_start3A_89 : memref<1x128x64xf32, #tpu.memory_space<vmem>> -> memref<128x64xf32, #tpu.memory_space<vmem>>
      %dma_start3A_91 = arith.constant 0 : i32
      %dma_start3A_92 = tpu.memref_slice %arg8[%add3A_66, %dma_start3A_91] : memref<160x128xi32, #tpu.memory_space<vmem>> -> memref<1x128xi32, #tpu.memory_space<vmem>>
      %dma_start3A_93 = tpu.memref_squeeze %dma_start3A_92 : memref<1x128xi32, #tpu.memory_space<vmem>> -> memref<128xi32, #tpu.memory_space<vmem>>
      %dma_start3A_94 = arith.constant 0 : i32
      %dma_start3A_95 = arith.constant 0 : i32
      %dma_start3A_96 = tpu.memref_slice %arg10[%dma_start3A_94, %dma_start3A_95] : memref<10240x64xf32, #tpu.memory_space<vmem_shared>> -> memref<10240x64xf32, #tpu.memory_space<vmem_shared>>
      tpu.enqueue_indirect_dma source(%dma_start3A_90 : memref<128x64xf32, #tpu.memory_space<vmem>>) target(%dma_start3A_96 : memref<10240x64xf32, #tpu.memory_space<vmem_shared>>) offsets(%dma_start3A_93 : memref<128xi32, #tpu.memory_space<vmem>>) semaphore(%arg15 : memref<!tpu.dma_semaphore, #tpu.memory_space<semaphore_mem>>) {add = true}
      %mul3A_97 = arith.constant 4 : i32
      %mul3A_98 = arith.muli %mul3A_97, %scan3A_62 : i32
      %add3A_99 = arith.constant 1 : i32
      %add3A_100 = arith.addi %mul3A_98, %add3A_99 : i32
      %ge3A_101 = arith.constant 2 : i32
      %ge3A_102 = arith.cmpi sge, %add3A_100, %ge3A_101 : i32
      %convert_element_type3A_103 = arith.extui %ge3A_102 : i1 to i32
      %cond3A_104 = arith.constant 0 : i32
      %cond3A_105 = arith.cmpi ne, %convert_element_type3A_103, %cond3A_104 : i32
      scf.if %cond3A_105 {
        %sub3A = arith.constant 2 : i32
        %sub3A_211 = arith.subi %add3A_100, %sub3A : i32
        %dma_wait3A_212 = arith.constant 3 : i32
        %dma_wait3A_213 = arith.constant 0 : i32
        %dma_wait3A_214 = arith.constant 0 : i32
        %dma_wait3A_215 = tpu.memref_slice %arg9[%dma_wait3A_212, %dma_wait3A_213, %dma_wait3A_214] : memref<4x128x64xf32, #tpu.memory_space<vmem>> -> memref<1x128x64xf32, #tpu.memory_space<vmem>>
        %dma_wait3A_216 = tpu.memref_squeeze %dma_wait3A_215 : memref<1x128x64xf32, #tpu.memory_space<vmem>> -> memref<128x64xf32, #tpu.memory_space<vmem>>
        %dma_wait3A_217 = arith.constant 0 : i32
        %dma_wait3A_218 = tpu.memref_slice %arg8[%sub3A_211, %dma_wait3A_217] : memref<160x128xi32, #tpu.memory_space<vmem>> -> memref<1x128xi32, #tpu.memory_space<vmem>>
        %dma_wait3A_219 = tpu.memref_squeeze %dma_wait3A_218 : memref<1x128xi32, #tpu.memory_space<vmem>> -> memref<128xi32, #tpu.memory_space<vmem>>
        %dma_wait3A_220 = arith.constant 0 : i32
        %dma_wait3A_221 = arith.constant 0 : i32
        %dma_wait3A_222 = tpu.memref_slice %arg10[%dma_wait3A_220, %dma_wait3A_221] : memref<10240x64xf32, #tpu.memory_space<vmem_shared>> -> memref<10240x64xf32, #tpu.memory_space<vmem_shared>>
        tpu.wait_indirect_dma semaphore(%arg18 : memref<!tpu.dma_semaphore, #tpu.memory_space<semaphore_mem>>) src(%dma_wait3A_216 : memref<128x64xf32, #tpu.memory_space<vmem>>) dst(%dma_wait3A_222 : memref<10240x64xf32, #tpu.memory_space<vmem_shared>>)
      } else {
      }
      %add3A_106 = arith.constant 2 : i32
      %add3A_107 = arith.addi %add3A_100, %add3A_106 : i32
      %lt3A_108 = arith.constant 160 : i32
      %lt3A_109 = arith.cmpi slt, %add3A_107, %lt3A_108 : i32
      %convert_element_type3A_110 = arith.extui %lt3A_109 : i1 to i32
      %cond3A_111 = arith.constant 0 : i32
      %cond3A_112 = arith.cmpi ne, %convert_element_type3A_110, %cond3A_111 : i32
      scf.if %cond3A_112 {
        %add3A_211 = arith.constant 2 : i32
        %add3A_212 = arith.addi %add3A_100, %add3A_211 : i32
        %dma_start3A_213 = arith.constant 3 : i32
        %dma_start3A_214 = arith.constant 0 : i32
        %dma_start3A_215 = arith.constant 0 : i32
        %dma_start3A_216 = tpu.memref_slice %arg9[%dma_start3A_213, %dma_start3A_214, %dma_start3A_215] : memref<4x128x64xf32, #tpu.memory_space<vmem>> -> memref<1x128x64xf32, #tpu.memory_space<vmem>>
        %dma_start3A_217 = tpu.memref_squeeze %dma_start3A_216 : memref<1x128x64xf32, #tpu.memory_space<vmem>> -> memref<128x64xf32, #tpu.memory_space<vmem>>
        %dma_start3A_218 = arith.constant 0 : i32
        %dma_start3A_219 = tpu.memref_slice %arg7[%add3A_212, %dma_start3A_218] : memref<160x128xi32, #tpu.memory_space<vmem>> -> memref<1x128xi32, #tpu.memory_space<vmem>>
        %dma_start3A_220 = tpu.memref_squeeze %dma_start3A_219 : memref<1x128xi32, #tpu.memory_space<vmem>> -> memref<128xi32, #tpu.memory_space<vmem>>
        %dma_start3A_221 = arith.constant 0 : i32
        %dma_start3A_222 = arith.constant 0 : i32
        %dma_start3A_223 = tpu.memref_slice %arg2[%dma_start3A_221, %dma_start3A_222] : memref<20000x64xf32, #tpu.memory_space<hbm>> -> memref<20000x64xf32, #tpu.memory_space<hbm>>
        tpu.enqueue_indirect_dma source(%dma_start3A_223 : memref<20000x64xf32, #tpu.memory_space<hbm>>) target(%dma_start3A_217 : memref<128x64xf32, #tpu.memory_space<vmem>>) offsets(%dma_start3A_220 : memref<128xi32, #tpu.memory_space<vmem>>) semaphore(%arg14 : memref<!tpu.dma_semaphore, #tpu.memory_space<semaphore_mem>>)
      } else {
      }
      %dma_wait3A_113 = arith.constant 1 : i32
      %dma_wait3A_114 = arith.constant 0 : i32
      %dma_wait3A_115 = arith.constant 0 : i32
      %dma_wait3A_116 = tpu.memref_slice %arg9[%dma_wait3A_113, %dma_wait3A_114, %dma_wait3A_115] : memref<4x128x64xf32, #tpu.memory_space<vmem>> -> memref<1x128x64xf32, #tpu.memory_space<vmem>>
      %dma_wait3A_117 = tpu.memref_squeeze %dma_wait3A_116 : memref<1x128x64xf32, #tpu.memory_space<vmem>> -> memref<128x64xf32, #tpu.memory_space<vmem>>
      %dma_wait3A_118 = arith.constant 0 : i32
      %dma_wait3A_119 = tpu.memref_slice %arg7[%add3A_100, %dma_wait3A_118] : memref<160x128xi32, #tpu.memory_space<vmem>> -> memref<1x128xi32, #tpu.memory_space<vmem>>
      %dma_wait3A_120 = tpu.memref_squeeze %dma_wait3A_119 : memref<1x128xi32, #tpu.memory_space<vmem>> -> memref<128xi32, #tpu.memory_space<vmem>>
      %dma_wait3A_121 = arith.constant 0 : i32
      %dma_wait3A_122 = arith.constant 0 : i32
      %dma_wait3A_123 = tpu.memref_slice %arg2[%dma_wait3A_121, %dma_wait3A_122] : memref<20000x64xf32, #tpu.memory_space<hbm>> -> memref<20000x64xf32, #tpu.memory_space<hbm>>
      tpu.wait_indirect_dma semaphore(%arg12 : memref<!tpu.dma_semaphore, #tpu.memory_space<semaphore_mem>>) src(%dma_wait3A_123 : memref<20000x64xf32, #tpu.memory_space<hbm>>) dst(%dma_wait3A_117 : memref<128x64xf32, #tpu.memory_space<vmem>>)
      %dma_start3A_124 = arith.constant 1 : i32
      %dma_start3A_125 = arith.constant 0 : i32
      %dma_start3A_126 = arith.constant 0 : i32
      %dma_start3A_127 = tpu.memref_slice %arg9[%dma_start3A_124, %dma_start3A_125, %dma_start3A_126] : memref<4x128x64xf32, #tpu.memory_space<vmem>> -> memref<1x128x64xf32, #tpu.memory_space<vmem>>
      %dma_start3A_128 = tpu.memref_squeeze %dma_start3A_127 : memref<1x128x64xf32, #tpu.memory_space<vmem>> -> memref<128x64xf32, #tpu.memory_space<vmem>>
      %dma_start3A_129 = arith.constant 0 : i32
      %dma_start3A_130 = tpu.memref_slice %arg8[%add3A_100, %dma_start3A_129] : memref<160x128xi32, #tpu.memory_space<vmem>> -> memref<1x128xi32, #tpu.memory_space<vmem>>
      %dma_start3A_131 = tpu.memref_squeeze %dma_start3A_130 : memref<1x128xi32, #tpu.memory_space<vmem>> -> memref<128xi32, #tpu.memory_space<vmem>>
      %dma_start3A_132 = arith.constant 0 : i32
      %dma_start3A_133 = arith.constant 0 : i32
      %dma_start3A_134 = tpu.memref_slice %arg10[%dma_start3A_132, %dma_start3A_133] : memref<10240x64xf32, #tpu.memory_space<vmem_shared>> -> memref<10240x64xf32, #tpu.memory_space<vmem_shared>>
      tpu.enqueue_indirect_dma source(%dma_start3A_128 : memref<128x64xf32, #tpu.memory_space<vmem>>) target(%dma_start3A_134 : memref<10240x64xf32, #tpu.memory_space<vmem_shared>>) offsets(%dma_start3A_131 : memref<128xi32, #tpu.memory_space<vmem>>) semaphore(%arg16 : memref<!tpu.dma_semaphore, #tpu.memory_space<semaphore_mem>>) {add = true}
      %mul3A_135 = arith.constant 4 : i32
      %mul3A_136 = arith.muli %mul3A_135, %scan3A_62 : i32
      %add3A_137 = arith.constant 2 : i32
      %add3A_138 = arith.addi %mul3A_136, %add3A_137 : i32
      %ge3A_139 = arith.constant 2 : i32
      %ge3A_140 = arith.cmpi sge, %add3A_138, %ge3A_139 : i32
      %convert_element_type3A_141 = arith.extui %ge3A_140 : i1 to i32
      %cond3A_142 = arith.constant 0 : i32
      %cond3A_143 = arith.cmpi ne, %convert_element_type3A_141, %cond3A_142 : i32
      scf.if %cond3A_143 {
        %sub3A = arith.constant 2 : i32
        %sub3A_211 = arith.subi %add3A_138, %sub3A : i32
        %dma_wait3A_212 = arith.constant 0 : i32
        %dma_wait3A_213 = arith.constant 0 : i32
        %dma_wait3A_214 = arith.constant 0 : i32
        %dma_wait3A_215 = tpu.memref_slice %arg9[%dma_wait3A_212, %dma_wait3A_213, %dma_wait3A_214] : memref<4x128x64xf32, #tpu.memory_space<vmem>> -> memref<1x128x64xf32, #tpu.memory_space<vmem>>
        %dma_wait3A_216 = tpu.memref_squeeze %dma_wait3A_215 : memref<1x128x64xf32, #tpu.memory_space<vmem>> -> memref<128x64xf32, #tpu.memory_space<vmem>>
        %dma_wait3A_217 = arith.constant 0 : i32
        %dma_wait3A_218 = tpu.memref_slice %arg8[%sub3A_211, %dma_wait3A_217] : memref<160x128xi32, #tpu.memory_space<vmem>> -> memref<1x128xi32, #tpu.memory_space<vmem>>
        %dma_wait3A_219 = tpu.memref_squeeze %dma_wait3A_218 : memref<1x128xi32, #tpu.memory_space<vmem>> -> memref<128xi32, #tpu.memory_space<vmem>>
        %dma_wait3A_220 = arith.constant 0 : i32
        %dma_wait3A_221 = arith.constant 0 : i32
        %dma_wait3A_222 = tpu.memref_slice %arg10[%dma_wait3A_220, %dma_wait3A_221] : memref<10240x64xf32, #tpu.memory_space<vmem_shared>> -> memref<10240x64xf32, #tpu.memory_space<vmem_shared>>
        tpu.wait_indirect_dma semaphore(%arg15 : memref<!tpu.dma_semaphore, #tpu.memory_space<semaphore_mem>>) src(%dma_wait3A_216 : memref<128x64xf32, #tpu.memory_space<vmem>>) dst(%dma_wait3A_222 : memref<10240x64xf32, #tpu.memory_space<vmem_shared>>)
      } else {
      }
      %add3A_144 = arith.constant 2 : i32
      %add3A_145 = arith.addi %add3A_138, %add3A_144 : i32
      %lt3A_146 = arith.constant 160 : i32
      %lt3A_147 = arith.cmpi slt, %add3A_145, %lt3A_146 : i32
      %convert_element_type3A_148 = arith.extui %lt3A_147 : i1 to i32
      %cond3A_149 = arith.constant 0 : i32
      %cond3A_150 = arith.cmpi ne, %convert_element_type3A_148, %cond3A_149 : i32
      scf.if %cond3A_150 {
        %add3A_211 = arith.constant 2 : i32
        %add3A_212 = arith.addi %add3A_138, %add3A_211 : i32
        %dma_start3A_213 = arith.constant 0 : i32
        %dma_start3A_214 = arith.constant 0 : i32
        %dma_start3A_215 = arith.constant 0 : i32
        %dma_start3A_216 = tpu.memref_slice %arg9[%dma_start3A_213, %dma_start3A_214, %dma_start3A_215] : memref<4x128x64xf32, #tpu.memory_space<vmem>> -> memref<1x128x64xf32, #tpu.memory_space<vmem>>
        %dma_start3A_217 = tpu.memref_squeeze %dma_start3A_216 : memref<1x128x64xf32, #tpu.memory_space<vmem>> -> memref<128x64xf32, #tpu.memory_space<vmem>>
        %dma_start3A_218 = arith.constant 0 : i32
        %dma_start3A_219 = tpu.memref_slice %arg7[%add3A_212, %dma_start3A_218] : memref<160x128xi32, #tpu.memory_space<vmem>> -> memref<1x128xi32, #tpu.memory_space<vmem>>
        %dma_start3A_220 = tpu.memref_squeeze %dma_start3A_219 : memref<1x128xi32, #tpu.memory_space<vmem>> -> memref<128xi32, #tpu.memory_space<vmem>>
        %dma_start3A_221 = arith.constant 0 : i32
        %dma_start3A_222 = arith.constant 0 : i32
        %dma_start3A_223 = tpu.memref_slice %arg2[%dma_start3A_221, %dma_start3A_222] : memref<20000x64xf32, #tpu.memory_space<hbm>> -> memref<20000x64xf32, #tpu.memory_space<hbm>>
        tpu.enqueue_indirect_dma source(%dma_start3A_223 : memref<20000x64xf32, #tpu.memory_space<hbm>>) target(%dma_start3A_217 : memref<128x64xf32, #tpu.memory_space<vmem>>) offsets(%dma_start3A_220 : memref<128xi32, #tpu.memory_space<vmem>>) semaphore(%arg11 : memref<!tpu.dma_semaphore, #tpu.memory_space<semaphore_mem>>)
      } else {
      }
      %dma_wait3A_151 = arith.constant 2 : i32
      %dma_wait3A_152 = arith.constant 0 : i32
      %dma_wait3A_153 = arith.constant 0 : i32
      %dma_wait3A_154 = tpu.memref_slice %arg9[%dma_wait3A_151, %dma_wait3A_152, %dma_wait3A_153] : memref<4x128x64xf32, #tpu.memory_space<vmem>> -> memref<1x128x64xf32, #tpu.memory_space<vmem>>
      %dma_wait3A_155 = tpu.memref_squeeze %dma_wait3A_154 : memref<1x128x64xf32, #tpu.memory_space<vmem>> -> memref<128x64xf32, #tpu.memory_space<vmem>>
      %dma_wait3A_156 = arith.constant 0 : i32
      %dma_wait3A_157 = tpu.memref_slice %arg7[%add3A_138, %dma_wait3A_156] : memref<160x128xi32, #tpu.memory_space<vmem>> -> memref<1x128xi32, #tpu.memory_space<vmem>>
      %dma_wait3A_158 = tpu.memref_squeeze %dma_wait3A_157 : memref<1x128xi32, #tpu.memory_space<vmem>> -> memref<128xi32, #tpu.memory_space<vmem>>
      %dma_wait3A_159 = arith.constant 0 : i32
      %dma_wait3A_160 = arith.constant 0 : i32
      %dma_wait3A_161 = tpu.memref_slice %arg2[%dma_wait3A_159, %dma_wait3A_160] : memref<20000x64xf32, #tpu.memory_space<hbm>> -> memref<20000x64xf32, #tpu.memory_space<hbm>>
      tpu.wait_indirect_dma semaphore(%arg13 : memref<!tpu.dma_semaphore, #tpu.memory_space<semaphore_mem>>) src(%dma_wait3A_161 : memref<20000x64xf32, #tpu.memory_space<hbm>>) dst(%dma_wait3A_155 : memref<128x64xf32, #tpu.memory_space<vmem>>)
      %dma_start3A_162 = arith.constant 2 : i32
      %dma_start3A_163 = arith.constant 0 : i32
      %dma_start3A_164 = arith.constant 0 : i32
      %dma_start3A_165 = tpu.memref_slice %arg9[%dma_start3A_162, %dma_start3A_163, %dma_start3A_164] : memref<4x128x64xf32, #tpu.memory_space<vmem>> -> memref<1x128x64xf32, #tpu.memory_space<vmem>>
      %dma_start3A_166 = tpu.memref_squeeze %dma_start3A_165 : memref<1x128x64xf32, #tpu.memory_space<vmem>> -> memref<128x64xf32, #tpu.memory_space<vmem>>
      %dma_start3A_167 = arith.constant 0 : i32
      %dma_start3A_168 = tpu.memref_slice %arg8[%add3A_138, %dma_start3A_167] : memref<160x128xi32, #tpu.memory_space<vmem>> -> memref<1x128xi32, #tpu.memory_space<vmem>>
      %dma_start3A_169 = tpu.memref_squeeze %dma_start3A_168 : memref<1x128xi32, #tpu.memory_space<vmem>> -> memref<128xi32, #tpu.memory_space<vmem>>
      %dma_start3A_170 = arith.constant 0 : i32
      %dma_start3A_171 = arith.constant 0 : i32
      %dma_start3A_172 = tpu.memref_slice %arg10[%dma_start3A_170, %dma_start3A_171] : memref<10240x64xf32, #tpu.memory_space<vmem_shared>> -> memref<10240x64xf32, #tpu.memory_space<vmem_shared>>
      tpu.enqueue_indirect_dma source(%dma_start3A_166 : memref<128x64xf32, #tpu.memory_space<vmem>>) target(%dma_start3A_172 : memref<10240x64xf32, #tpu.memory_space<vmem_shared>>) offsets(%dma_start3A_169 : memref<128xi32, #tpu.memory_space<vmem>>) semaphore(%arg17 : memref<!tpu.dma_semaphore, #tpu.memory_space<semaphore_mem>>) {add = true}
      %mul3A_173 = arith.constant 4 : i32
      %mul3A_174 = arith.muli %mul3A_173, %scan3A_62 : i32
      %add3A_175 = arith.constant 3 : i32
      %add3A_176 = arith.addi %mul3A_174, %add3A_175 : i32
      %ge3A_177 = arith.constant 2 : i32
      %ge3A_178 = arith.cmpi sge, %add3A_176, %ge3A_177 : i32
      %convert_element_type3A_179 = arith.extui %ge3A_178 : i1 to i32
      %cond3A_180 = arith.constant 0 : i32
      %cond3A_181 = arith.cmpi ne, %convert_element_type3A_179, %cond3A_180 : i32
      scf.if %cond3A_181 {
        %sub3A = arith.constant 2 : i32
        %sub3A_211 = arith.subi %add3A_176, %sub3A : i32
        %dma_wait3A_212 = arith.constant 1 : i32
        %dma_wait3A_213 = arith.constant 0 : i32
        %dma_wait3A_214 = arith.constant 0 : i32
        %dma_wait3A_215 = tpu.memref_slice %arg9[%dma_wait3A_212, %dma_wait3A_213, %dma_wait3A_214] : memref<4x128x64xf32, #tpu.memory_space<vmem>> -> memref<1x128x64xf32, #tpu.memory_space<vmem>>
        %dma_wait3A_216 = tpu.memref_squeeze %dma_wait3A_215 : memref<1x128x64xf32, #tpu.memory_space<vmem>> -> memref<128x64xf32, #tpu.memory_space<vmem>>
        %dma_wait3A_217 = arith.constant 0 : i32
        %dma_wait3A_218 = tpu.memref_slice %arg8[%sub3A_211, %dma_wait3A_217] : memref<160x128xi32, #tpu.memory_space<vmem>> -> memref<1x128xi32, #tpu.memory_space<vmem>>
        %dma_wait3A_219 = tpu.memref_squeeze %dma_wait3A_218 : memref<1x128xi32, #tpu.memory_space<vmem>> -> memref<128xi32, #tpu.memory_space<vmem>>
        %dma_wait3A_220 = arith.constant 0 : i32
        %dma_wait3A_221 = arith.constant 0 : i32
        %dma_wait3A_222 = tpu.memref_slice %arg10[%dma_wait3A_220, %dma_wait3A_221] : memref<10240x64xf32, #tpu.memory_space<vmem_shared>> -> memref<10240x64xf32, #tpu.memory_space<vmem_shared>>
        tpu.wait_indirect_dma semaphore(%arg16 : memref<!tpu.dma_semaphore, #tpu.memory_space<semaphore_mem>>) src(%dma_wait3A_216 : memref<128x64xf32, #tpu.memory_space<vmem>>) dst(%dma_wait3A_222 : memref<10240x64xf32, #tpu.memory_space<vmem_shared>>)
      } else {
      }
      %add3A_182 = arith.constant 2 : i32
      %add3A_183 = arith.addi %add3A_176, %add3A_182 : i32
      %lt3A_184 = arith.constant 160 : i32
      %lt3A_185 = arith.cmpi slt, %add3A_183, %lt3A_184 : i32
      %convert_element_type3A_186 = arith.extui %lt3A_185 : i1 to i32
      %cond3A_187 = arith.constant 0 : i32
      %cond3A_188 = arith.cmpi ne, %convert_element_type3A_186, %cond3A_187 : i32
      scf.if %cond3A_188 {
        %add3A_211 = arith.constant 2 : i32
        %add3A_212 = arith.addi %add3A_176, %add3A_211 : i32
        %dma_start3A_213 = arith.constant 1 : i32
        %dma_start3A_214 = arith.constant 0 : i32
        %dma_start3A_215 = arith.constant 0 : i32
        %dma_start3A_216 = tpu.memref_slice %arg9[%dma_start3A_213, %dma_start3A_214, %dma_start3A_215] : memref<4x128x64xf32, #tpu.memory_space<vmem>> -> memref<1x128x64xf32, #tpu.memory_space<vmem>>
        %dma_start3A_217 = tpu.memref_squeeze %dma_start3A_216 : memref<1x128x64xf32, #tpu.memory_space<vmem>> -> memref<128x64xf32, #tpu.memory_space<vmem>>
        %dma_start3A_218 = arith.constant 0 : i32
        %dma_start3A_219 = tpu.memref_slice %arg7[%add3A_212, %dma_start3A_218] : memref<160x128xi32, #tpu.memory_space<vmem>> -> memref<1x128xi32, #tpu.memory_space<vmem>>
        %dma_start3A_220 = tpu.memref_squeeze %dma_start3A_219 : memref<1x128xi32, #tpu.memory_space<vmem>> -> memref<128xi32, #tpu.memory_space<vmem>>
        %dma_start3A_221 = arith.constant 0 : i32
        %dma_start3A_222 = arith.constant 0 : i32
        %dma_start3A_223 = tpu.memref_slice %arg2[%dma_start3A_221, %dma_start3A_222] : memref<20000x64xf32, #tpu.memory_space<hbm>> -> memref<20000x64xf32, #tpu.memory_space<hbm>>
        tpu.enqueue_indirect_dma source(%dma_start3A_223 : memref<20000x64xf32, #tpu.memory_space<hbm>>) target(%dma_start3A_217 : memref<128x64xf32, #tpu.memory_space<vmem>>) offsets(%dma_start3A_220 : memref<128xi32, #tpu.memory_space<vmem>>) semaphore(%arg12 : memref<!tpu.dma_semaphore, #tpu.memory_space<semaphore_mem>>)
      } else {
      }
      %dma_wait3A_189 = arith.constant 3 : i32
      %dma_wait3A_190 = arith.constant 0 : i32
      %dma_wait3A_191 = arith.constant 0 : i32
      %dma_wait3A_192 = tpu.memref_slice %arg9[%dma_wait3A_189, %dma_wait3A_190, %dma_wait3A_191] : memref<4x128x64xf32, #tpu.memory_space<vmem>> -> memref<1x128x64xf32, #tpu.memory_space<vmem>>
      %dma_wait3A_193 = tpu.memref_squeeze %dma_wait3A_192 : memref<1x128x64xf32, #tpu.memory_space<vmem>> -> memref<128x64xf32, #tpu.memory_space<vmem>>
      %dma_wait3A_194 = arith.constant 0 : i32
      %dma_wait3A_195 = tpu.memref_slice %arg7[%add3A_176, %dma_wait3A_194] : memref<160x128xi32, #tpu.memory_space<vmem>> -> memref<1x128xi32, #tpu.memory_space<vmem>>
      %dma_wait3A_196 = tpu.memref_squeeze %dma_wait3A_195 : memref<1x128xi32, #tpu.memory_space<vmem>> -> memref<128xi32, #tpu.memory_space<vmem>>
      %dma_wait3A_197 = arith.constant 0 : i32
      %dma_wait3A_198 = arith.constant 0 : i32
      %dma_wait3A_199 = tpu.memref_slice %arg2[%dma_wait3A_197, %dma_wait3A_198] : memref<20000x64xf32, #tpu.memory_space<hbm>> -> memref<20000x64xf32, #tpu.memory_space<hbm>>
      tpu.wait_indirect_dma semaphore(%arg14 : memref<!tpu.dma_semaphore, #tpu.memory_space<semaphore_mem>>) src(%dma_wait3A_199 : memref<20000x64xf32, #tpu.memory_space<hbm>>) dst(%dma_wait3A_193 : memref<128x64xf32, #tpu.memory_space<vmem>>)
      %dma_start3A_200 = arith.constant 3 : i32
      %dma_start3A_201 = arith.constant 0 : i32
      %dma_start3A_202 = arith.constant 0 : i32
      %dma_start3A_203 = tpu.memref_slice %arg9[%dma_start3A_200, %dma_start3A_201, %dma_start3A_202] : memref<4x128x64xf32, #tpu.memory_space<vmem>> -> memref<1x128x64xf32, #tpu.memory_space<vmem>>
      %dma_start3A_204 = tpu.memref_squeeze %dma_start3A_203 : memref<1x128x64xf32, #tpu.memory_space<vmem>> -> memref<128x64xf32, #tpu.memory_space<vmem>>
      %dma_start3A_205 = arith.constant 0 : i32
      %dma_start3A_206 = tpu.memref_slice %arg8[%add3A_176, %dma_start3A_205] : memref<160x128xi32, #tpu.memory_space<vmem>> -> memref<1x128xi32, #tpu.memory_space<vmem>>
      %dma_start3A_207 = tpu.memref_squeeze %dma_start3A_206 : memref<1x128xi32, #tpu.memory_space<vmem>> -> memref<128xi32, #tpu.memory_space<vmem>>
      %dma_start3A_208 = arith.constant 0 : i32
      %dma_start3A_209 = arith.constant 0 : i32
      %dma_start3A_210 = tpu.memref_slice %arg10[%dma_start3A_208, %dma_start3A_209] : memref<10240x64xf32, #tpu.memory_space<vmem_shared>> -> memref<10240x64xf32, #tpu.memory_space<vmem_shared>>
      tpu.enqueue_indirect_dma source(%dma_start3A_204 : memref<128x64xf32, #tpu.memory_space<vmem>>) target(%dma_start3A_210 : memref<10240x64xf32, #tpu.memory_space<vmem_shared>>) offsets(%dma_start3A_207 : memref<128xi32, #tpu.memory_space<vmem>>) semaphore(%arg18 : memref<!tpu.dma_semaphore, #tpu.memory_space<semaphore_mem>>) {add = true}
    }
    %scan3A_28 = arith.constant 40 : i32
    %dma_wait3A = arith.constant 2 : i32
    %dma_wait3A_29 = arith.constant 158 : i32
    %dma_wait3A_30 = arith.constant 0 : i32
    %dma_wait3A_31 = arith.constant 0 : i32
    %dma_wait3A_32 = tpu.memref_slice %arg9[%dma_wait3A, %dma_wait3A_30, %dma_wait3A_31] : memref<4x128x64xf32, #tpu.memory_space<vmem>> -> memref<1x128x64xf32, #tpu.memory_space<vmem>>
    %dma_wait3A_33 = tpu.memref_squeeze %dma_wait3A_32 : memref<1x128x64xf32, #tpu.memory_space<vmem>> -> memref<128x64xf32, #tpu.memory_space<vmem>>
    %dma_wait3A_34 = arith.constant 0 : i32
    %dma_wait3A_35 = tpu.memref_slice %arg8[%dma_wait3A_29, %dma_wait3A_34] : memref<160x128xi32, #tpu.memory_space<vmem>> -> memref<1x128xi32, #tpu.memory_space<vmem>>
    %dma_wait3A_36 = tpu.memref_squeeze %dma_wait3A_35 : memref<1x128xi32, #tpu.memory_space<vmem>> -> memref<128xi32, #tpu.memory_space<vmem>>
    %dma_wait3A_37 = arith.constant 0 : i32
    %dma_wait3A_38 = arith.constant 0 : i32
    %dma_wait3A_39 = tpu.memref_slice %arg10[%dma_wait3A_37, %dma_wait3A_38] : memref<10240x64xf32, #tpu.memory_space<vmem_shared>> -> memref<10240x64xf32, #tpu.memory_space<vmem_shared>>
    tpu.wait_indirect_dma semaphore(%arg17 : memref<!tpu.dma_semaphore, #tpu.memory_space<semaphore_mem>>) src(%dma_wait3A_33 : memref<128x64xf32, #tpu.memory_space<vmem>>) dst(%dma_wait3A_39 : memref<10240x64xf32, #tpu.memory_space<vmem_shared>>)
    %dma_wait3A_40 = arith.constant 3 : i32
    %dma_wait3A_41 = arith.constant 159 : i32
    %dma_wait3A_42 = arith.constant 0 : i32
    %dma_wait3A_43 = arith.constant 0 : i32
    %dma_wait3A_44 = tpu.memref_slice %arg9[%dma_wait3A_40, %dma_wait3A_42, %dma_wait3A_43] : memref<4x128x64xf32, #tpu.memory_space<vmem>> -> memref<1x128x64xf32, #tpu.memory_space<vmem>>
    %dma_wait3A_45 = tpu.memref_squeeze %dma_wait3A_44 : memref<1x128x64xf32, #tpu.memory_space<vmem>> -> memref<128x64xf32, #tpu.memory_space<vmem>>
    %dma_wait3A_46 = arith.constant 0 : i32
    %dma_wait3A_47 = tpu.memref_slice %arg8[%dma_wait3A_41, %dma_wait3A_46] : memref<160x128xi32, #tpu.memory_space<vmem>> -> memref<1x128xi32, #tpu.memory_space<vmem>>
    %dma_wait3A_48 = tpu.memref_squeeze %dma_wait3A_47 : memref<1x128xi32, #tpu.memory_space<vmem>> -> memref<128xi32, #tpu.memory_space<vmem>>
    %dma_wait3A_49 = arith.constant 0 : i32
    %dma_wait3A_50 = arith.constant 0 : i32
    %dma_wait3A_51 = tpu.memref_slice %arg10[%dma_wait3A_49, %dma_wait3A_50] : memref<10240x64xf32, #tpu.memory_space<vmem_shared>> -> memref<10240x64xf32, #tpu.memory_space<vmem_shared>>
    tpu.wait_indirect_dma semaphore(%arg18 : memref<!tpu.dma_semaphore, #tpu.memory_space<semaphore_mem>>) src(%dma_wait3A_45 : memref<128x64xf32, #tpu.memory_space<vmem>>) dst(%dma_wait3A_51 : memref<10240x64xf32, #tpu.memory_space<vmem_shared>>)
    %barrier3A_52 = arith.constant 0 : index
    tpu.barrier barrier_id(%barrier3A_52)
    %add3A = arith.constant 0 : i32
    %add3A_53 = arith.addi %mul3A_0, %add3A : i32
    "tpu.region"() ({
      %run_scoped3A = tpu.sem_alloc : memref<!tpu.dma_semaphore, #tpu.memory_space<semaphore_mem>>
      %dma_start3A_62 = arith.constant 0 : i32
      %dma_start3A_63 = tpu.memref_slice %arg6[%arg0, %add3A_53, %dma_start3A_62] : memref<2x10240x64xf32, #tpu.memory_space<hbm>> -> memref<1x128x64xf32, #tpu.memory_space<hbm>>
      %dma_start3A_64 = tpu.memref_squeeze %dma_start3A_63 : memref<1x128x64xf32, #tpu.memory_space<hbm>> -> memref<128x64xf32, #tpu.memory_space<hbm>>
      %dma_start3A_65 = arith.constant 0 : i32
      %dma_start3A_66 = tpu.memref_slice %arg10[%add3A_53, %dma_start3A_65] : memref<10240x64xf32, #tpu.memory_space<vmem_shared>> -> memref<128x64xf32, #tpu.memory_space<vmem_shared>>
      tpu.enqueue_dma source(%dma_start3A_66 : memref<128x64xf32, #tpu.memory_space<vmem_shared>>) target(%dma_start3A_64 : memref<128x64xf32, #tpu.memory_space<hbm>>) target_semaphore(%run_scoped3A : memref<!tpu.dma_semaphore, #tpu.memory_space<semaphore_mem>>)
      %dma_wait3A_67 = arith.constant 0 : i32
      %dma_wait3A_68 = tpu.memref_slice %arg6[%arg0, %add3A_53, %dma_wait3A_67] : memref<2x10240x64xf32, #tpu.memory_space<hbm>> -> memref<1x128x64xf32, #tpu.memory_space<hbm>>
      %dma_wait3A_69 = tpu.memref_squeeze %dma_wait3A_68 : memref<1x128x64xf32, #tpu.memory_space<hbm>> -> memref<128x64xf32, #tpu.memory_space<hbm>>
      %dma_wait3A_70 = arith.constant 0 : i32
      %dma_wait3A_71 = tpu.memref_slice %arg10[%add3A_53, %dma_wait3A_70] : memref<10240x64xf32, #tpu.memory_space<vmem_shared>> -> memref<128x64xf32, #tpu.memory_space<vmem_shared>>
      tpu.wait_dma2 semaphore(%run_scoped3A : memref<!tpu.dma_semaphore, #tpu.memory_space<semaphore_mem>>) src(%dma_wait3A_71 : memref<128x64xf32, #tpu.memory_space<vmem_shared>>) dst(%dma_wait3A_69 : memref<128x64xf32, #tpu.memory_space<hbm>>)
      tpu.yield
    }) : () -> ()
    %add3A_54 = arith.constant 128 : i32
    %add3A_55 = arith.addi %mul3A_0, %add3A_54 : i32
    "tpu.region"() ({
      %run_scoped3A = tpu.sem_alloc : memref<!tpu.dma_semaphore, #tpu.memory_space<semaphore_mem>>
      %dma_start3A_62 = arith.constant 0 : i32
      %dma_start3A_63 = tpu.memref_slice %arg6[%arg0, %add3A_55, %dma_start3A_62] : memref<2x10240x64xf32, #tpu.memory_space<hbm>> -> memref<1x128x64xf32, #tpu.memory_space<hbm>>
      %dma_start3A_64 = tpu.memref_squeeze %dma_start3A_63 : memref<1x128x64xf32, #tpu.memory_space<hbm>> -> memref<128x64xf32, #tpu.memory_space<hbm>>
      %dma_start3A_65 = arith.constant 0 : i32
      %dma_start3A_66 = tpu.memref_slice %arg10[%add3A_55, %dma_start3A_65] : memref<10240x64xf32, #tpu.memory_space<vmem_shared>> -> memref<128x64xf32, #tpu.memory_space<vmem_shared>>
      tpu.enqueue_dma source(%dma_start3A_66 : memref<128x64xf32, #tpu.memory_space<vmem_shared>>) target(%dma_start3A_64 : memref<128x64xf32, #tpu.memory_space<hbm>>) target_semaphore(%run_scoped3A : memref<!tpu.dma_semaphore, #tpu.memory_space<semaphore_mem>>)
      %dma_wait3A_67 = arith.constant 0 : i32
      %dma_wait3A_68 = tpu.memref_slice %arg6[%arg0, %add3A_55, %dma_wait3A_67] : memref<2x10240x64xf32, #tpu.memory_space<hbm>> -> memref<1x128x64xf32, #tpu.memory_space<hbm>>
      %dma_wait3A_69 = tpu.memref_squeeze %dma_wait3A_68 : memref<1x128x64xf32, #tpu.memory_space<hbm>> -> memref<128x64xf32, #tpu.memory_space<hbm>>
      %dma_wait3A_70 = arith.constant 0 : i32
      %dma_wait3A_71 = tpu.memref_slice %arg10[%add3A_55, %dma_wait3A_70] : memref<10240x64xf32, #tpu.memory_space<vmem_shared>> -> memref<128x64xf32, #tpu.memory_space<vmem_shared>>
      tpu.wait_dma2 semaphore(%run_scoped3A : memref<!tpu.dma_semaphore, #tpu.memory_space<semaphore_mem>>) src(%dma_wait3A_71 : memref<128x64xf32, #tpu.memory_space<vmem_shared>>) dst(%dma_wait3A_69 : memref<128x64xf32, #tpu.memory_space<hbm>>)
      tpu.yield
    }) : () -> ()
    %add3A_56 = arith.constant 256 : i32
    %add3A_57 = arith.addi %mul3A_0, %add3A_56 : i32
    "tpu.region"() ({
      %run_scoped3A = tpu.sem_alloc : memref<!tpu.dma_semaphore, #tpu.memory_space<semaphore_mem>>
      %dma_start3A_62 = arith.constant 0 : i32
      %dma_start3A_63 = tpu.memref_slice %arg6[%arg0, %add3A_57, %dma_start3A_62] : memref<2x10240x64xf32, #tpu.memory_space<hbm>> -> memref<1x128x64xf32, #tpu.memory_space<hbm>>
      %dma_start3A_64 = tpu.memref_squeeze %dma_start3A_63 : memref<1x128x64xf32, #tpu.memory_space<hbm>> -> memref<128x64xf32, #tpu.memory_space<hbm>>
      %dma_start3A_65 = arith.constant 0 : i32
      %dma_start3A_66 = tpu.memref_slice %arg10[%add3A_57, %dma_start3A_65] : memref<10240x64xf32, #tpu.memory_space<vmem_shared>> -> memref<128x64xf32, #tpu.memory_space<vmem_shared>>
      tpu.enqueue_dma source(%dma_start3A_66 : memref<128x64xf32, #tpu.memory_space<vmem_shared>>) target(%dma_start3A_64 : memref<128x64xf32, #tpu.memory_space<hbm>>) target_semaphore(%run_scoped3A : memref<!tpu.dma_semaphore, #tpu.memory_space<semaphore_mem>>)
      %dma_wait3A_67 = arith.constant 0 : i32
      %dma_wait3A_68 = tpu.memref_slice %arg6[%arg0, %add3A_57, %dma_wait3A_67] : memref<2x10240x64xf32, #tpu.memory_space<hbm>> -> memref<1x128x64xf32, #tpu.memory_space<hbm>>
      %dma_wait3A_69 = tpu.memref_squeeze %dma_wait3A_68 : memref<1x128x64xf32, #tpu.memory_space<hbm>> -> memref<128x64xf32, #tpu.memory_space<hbm>>
      %dma_wait3A_70 = arith.constant 0 : i32
      %dma_wait3A_71 = tpu.memref_slice %arg10[%add3A_57, %dma_wait3A_70] : memref<10240x64xf32, #tpu.memory_space<vmem_shared>> -> memref<128x64xf32, #tpu.memory_space<vmem_shared>>
      tpu.wait_dma2 semaphore(%run_scoped3A : memref<!tpu.dma_semaphore, #tpu.memory_space<semaphore_mem>>) src(%dma_wait3A_71 : memref<128x64xf32, #tpu.memory_space<vmem_shared>>) dst(%dma_wait3A_69 : memref<128x64xf32, #tpu.memory_space<hbm>>)
      tpu.yield
    }) : () -> ()
    %add3A_58 = arith.constant 384 : i32
    %add3A_59 = arith.addi %mul3A_0, %add3A_58 : i32
    "tpu.region"() ({
      %run_scoped3A = tpu.sem_alloc : memref<!tpu.dma_semaphore, #tpu.memory_space<semaphore_mem>>
      %dma_start3A_62 = arith.constant 0 : i32
      %dma_start3A_63 = tpu.memref_slice %arg6[%arg0, %add3A_59, %dma_start3A_62] : memref<2x10240x64xf32, #tpu.memory_space<hbm>> -> memref<1x128x64xf32, #tpu.memory_space<hbm>>
      %dma_start3A_64 = tpu.memref_squeeze %dma_start3A_63 : memref<1x128x64xf32, #tpu.memory_space<hbm>> -> memref<128x64xf32, #tpu.memory_space<hbm>>
      %dma_start3A_65 = arith.constant 0 : i32
      %dma_start3A_66 = tpu.memref_slice %arg10[%add3A_59, %dma_start3A_65] : memref<10240x64xf32, #tpu.memory_space<vmem_shared>> -> memref<128x64xf32, #tpu.memory_space<vmem_shared>>
      tpu.enqueue_dma source(%dma_start3A_66 : memref<128x64xf32, #tpu.memory_space<vmem_shared>>) target(%dma_start3A_64 : memref<128x64xf32, #tpu.memory_space<hbm>>) target_semaphore(%run_scoped3A : memref<!tpu.dma_semaphore, #tpu.memory_space<semaphore_mem>>)
      %dma_wait3A_67 = arith.constant 0 : i32
      %dma_wait3A_68 = tpu.memref_slice %arg6[%arg0, %add3A_59, %dma_wait3A_67] : memref<2x10240x64xf32, #tpu.memory_space<hbm>> -> memref<1x128x64xf32, #tpu.memory_space<hbm>>
      %dma_wait3A_69 = tpu.memref_squeeze %dma_wait3A_68 : memref<1x128x64xf32, #tpu.memory_space<hbm>> -> memref<128x64xf32, #tpu.memory_space<hbm>>
      %dma_wait3A_70 = arith.constant 0 : i32
      %dma_wait3A_71 = tpu.memref_slice %arg10[%add3A_59, %dma_wait3A_70] : memref<10240x64xf32, #tpu.memory_space<vmem_shared>> -> memref<128x64xf32, #tpu.memory_space<vmem_shared>>
      tpu.wait_dma2 semaphore(%run_scoped3A : memref<!tpu.dma_semaphore, #tpu.memory_space<semaphore_mem>>) src(%dma_wait3A_71 : memref<128x64xf32, #tpu.memory_space<vmem_shared>>) dst(%dma_wait3A_69 : memref<128x64xf32, #tpu.memory_space<hbm>>)
      tpu.yield
    }) : () -> ()
    %add3A_60 = arith.constant 512 : i32
    %add3A_61 = arith.addi %mul3A_0, %add3A_60 : i32
    "tpu.region"() ({
      %run_scoped3A = tpu.sem_alloc : memref<!tpu.dma_semaphore, #tpu.memory_space<semaphore_mem>>
      %dma_start3A_62 = arith.constant 0 : i32
      %dma_start3A_63 = tpu.memref_slice %arg6[%arg0, %add3A_61, %dma_start3A_62] : memref<2x10240x64xf32, #tpu.memory_space<hbm>> -> memref<1x128x64xf32, #tpu.memory_space<hbm>>
      %dma_start3A_64 = tpu.memref_squeeze %dma_start3A_63 : memref<1x128x64xf32, #tpu.memory_space<hbm>> -> memref<128x64xf32, #tpu.memory_space<hbm>>
      %dma_start3A_65 = arith.constant 0 : i32
      %dma_start3A_66 = tpu.memref_slice %arg10[%add3A_61, %dma_start3A_65] : memref<10240x64xf32, #tpu.memory_space<vmem_shared>> -> memref<128x64xf32, #tpu.memory_space<vmem_shared>>
      tpu.enqueue_dma source(%dma_start3A_66 : memref<128x64xf32, #tpu.memory_space<vmem_shared>>) target(%dma_start3A_64 : memref<128x64xf32, #tpu.memory_space<hbm>>) target_semaphore(%run_scoped3A : memref<!tpu.dma_semaphore, #tpu.memory_space<semaphore_mem>>)
      %dma_wait3A_67 = arith.constant 0 : i32
      %dma_wait3A_68 = tpu.memref_slice %arg6[%arg0, %add3A_61, %dma_wait3A_67] : memref<2x10240x64xf32, #tpu.memory_space<hbm>> -> memref<1x128x64xf32, #tpu.memory_space<hbm>>
      %dma_wait3A_69 = tpu.memref_squeeze %dma_wait3A_68 : memref<1x128x64xf32, #tpu.memory_space<hbm>> -> memref<128x64xf32, #tpu.memory_space<hbm>>
      %dma_wait3A_70 = arith.constant 0 : i32
      %dma_wait3A_71 = tpu.memref_slice %arg10[%add3A_61, %dma_wait3A_70] : memref<10240x64xf32, #tpu.memory_space<vmem_shared>> -> memref<128x64xf32, #tpu.memory_space<vmem_shared>>
      tpu.wait_dma2 semaphore(%run_scoped3A : memref<!tpu.dma_semaphore, #tpu.memory_space<semaphore_mem>>) src(%dma_wait3A_71 : memref<128x64xf32, #tpu.memory_space<vmem_shared>>) dst(%dma_wait3A_69 : memref<128x64xf32, #tpu.memory_space<hbm>>)
      tpu.yield
    }) : () -> ()
    return
  }
}

module attributes {stable_mosaic.version = 14 : i64} {
  func.func @_k1_body(%arg0: i32, %arg1: memref<2000x128xf32, #tpu.memory_space<vmem>>, %arg2: memref<128x128xf32, #tpu.memory_space<vmem>>, %arg3: memref<1x2000x16xf32, #tpu.memory_space<vmem>>, %arg4: memref<1x2000x16xf32, #tpu.memory_space<vmem>>, %arg5: memref<2000x128xf32, #tpu.memory_space<vmem>>, %arg6: memref<2000x1xf32, #tpu.memory_space<vmem>>) attributes {dimension_semantics = [#tpu.dimension_semantics<arbitrary>], iteration_bounds = array<i64: 5>, scalar_prefetch = 0 : i64, scratch_operands = 0 : i64, tpu.core_type = #tpu.core_type<tc>, window_params = [{transform_indices = @transform_0, window_bounds = array<i64: 2000, 128>}, {pipeline_mode = #tpu.pipeline_mode<synchronous>, transform_indices = @transform_1, window_bounds = array<i64: 128, 128>}, {transform_indices = @transform_2, window_bounds = array<i64: 1, 2000, 16>}, {transform_indices = @transform_3, window_bounds = array<i64: 1, 2000, 16>}, {transform_indices = @transform_4, window_bounds = array<i64: 2000, 128>}, {transform_indices = @transform_5, window_bounds = array<i64: 2000, 1>}]} {
    %get3A = arith.constant 0 : index
    %get3A_0 = arith.constant 0 : index
    %get3A_1 = arith.constant 0 : index
    %get3A_2 = vector.load %arg3[%get3A, %get3A_0, %get3A_1] : memref<1x2000x16xf32, #tpu.memory_space<vmem>>, vector<1x2000x1xf32>
    %get3A_3 = vector.shape_cast %get3A_2 : vector<1x2000x1xf32> to vector<2000x1xf32>
    %get3A_4 = arith.constant 0 : index
    %get3A_5 = arith.constant 0 : index
    %get3A_6 = arith.constant 0 : index
    %get3A_7 = vector.load %arg4[%get3A_4, %get3A_5, %get3A_6] : memref<1x2000x16xf32, #tpu.memory_space<vmem>>, vector<1x2000x1xf32>
    %get3A_8 = vector.shape_cast %get3A_7 : vector<1x2000x1xf32> to vector<2000x1xf32>
    %add3A = arith.addf %get3A_3, %get3A_8 : vector<2000x1xf32>
    %add3A_9 = arith.constant 1.000000e+00 : f32
    %add3A_10 = vector.broadcast %add3A_9 : f32 to vector<2000x1xf32>
    %add3A_11 = arith.addf %add3A, %add3A_10 : vector<2000x1xf32>
    %rsqrt3A = math.rsqrt %add3A_11 : vector<2000x1xf32>
    %swap3A = arith.constant 0 : index
    %swap3A_12 = arith.constant 0 : index
    %swap3A_13 = vector.load %arg6[%swap3A, %swap3A_12] : memref<2000x1xf32, #tpu.memory_space<vmem>>, vector<2000x1xf32>
    tpu.vector_store %arg6[%swap3A, %swap3A_12], %rsqrt3A {strides = array<i32>} : memref<2000x1xf32, #tpu.memory_space<vmem>>, vector<2000x1xf32>,
    %get3A_14 = arith.constant 0 : index
    %get3A_15 = arith.constant 0 : index
    %get3A_16 = vector.load %arg1[%get3A_14, %get3A_15] : memref<2000x128xf32, #tpu.memory_space<vmem>>, vector<2000x128xf32>
    %get3A_17 = arith.constant 0 : index
    %get3A_18 = arith.constant 0 : index
    %get3A_19 = vector.load %arg2[%get3A_17, %get3A_18] : memref<128x128xf32, #tpu.memory_space<vmem>>, vector<128x128xf32>
    %dot_general3A = arith.constant dense<0.000000e+00> : vector<2000x128xf32>
    %dot_general3A_20 = tpu.matmul %get3A_16, %get3A_19, %dot_general3A {dimension_numbers = #tpu.dot_dimension_numbers<[1], [0], [0], [1], [0, 0, 1, 1], [], []>, transpose_lhs_hint = false} : vector<2000x128xf32>, vector<128x128xf32>, vector<2000x128xf32> -> vector<2000x128xf32>
    %mul3A = vector.broadcast %rsqrt3A : vector<2000x1xf32> to vector<2000x128xf32>
    %mul3A_21 = arith.mulf %dot_general3A_20, %mul3A : vector<2000x128xf32>
    %swap3A_22 = arith.constant 0 : index
    %swap3A_23 = arith.constant 0 : index
    %swap3A_24 = vector.load %arg5[%swap3A_22, %swap3A_23] : memref<2000x128xf32, #tpu.memory_space<vmem>>, vector<2000x128xf32>
    tpu.vector_store %arg5[%swap3A_22, %swap3A_23], %mul3A_21 {strides = array<i32>} : memref<2000x128xf32, #tpu.memory_space<vmem>>, vector<2000x128xf32>,
    return
  }
  func.func @transform_0(%arg0: i32) -> (i32, i32) {
    %c0_i32 = arith.constant 0 : i32
    %c0_i32_0 = arith.constant 0 : i32
    return %arg0, %c0_i32 : i32, i32
  }
  func.func @transform_1(%arg0: i32) -> (i32, i32) {
    %c0_i32 = arith.constant 0 : i32
    %c0_i32_0 = arith.constant 0 : i32
    %c0_i32_1 = arith.constant 0 : i32
    return %c0_i32, %c0_i32_0 : i32, i32
  }
  func.func @transform_2(%arg0: i32) -> (i32, i32, i32) {
    %c0_i32 = arith.constant 0 : i32
    %c0_i32_0 = arith.constant 0 : i32
    %c0_i32_1 = arith.constant 0 : i32
    return %c0_i32, %arg0, %c0_i32_0 : i32, i32, i32
  }
  func.func @transform_3(%arg0: i32) -> (i32, i32, i32) {
    %c1_i32 = arith.constant 1 : i32
    %c0_i32 = arith.constant 0 : i32
    %c0_i32_0 = arith.constant 0 : i32
    return %c1_i32, %arg0, %c0_i32 : i32, i32, i32
  }
  func.func @transform_4(%arg0: i32) -> (i32, i32) {
    %c0_i32 = arith.constant 0 : i32
    %c0_i32_0 = arith.constant 0 : i32
    return %arg0, %c0_i32 : i32, i32
  }
  func.func @transform_5(%arg0: i32) -> (i32, i32) {
    %c0_i32 = arith.constant 0 : i32
    %c0_i32_0 = arith.constant 0 : i32
    return %arg0, %c0_i32 : i32, i32
  }
}

module attributes {stable_mosaic.version = 14 : i64} {
  func.func @_k2_body(%arg0: i32, %arg1: memref<1x2000x64xf32, #tpu.memory_space<vmem>>, %arg2: memref<1x2000x64xf32, #tpu.memory_space<vmem>>, %arg3: memref<2000x128xf32, #tpu.memory_space<vmem>>, %arg4: memref<2000x1xf32, #tpu.memory_space<vmem>>, %arg5: memref<1x128xf32, #tpu.memory_space<vmem>>, %arg6: memref<128x128xf32, #tpu.memory_space<vmem>>, %arg7: memref<2000x128xf32, #tpu.memory_space<vmem>>) attributes {dimension_semantics = [#tpu.dimension_semantics<arbitrary>], iteration_bounds = array<i64: 5>, scalar_prefetch = 0 : i64, scratch_operands = 0 : i64, tpu.core_type = #tpu.core_type<tc>, window_params = [{transform_indices = @transform_0, window_bounds = array<i64: 1, 2000, 64>}, {transform_indices = @transform_1, window_bounds = array<i64: 1, 2000, 64>}, {transform_indices = @transform_2, window_bounds = array<i64: 2000, 128>}, {transform_indices = @transform_3, window_bounds = array<i64: 2000, 1>}, {pipeline_mode = #tpu.pipeline_mode<synchronous>, transform_indices = @transform_4, window_bounds = array<i64: 1, 128>}, {pipeline_mode = #tpu.pipeline_mode<synchronous>, transform_indices = @transform_5, window_bounds = array<i64: 128, 128>}, {transform_indices = @transform_6, window_bounds = array<i64: 2000, 128>}]} {
    %get3A = arith.constant 0 : index
    %get3A_0 = arith.constant 0 : index
    %get3A_1 = arith.constant 0 : index
    %get3A_2 = vector.load %arg1[%get3A, %get3A_0, %get3A_1] : memref<1x2000x64xf32, #tpu.memory_space<vmem>>, vector<1x2000x64xf32>
    %get3A_3 = vector.shape_cast %get3A_2 : vector<1x2000x64xf32> to vector<2000x64xf32>
    %get3A_4 = arith.constant 0 : index
    %get3A_5 = arith.constant 0 : index
    %get3A_6 = arith.constant 0 : index
    %get3A_7 = vector.load %arg2[%get3A_4, %get3A_5, %get3A_6] : memref<1x2000x64xf32, #tpu.memory_space<vmem>>, vector<1x2000x64xf32>
    %get3A_8 = vector.shape_cast %get3A_7 : vector<1x2000x64xf32> to vector<2000x64xf32>
    %concatenate3A = tpu.concatenate %get3A_3, %get3A_8 in 1 : vector<2000x64xf32>, vector<2000x64xf32> -> vector<2000x128xf32>
    %get3A_9 = arith.constant 0 : index
    %get3A_10 = arith.constant 0 : index
    %get3A_11 = vector.load %arg3[%get3A_9, %get3A_10] : memref<2000x128xf32, #tpu.memory_space<vmem>>, vector<2000x128xf32>
    %add3A = arith.addf %concatenate3A, %get3A_11 : vector<2000x128xf32>
    %get3A_12 = arith.constant 0 : index
    %get3A_13 = arith.constant 0 : index
    %get3A_14 = vector.load %arg4[%get3A_12, %get3A_13] : memref<2000x1xf32, #tpu.memory_space<vmem>>, vector<2000x1xf32>
    %mul3A = vector.broadcast %get3A_14 : vector<2000x1xf32> to vector<2000x128xf32>
    %mul3A_15 = arith.mulf %add3A, %mul3A : vector<2000x128xf32>
    %get3A_16 = arith.constant 0 : index
    %get3A_17 = arith.constant 0 : index
    %get3A_18 = vector.load %arg5[%get3A_16, %get3A_17] : memref<1x128xf32, #tpu.memory_space<vmem>>, vector<1x128xf32>
    %add3A_19 = vector.broadcast %get3A_18 : vector<1x128xf32> to vector<2000x128xf32>
    %add3A_20 = arith.addf %mul3A_15, %add3A_19 : vector<2000x128xf32>
    %max3A = arith.constant 0.000000e+00 : f32
    %max3A_21 = vector.broadcast %max3A : f32 to vector<2000x128xf32>
    %max3A_22 = arith.maximumf %add3A_20, %max3A_21 : vector<2000x128xf32>
    %get3A_23 = arith.constant 0 : index
    %get3A_24 = arith.constant 0 : index
    %get3A_25 = vector.load %arg6[%get3A_23, %get3A_24] : memref<128x128xf32, #tpu.memory_space<vmem>>, vector<128x128xf32>
    %dot_general3A = arith.constant dense<0.000000e+00> : vector<2000x128xf32>
    %dot_general3A_26 = tpu.matmul %max3A_22, %get3A_25, %dot_general3A {dimension_numbers = #tpu.dot_dimension_numbers<[1], [0], [0], [1], [0, 0, 1, 1], [], []>, transpose_lhs_hint = false} : vector<2000x128xf32>, vector<128x128xf32>, vector<2000x128xf32> -> vector<2000x128xf32>
    %get3A_27 = arith.constant 0 : index
    %get3A_28 = arith.constant 0 : index
    %get3A_29 = vector.load %arg4[%get3A_27, %get3A_28] : memref<2000x1xf32, #tpu.memory_space<vmem>>, vector<2000x1xf32>
    %mul3A_30 = vector.broadcast %get3A_29 : vector<2000x1xf32> to vector<2000x128xf32>
    %mul3A_31 = arith.mulf %dot_general3A_26, %mul3A_30 : vector<2000x128xf32>
    %swap3A = arith.constant 0 : index
    %swap3A_32 = arith.constant 0 : index
    %swap3A_33 = vector.load %arg7[%swap3A, %swap3A_32] : memref<2000x128xf32, #tpu.memory_space<vmem>>, vector<2000x128xf32>
    tpu.vector_store %arg7[%swap3A, %swap3A_32], %mul3A_31 {strides = array<i32>} : memref<2000x128xf32, #tpu.memory_space<vmem>>, vector<2000x128xf32>,
    return
  }
  func.func @transform_0(%arg0: i32) -> (i32, i32, i32) {
    %c0_i32 = arith.constant 0 : i32
    %c0_i32_0 = arith.constant 0 : i32
    %c0_i32_1 = arith.constant 0 : i32
    return %c0_i32, %arg0, %c0_i32_0 : i32, i32, i32
  }
  func.func @transform_1(%arg0: i32) -> (i32, i32, i32) {
    %c1_i32 = arith.constant 1 : i32
    %c0_i32 = arith.constant 0 : i32
    %c0_i32_0 = arith.constant 0 : i32
    return %c1_i32, %arg0, %c0_i32 : i32, i32, i32
  }
  func.func @transform_2(%arg0: i32) -> (i32, i32) {
    %c0_i32 = arith.constant 0 : i32
    %c0_i32_0 = arith.constant 0 : i32
    return %arg0, %c0_i32 : i32, i32
  }
  func.func @transform_3(%arg0: i32) -> (i32, i32) {
    %c0_i32 = arith.constant 0 : i32
    %c0_i32_0 = arith.constant 0 : i32
    return %arg0, %c0_i32 : i32, i32
  }
  func.func @transform_4(%arg0: i32) -> (i32, i32) {
    %c0_i32 = arith.constant 0 : i32
    %c0_i32_0 = arith.constant 0 : i32
    %c0_i32_1 = arith.constant 0 : i32
    return %c0_i32, %c0_i32_0 : i32, i32
  }
  func.func @transform_5(%arg0: i32) -> (i32, i32) {
    %c0_i32 = arith.constant 0 : i32
    %c0_i32_0 = arith.constant 0 : i32
    %c0_i32_1 = arith.constant 0 : i32
    return %c0_i32, %c0_i32_0 : i32, i32
  }
  func.func @transform_6(%arg0: i32) -> (i32, i32) {
    %c0_i32 = arith.constant 0 : i32
    %c0_i32_0 = arith.constant 0 : i32
    return %arg0, %c0_i32 : i32, i32
  }
}

module attributes {stable_mosaic.version = 14 : i64} {
  func.func @_k3_body(%arg0: i32, %arg1: memref<1x2000x64xf32, #tpu.memory_space<vmem>>, %arg2: memref<1x2000x64xf32, #tpu.memory_space<vmem>>, %arg3: memref<2000x128xf32, #tpu.memory_space<vmem>>, %arg4: memref<2000x1xf32, #tpu.memory_space<vmem>>, %arg5: memref<1x128xf32, #tpu.memory_space<vmem>>, %arg6: memref<2000x128xf32, #tpu.memory_space<vmem>>, %arg7: memref<128x128xf32, #tpu.memory_space<vmem>>, %arg8: memref<1x128xf32, #tpu.memory_space<vmem>>, %arg9: memref<128x64xf32, #tpu.memory_space<vmem>>, %arg10: memref<1x64xf32, #tpu.memory_space<vmem>>, %arg11: memref<2000x128xf32, #tpu.memory_space<vmem>>, %arg12: memref<2000x64xf32, #tpu.memory_space<vmem>>) attributes {dimension_semantics = [#tpu.dimension_semantics<arbitrary>], iteration_bounds = array<i64: 5>, scalar_prefetch = 0 : i64, scratch_operands = 0 : i64, tpu.core_type = #tpu.core_type<tc>, window_params = [{transform_indices = @transform_0, window_bounds = array<i64: 1, 2000, 64>}, {transform_indices = @transform_1, window_bounds = array<i64: 1, 2000, 64>}, {transform_indices = @transform_2, window_bounds = array<i64: 2000, 128>}, {transform_indices = @transform_3, window_bounds = array<i64: 2000, 1>}, {pipeline_mode = #tpu.pipeline_mode<synchronous>, transform_indices = @transform_4, window_bounds = array<i64: 1, 128>}, {transform_indices = @transform_5, window_bounds = array<i64: 2000, 128>}, {pipeline_mode = #tpu.pipeline_mode<synchronous>, transform_indices = @transform_6, window_bounds = array<i64: 128, 128>}, {pipeline_mode = #tpu.pipeline_mode<synchronous>, transform_indices = @transform_7, window_bounds = array<i64: 1, 128>}, {pipeline_mode = #tpu.pipeline_mode<synchronous>, transform_indices = @transform_8, window_bounds = array<i64: 128, 64>}, {pipeline_mode = #tpu.pipeline_mode<synchronous>, transform_indices = @transform_9, window_bounds = array<i64: 1, 64>}, {transform_indices = @transform_10, window_bounds = array<i64: 2000, 128>}, {transform_indices = @transform_11, window_bounds = array<i64: 2000, 64>}]} {
    %get3A = arith.constant 0 : index
    %get3A_0 = arith.constant 0 : index
    %get3A_1 = arith.constant 0 : index
    %get3A_2 = vector.load %arg1[%get3A, %get3A_0, %get3A_1] : memref<1x2000x64xf32, #tpu.memory_space<vmem>>, vector<1x2000x64xf32>
    %get3A_3 = vector.shape_cast %get3A_2 : vector<1x2000x64xf32> to vector<2000x64xf32>
    %get3A_4 = arith.constant 0 : index
    %get3A_5 = arith.constant 0 : index
    %get3A_6 = arith.constant 0 : index
    %get3A_7 = vector.load %arg2[%get3A_4, %get3A_5, %get3A_6] : memref<1x2000x64xf32, #tpu.memory_space<vmem>>, vector<1x2000x64xf32>
    %get3A_8 = vector.shape_cast %get3A_7 : vector<1x2000x64xf32> to vector<2000x64xf32>
    %concatenate3A = tpu.concatenate %get3A_3, %get3A_8 in 1 : vector<2000x64xf32>, vector<2000x64xf32> -> vector<2000x128xf32>
    %get3A_9 = arith.constant 0 : index
    %get3A_10 = arith.constant 0 : index
    %get3A_11 = vector.load %arg3[%get3A_9, %get3A_10] : memref<2000x128xf32, #tpu.memory_space<vmem>>, vector<2000x128xf32>
    %add3A = arith.addf %concatenate3A, %get3A_11 : vector<2000x128xf32>
    %get3A_12 = arith.constant 0 : index
    %get3A_13 = arith.constant 0 : index
    %get3A_14 = vector.load %arg4[%get3A_12, %get3A_13] : memref<2000x1xf32, #tpu.memory_space<vmem>>, vector<2000x1xf32>
    %mul3A = vector.broadcast %get3A_14 : vector<2000x1xf32> to vector<2000x128xf32>
    %mul3A_15 = arith.mulf %add3A, %mul3A : vector<2000x128xf32>
    %get3A_16 = arith.constant 0 : index
    %get3A_17 = arith.constant 0 : index
    %get3A_18 = vector.load %arg5[%get3A_16, %get3A_17] : memref<1x128xf32, #tpu.memory_space<vmem>>, vector<1x128xf32>
    %add3A_19 = vector.broadcast %get3A_18 : vector<1x128xf32> to vector<2000x128xf32>
    %add3A_20 = arith.addf %mul3A_15, %add3A_19 : vector<2000x128xf32>
    %ne3A = arith.constant 0.000000e+00 : f32
    %ne3A_21 = vector.broadcast %ne3A : f32 to vector<2000x128xf32>
    %ne3A_22 = arith.cmpf one, %add3A_20, %ne3A_21 : vector<2000x128xf32>
    %convert_element_type3A = arith.extui %ne3A_22 : vector<2000x128xi1> to vector<2000x128xi32>
    %convert_element_type3A_23 = arith.sitofp %convert_element_type3A : vector<2000x128xi32> to vector<2000x128xf32>
    %reduce_sum3A = arith.constant dense<0.000000e+00> : vector<2000xf32>
    %reduce_sum3A_24 = vector.multi_reduction <add>, %convert_element_type3A_23, %reduce_sum3A [1] : vector<2000x128xf32> to vector<2000xf32>
    %broadcast_in_dim3A = vector.shape_cast %reduce_sum3A_24 : vector<2000xf32> to vector<2000x1xf32>
    %gt3A = arith.constant 0.000000e+00 : f32
    %gt3A_25 = vector.broadcast %gt3A : f32 to vector<2000x1xf32>
    %gt3A_26 = arith.cmpf ogt, %broadcast_in_dim3A, %gt3A_25 : vector<2000x1xf32>
    %get3A_27 = arith.constant 0 : index
    %get3A_28 = arith.constant 0 : index
    %get3A_29 = vector.load %arg6[%get3A_27, %get3A_28] : memref<2000x128xf32, #tpu.memory_space<vmem>>, vector<2000x128xf32>
    %broadcast_in_dim3A_30 = vector.shape_cast %gt3A_26 : vector<2000x1xi1> to vector<2000x1xi1>
    %broadcast_in_dim3A_31 = vector.broadcast %broadcast_in_dim3A_30 : vector<2000x1xi1> to vector<2000x128xi1>
    %select_n3A = arith.select %broadcast_in_dim3A_31, %add3A_20, %get3A_29 : vector<2000x128xi1>, vector<2000x128xf32>
    %mul3A_32 = arith.mulf %select_n3A, %select_n3A : vector<2000x128xf32>
    %reduce_sum3A_33 = arith.constant dense<0.000000e+00> : vector<2000xf32>
    %reduce_sum3A_34 = vector.multi_reduction <add>, %mul3A_32, %reduce_sum3A_33 [1] : vector<2000x128xf32> to vector<2000xf32>
    %broadcast_in_dim3A_35 = vector.shape_cast %reduce_sum3A_34 : vector<2000xf32> to vector<2000x1xf32>
    %sqrt3A = math.sqrt %broadcast_in_dim3A_35 : vector<2000x1xf32>
    %div3A = vector.broadcast %sqrt3A : vector<2000x1xf32> to vector<2000x128xf32>
    %div3A_36 = arith.divf %select_n3A, %div3A : vector<2000x128xf32>
    %get3A_37 = arith.constant 0 : index
    %get3A_38 = arith.constant 0 : index
    %get3A_39 = vector.load %arg7[%get3A_37, %get3A_38] : memref<128x128xf32, #tpu.memory_space<vmem>>, vector<128x128xf32>
    %dot_general3A = arith.constant dense<0.000000e+00> : vector<2000x128xf32>
    %dot_general3A_40 = tpu.matmul %div3A_36, %get3A_39, %dot_general3A {dimension_numbers = #tpu.dot_dimension_numbers<[1], [0], [0], [1], [0, 0, 1, 1], [], []>, transpose_lhs_hint = false} : vector<2000x128xf32>, vector<128x128xf32>, vector<2000x128xf32> -> vector<2000x128xf32>
    %get3A_41 = arith.constant 0 : index
    %get3A_42 = arith.constant 0 : index
    %get3A_43 = vector.load %arg8[%get3A_41, %get3A_42] : memref<1x128xf32, #tpu.memory_space<vmem>>, vector<1x128xf32>
    %add3A_44 = vector.broadcast %get3A_43 : vector<1x128xf32> to vector<2000x128xf32>
    %add3A_45 = arith.addf %dot_general3A_40, %add3A_44 : vector<2000x128xf32>
    %swap3A = arith.constant 0 : index
    %swap3A_46 = arith.constant 0 : index
    %swap3A_47 = vector.load %arg11[%swap3A, %swap3A_46] : memref<2000x128xf32, #tpu.memory_space<vmem>>, vector<2000x128xf32>
    tpu.vector_store %arg11[%swap3A, %swap3A_46], %add3A_45 {strides = array<i32>} : memref<2000x128xf32, #tpu.memory_space<vmem>>, vector<2000x128xf32>,
    %get3A_48 = arith.constant 0 : index
    %get3A_49 = arith.constant 0 : index
    %get3A_50 = vector.load %arg9[%get3A_48, %get3A_49] : memref<128x64xf32, #tpu.memory_space<vmem>>, vector<128x64xf32>
    %dot_general3A_51 = arith.constant dense<0.000000e+00> : vector<2000x64xf32>
    %dot_general3A_52 = tpu.matmul %div3A_36, %get3A_50, %dot_general3A_51 {dimension_numbers = #tpu.dot_dimension_numbers<[1], [0], [0], [1], [0, 0, 1, 1], [], []>, transpose_lhs_hint = false} : vector<2000x128xf32>, vector<128x64xf32>, vector<2000x64xf32> -> vector<2000x64xf32>
    %get3A_53 = arith.constant 0 : index
    %get3A_54 = arith.constant 0 : index
    %get3A_55 = vector.load %arg10[%get3A_53, %get3A_54] : memref<1x64xf32, #tpu.memory_space<vmem>>, vector<1x64xf32>
    %add3A_56 = vector.broadcast %get3A_55 : vector<1x64xf32> to vector<2000x64xf32>
    %add3A_57 = arith.addf %dot_general3A_52, %add3A_56 : vector<2000x64xf32>
    %swap3A_58 = arith.constant 0 : index
    %swap3A_59 = arith.constant 0 : index
    %swap3A_60 = vector.load %arg12[%swap3A_58, %swap3A_59] : memref<2000x64xf32, #tpu.memory_space<vmem>>, vector<2000x64xf32>
    tpu.vector_store %arg12[%swap3A_58, %swap3A_59], %add3A_57 {strides = array<i32>} : memref<2000x64xf32, #tpu.memory_space<vmem>>, vector<2000x64xf32>,
    return
  }
  func.func @transform_0(%arg0: i32) -> (i32, i32, i32) {
    %c0_i32 = arith.constant 0 : i32
    %c0_i32_0 = arith.constant 0 : i32
    %c0_i32_1 = arith.constant 0 : i32
    return %c0_i32, %arg0, %c0_i32_0 : i32, i32, i32
  }
  func.func @transform_1(%arg0: i32) -> (i32, i32, i32) {
    %c1_i32 = arith.constant 1 : i32
    %c0_i32 = arith.constant 0 : i32
    %c0_i32_0 = arith.constant 0 : i32
    return %c1_i32, %arg0, %c0_i32 : i32, i32, i32
  }
  func.func @transform_2(%arg0: i32) -> (i32, i32) {
    %c0_i32 = arith.constant 0 : i32
    %c0_i32_0 = arith.constant 0 : i32
    return %arg0, %c0_i32 : i32, i32
  }
  func.func @transform_3(%arg0: i32) -> (i32, i32) {
    %c0_i32 = arith.constant 0 : i32
    %c0_i32_0 = arith.constant 0 : i32
    return %arg0, %c0_i32 : i32, i32
  }
  func.func @transform_4(%arg0: i32) -> (i32, i32) {
    %c0_i32 = arith.constant 0 : i32
    %c0_i32_0 = arith.constant 0 : i32
    %c0_i32_1 = arith.constant 0 : i32
    return %c0_i32, %c0_i32_0 : i32, i32
  }
  func.func @transform_5(%arg0: i32) -> (i32, i32) {
    %c0_i32 = arith.constant 0 : i32
    %c0_i32_0 = arith.constant 0 : i32
    return %arg0, %c0_i32 : i32, i32
  }
  func.func @transform_6(%arg0: i32) -> (i32, i32) {
    %c0_i32 = arith.constant 0 : i32
    %c0_i32_0 = arith.constant 0 : i32
    %c0_i32_1 = arith.constant 0 : i32
    return %c0_i32, %c0_i32_0 : i32, i32
  }
  func.func @transform_7(%arg0: i32) -> (i32, i32) {
    %c0_i32 = arith.constant 0 : i32
    %c0_i32_0 = arith.constant 0 : i32
    %c0_i32_1 = arith.constant 0 : i32
    return %c0_i32, %c0_i32_0 : i32, i32
  }
  func.func @transform_8(%arg0: i32) -> (i32, i32) {
    %c0_i32 = arith.constant 0 : i32
    %c0_i32_0 = arith.constant 0 : i32
    %c0_i32_1 = arith.constant 0 : i32
    return %c0_i32, %c0_i32_0 : i32, i32
  }
  func.func @transform_9(%arg0: i32) -> (i32, i32) {
    %c0_i32 = arith.constant 0 : i32
    %c0_i32_0 = arith.constant 0 : i32
    %c0_i32_1 = arith.constant 0 : i32
    return %c0_i32, %c0_i32_0 : i32, i32
  }
  func.func @transform_10(%arg0: i32) -> (i32, i32) {
    %c0_i32 = arith.constant 0 : i32
    %c0_i32_0 = arith.constant 0 : i32
    return %arg0, %c0_i32 : i32, i32
  }
  func.func @transform_11(%arg0: i32) -> (i32, i32) {
    %c0_i32 = arith.constant 0 : i32
    %c0_i32_0 = arith.constant 0 : i32
    return %arg0, %c0_i32 : i32, i32
  }
}

</mosaic_0001>

<sc_bundles>
// kernel: kernel.11.cloned.1.call-start
scs
__scs_entry_jumppad:
0x0: {  	(pc) =	sbr.rel $0x88, $3  }
0x1: {  	(tag) =	ssettag $0x0;
	lr =	simm.s32 $0x1  }
0x2: {  	[smem:$0x3F97] =	sst lr;
	_ =	strace $0xD0000000  }
0x3: {  	_ = 	snop  }
0x4: {  	_ = 	snop  }
0x5: {  	_ = 	snop  }
0x6: {  	_ = 	snop  }
0x7: {  	_ = 	snop  }
__scs_overlays_trampoline_lowered:
0x8: {  	[smem:$0x3FA6] =	sst s0  }
0x9: {  	[smem:$0x3FA7] =	sst s1  }
0xa: {  	[smem:$0x3FA8] =	sst s2  }
0xb: {  	[smem:$0x3FA9] =	sst s3  }
0xc: {  	[smem:$0x3FAA] =	sst s4  }
0xd: {  	[smem:$0x3FAB] =	sst s5  }
0xe: {  	[smem:$0x3FAC] =	sst s6  }
0xf: {  	[smem:$0x3FAD] =	sst s7  }
0x10: {  	[smem:$0x3FAE] =	sst s8  }
0x11: {  	[smem:$0x3FAF] =	sst s9;
	s0 =	simm.s32 @!p0 $0x0  }
0x12: {  	s1 =	sld [smem:$0x3F95];
	s0 =	simm.s32 @p0 $0x1  }
0x13: {  	[smem:$0x3FB0] =	sst s0;
	s0 =	simm.s32 @!p1 $0x0  }
0x14: {  	s2 =	sld [smem:$0x3F94];
	s0 =	simm.s32 @p1 $0x1  }
0x15: {  	[smem:$0x3FB1] =	sst s0;
	s0 =	simm.s32 @!p2 $0x0  }
0x16: {  	s3 =	sld [smem:$0x3FDB];
	s0 =	simm.s32 @p2 $0x1  }
0x17: {  	s4 =	simm.s32 $0x1BF5;
	[smem:$0x3FB3] =	sst s0  }
0x18: {  	s0 =	sld [smem:$0x3F96];
	_ =	swait.ge [sflag:s4], $0x0  }
0x19: {  	s7 =	sld [smem:$0x3F97]  }
0x1a: {  	s8 =	sadd.s32 $0xFFFFE003, lr  }
0x1b: {  	s9 =	sadd.s32 $0xFFFFFEF7, lr;
	s5 =	simm.s32 $0xFFFFFFFF;
	p2 =	slt.u32 s8, $0xFFFFF086  }
0x1c: {  	p1 =	slt.u32 s9, $0xF7A;
	s5 =	simm.s32 @!p2 $0x0  }
0x1d: {  	s5 =	simm.s32 @p1 $0x1;
	p0 =	seq.s32 s7, s2  }
0x1e: {  	s7 =	smul.u32 @!p0 $0xF7A, s2;
	p2 =	seq.s32 @!p0 s5, $0x0  }
0x1f: {  	s9 =	smul.u32 $0xF7A, s1;
	s8 =	simm.s32 @!p0 $0x1BF5;
	p2 =	por !p2, p0  }
0x20: {  	[sflag:s8] =	ssyncset.s32 @!p0 $0xFFFFF086;
	s6 =	sadd.s32 @!p0 s3, s7;
	s7 =	simm.s32 @!p0 $0x108  }
0x21: {  	s3 =	sadd.s32 s3, s9;
	s6 =	sadd.s32 @!p0 $0x88, s6;
	s7 =	simm.s32 @p2 $0x1082  }
0x22: {  	[simem:s7], [sflag:s8] =	dma.local @!p0 [hbm:s6], $0xF7A  }
0x23: {  	s9 =	sor.u32 $0xD0000000, s2;
	s6 =	simm.s32 $0x108;
	_ =	swait.ge @!p0 [sflag:s8], $0x0  }
0x24: {  	s3 =	sadd.s32 $0x88, s3;
	s6 =	simm.s32 @!p1 $0x1082;
	[sflag:s4] =	ssyncset.s32 $0xFFFFF086  }
0x25: {  	[simem:s6], [sflag:s4] =	dma.local [hbm:s3], $0xF7A  }
0x26: {  	[smem:$0x3F97] =	sst s1;
	(tag) =	ssettag s2;
	_ =	strace s9  }
0x27: {  	s1 =	sld [smem:$0x3FA7]  }
0x28: {  	s2 =	sld [smem:$0x3FA8]  }
0x29: {  	s4 =	sld [smem:$0x3FAA]  }
0x2a: {  	p0 =	seq.s32 s5, $0x0;
	s5 =	sld [smem:$0x3FAB]  }
0x2b: {  	s6 =	sld [smem:$0x3FAC]  }
0x2c: {  	s7 =	sld [smem:$0x3FAD]  }
0x2d: {  	s3 =	simm.s32 $0x108;
	s8 =	sld [smem:$0x3FAE]  }
0x2e: {  	s3 =	simm.s32 @!p0 $0x1082;
	s9 =	sld [smem:$0x3FAF]  }
0x2f: {  	lr =	sadd.s32 s0, s3;
	s0 =	sld [smem:$0x3FA6]  }
0x30: {  	s3 =	sld [smem:$0x3FA9]  }
0x31: {  	[smem:$0x3FB2] =	sst s10  }
0x32: {  	s10 =	sld [smem:$0x3FB0];
	_ =	sdelay $0x3  }
0x33: {  	p0 =	seq.s32 s10, $0x1;
	s10 =	sld [smem:$0x3FB2];
	_ =	sdelay $0x3  }
0x34: {  	[smem:$0x3FB2] =	sst s10  }
0x35: {  	s10 =	sld [smem:$0x3FB1];
	_ =	sdelay $0x3  }
0x36: {  	p1 =	seq.s32 s10, $0x1;
	s10 =	sld [smem:$0x3FB2];
	_ =	sdelay $0x3  }
0x37: {  	[smem:$0x3FB2] =	sst s10  }
0x38: {  	s10 =	sld [smem:$0x3FB3]  }
0x39: {  	_ = 	snop;
	(pc) =	sbr.ind lr, $3  }
0x3a: {  	_ = 	snop  }
0x3b: {  	_ = 	snop  }
0x3c: {  	p2 =	seq.s32 s10, $0x1;
	s10 =	sld [smem:$0x3FB2]  }
0x3d: {  	_ =	shalt  }
0x3e: {  	_ =	shalt  }
0x3f: {  	_ =	shalt  }
0x40: {  	_ =	shalt  }
0x41: {  	_ =	shalt  }
0x42: {  	_ =	shalt  }
0x43: {  	_ =	shalt  }
0x44: {  	_ =	shalt  }
0x45: {  	_ =	shalt  }
0x46: {  	_ =	shalt  }
0x47: {  	_ =	shalt  }
0x48: {  	_ =	shalt  }
0x49: {  	_ =	shalt  }
0x4a: {  	_ =	shalt  }
0x4b: {  	_ =	shalt  }
0x4c: {  	_ =	shalt  }
0x4d: {  	_ =	shalt  }
0x4e: {  	_ =	shalt  }
0x4f: {  	_ =	shalt  }
0x50: {  	_ =	shalt  }
0x51: {  	_ =	shalt  }
0x52: {  	_ =	shalt  }
0x53: {  	_ =	shalt  }
0x54: {  	_ =	shalt  }
0x55: {  	_ =	shalt  }
0x56: {  	_ =	shalt  }
0x57: {  	_ =	shalt  }
0x58: {  	_ =	shalt  }
0x59: {  	_ =	shalt  }
0x5a: {  	_ =	shalt  }
0x5b: {  	_ =	shalt  }
0x5c: {  	_ =	shalt  }
0x5d: {  	_ =	shalt  }
0x5e: {  	_ =	shalt  }
0x5f: {  	_ =	shalt  }
0x60: {  	_ =	shalt  }
0x61: {  	_ =	shalt  }
0x62: {  	_ =	shalt  }
0x63: {  	_ =	shalt  }
0x64: {  	_ =	shalt  }
0x65: {  	_ =	shalt  }
0x66: {  	_ =	shalt  }
0x67: {  	_ =	shalt  }
0x68: {  	_ =	shalt  }
0x69: {  	_ =	shalt  }
0x6a: {  	_ =	shalt  }
0x6b: {  	_ =	shalt  }
0x6c: {  	_ =	shalt  }
0x6d: {  	_ =	shalt  }
0x6e: {  	_ =	shalt  }
0x6f: {  	_ =	shalt  }
0x70: {  	_ =	shalt  }
0x71: {  	_ =	shalt  }
0x72: {  	_ =	shalt  }
0x73: {  	_ =	shalt  }
0x74: {  	_ =	shalt  }
0x75: {  	_ =	shalt  }
0x76: {  	_ =	shalt  }
0x77: {  	_ =	shalt  }
0x78: {  	_ =	shalt  }
0x79: {  	_ =	shalt  }
0x7a: {  	_ =	shalt  }
0x7b: {  	_ =	shalt  }
0x7c: {  	_ =	shalt  }
0x7d: {  	_ =	shalt  }
0x7e: {  	_ =	shalt  }
0x7f: {  	_ =	shalt  }
0x80: {  	_ =	shalt  }
0x81: {  	_ =	shalt  }
0x82: {  	_ =	shalt  }
0x83: {  	_ =	shalt  }
0x84: {  	_ =	shalt  }
0x85: {  	_ =	shalt  }
0x86: {  	_ =	shalt  }
0x87: {  	_ =	shalt  }
.Lfunc_end0:
.L_simem_size_0:
called_computation.1_lowered:
.L_overlay_start_0:
0x88: {  	s2 =	sld [smem:$0x3FD9]  }
0x89: {  	s3 =	sld [smem:$0x3FFE];
	_ =	sdelay $0x1  }
0x8a: {  	s1 =	srdreg.scid  }
0x8b: {  	s0 =	sand.u32 $0x1, s1  }
0x8c: {  	s14 =	sshll.u32 s0, $0xA;
	s2 =	sadd.s32 s3, s2  }
0x8d: {  	s2 =	sadd.s32 s2, s14  }
0x8e: {  	[smem:$0x3FBE] =	sst s2  }
0x8f: {  	_ = 	snop  }
0x90: {  	s2 =	sld [smem:$0x3FD0];
	_ =	sdelay $0x2  }
0x91: {  	s15 =	simm.s32 $0xA;
	s4 =	simm.s32 $0x10  }
0x92: {  	[smem:s4], [sflag:s15] =	dma.local [hbm:s2], $0x1  }
0x93: {  	_ =	swait.eq [sflag:s15], $0x1  }
0x94: {  	[sflag:s15] =	ssyncset.done $0x0  }
0x95: {  	s16 =	sld [smem:$0x10];
	[sflag:s15] =	ssyncadd.s32 $0xFFFFFFFF  }
0x96: {  	s17 =	sld [smem:$0x11];
	(tm) =	ssettm $0x1  }
0x97: {  	s18 =	sld [smem:$0x3FFB];
	_ =	sdelay $0x3  }
0x98: {  	_ =	strace s18  }
0x99: {  	s4 =	sld [smem:$0x3FFC];
	_ =	sdelay $0x3  }
0x9a: {  	_ =	strace s4  }
0x9b: {  	s4 =	sld [smem:$0x3FFD];
	_ =	sdelay $0x3  }
0x9c: {  	_ =	strace s4  }
0x9d: {  	_ =	strace $0x8FFFFFFF  }
0x9e: {  	s19 =	sld [smem:$0x3FDB];
	_ =	sdelay $0x1  }
0x9f: {  	s5 =	simm.s32 $_scs_section_size  }
0xa0: {  	s6 =	simm.s32 $_size__tile_overlayer_lowered;
	s7 =	simm.s32 $_tile_overlayer_lowered  }
0xa1: {  	s22 =	simm.s32 $0x1BFF;
	s21 =	sshll.u32 s7, $0x1;
	s4 =	sadd.s32 s5, s19  }
0xa2: {  	s8 =	simm.s32 $0x0;
	s20 =	sshll.u32 s6, $0x1;
	s6 =	sadd.s32 s21, s4  }
0xa3: {  	[timem:s8], [sflag:s22] =	dma.local [hbm:s6], s20  }
0xa4: {  	_ =	swait.ge [sflag:s22], s20  }
0xa5: {  	s5 =	ssub.s32 $0x0, s20;
	[sflag:s22] =	ssyncset.done $0x0  }
0xa6: {  	[sflag:s22] =	ssyncadd.s32 s5;
	_ =	sdelay $0x1  }
0xa7: {  	s23 =	simm.s32 $0x1B8B  }
0xa8: {  	_ =	swait.ge [sflag:s23], $0x1  }
0xa9: {  	[sflag:s23] =	ssyncset.done $0x0  }
0xaa: {  	s25 =	simm.s32 $0x1B8E;
	s24 =	sld [smem:$0x3FFE];
	[sflag:s23] =	ssyncadd.s32 $0xFFFFFFFF  }
0xab: {  	s26 =	simm.s32 $execute0_lowered;
	[smem:$0x3FD2] =	sst s25  }
0xac: {  	s6 =	sshll.u32 s26, $0x1;
	_ =	strace $0x80000049;
	[dreg:$0x1] =	wrdreg $0xFFFFFFFF  }
0xad: {  	s28 =	simm.s32 $_size_execute0_lowered;
	s4 =	sadd.s32 s4, s6;
	[dreg:$0x0] =	wrdreg $0x0  }
0xae: {  	s6 =	sshll.u32 s28, $0x1;
	[dreg:$0x2] =	wrdreg s4  }
0xaf: {  	[dreg:$0x3] =	wrdreg s6  }
0xb0: {  	[dreg:$0x4] =	wrdreg $0xC0  }
0xb1: {  	_ =	task [dreg:s8], $0x5FFFF  }
0xb2: {  	[dreg:$0x1] =	wrdreg $0xFFFFFFFF  }
0xb3: {  	[dreg:$0x0] =	wrdreg $0x60  }
0xb4: {  	[dreg:$0x2] =	wrdreg s16  }
0xb5: {  	[dreg:$0x3] =	wrdreg s24  }
0xb6: {  	[dreg:$0x4] =	wrdreg s17  }
0xb7: {  	[dreg:$0x5] =	wrdreg $0x120000  }
0xb8: {  	[dreg:$0x6] =	wrdreg $0x9  }
0xb9: {  	_ =	task.clear_ibuf [dreg:s8], $0x7FFFF;
	_ =	strace $0x90000049  }
0xba: {  	s29 =	simm.s32 $0x9;
	_ =	strace $0x8000004B  }
0xbb: {  	_ =	swait.ge [sflag:s29], $0x1  }
0xbc: {  	[sflag:s29] =	ssyncadd.s32 $0xFFFFFFFF  }
0xbd: {  	_ =	strace $0x9000004B  }
0xbe: {  	_ =	sfence  }
0xbf: {  	s30 =	sld [smem:$0x0];
	_ =	sdelay $0x2  }
0xc0: {  	s31 =	sshll.u32 s1, $0xD;
	s1 =	sshrl.u32 s1, $0x2  }
0xc1: {  	s3 =	sand.u32 $0x4000, s31;
	s1 =	sadd.s32 s1, s30  }
0xc2: {  	s0 =	sor.u32 s3, s0;
	s1 =	sshll.u32 s1, $0x11  }
0xc3: {  	s0 =	sor.u32 s1, s0  }
0xc4: {  	s0 =	sadd.s32 $0x8F2B, s0  }
0xc5: {  	[sflag:s0] =	ssyncadd.remote.s32 $0x1  }
0xc6: {  	_ =	sfence.sel $0xFFFF  }
0xc7: {  	[dreg:$0x0] =	wrdreg $0xFFFFFFFF;
	(pc) =	sbr.abs _section_cstart, $3  }
0xc8: {  	[dreg:$0x1] =	wrdreg $0xFFFFFFFF  }
0xc9: {  	_ =	task.clear_ibuf [dreg:s8], $0x2FFFF;
	_ =	strace $0x9FFFFFFF  }
0xca: {  	(tm) =	ssettm $0x7FFFFFFF  }
0xcb: {  	_ =	shalt  }
tec
execute0_lowered:
.L_overlay_start_1:
0x0: {  	(tag) =	ssettag $0x1  }
0x1: {  	s1 =	rddreg [dreg:$0x0]  }
0x2: {  	s0 =	rddreg [dreg:$0x1]  }
0x3: {  	s2 =	srdreg.scid;
	s5 =	rddreg [dreg:$0x2]  }
0x4: {  	s8 =	stileid.u32;
	s3 =	rddreg [dreg:$0x3];
	s4 =	simm.s32 $0x0  }
0x5: {  	s29 =	simm.s32 $0x10000;
	s30 =	simm.s32 $0x2;
	s6 =	smul.u32 $0x5000, s8  }
0x6: {  	s31 =	simm.s32 $0x6;
	s2 =	sand.u32 $0x1, s2;
	s8 =	smul.u32 $0xA000, s8  }
0x7: {  	s28 =	simm.s32 $0x4;
	[smem:$0x7FF] =	sst s4;
	s7 =	smul.u32 $0x50000, s2  }
0x8: {  	_ =	strace $0x8000004A;
	s9 =	ssub.s32 $0x2, s2;
	s2 =	smul.u32 $0xA0000, s2  }
0x9: {  	s10 =	sshrl.u32 s8, $0x3;
	s11 =	sshrl.u32 s9, $0x1;
	s15 =	sadd.s32 s8, s3  }
0xa: {  	s16 =	sadd.s32 $0x2000, s8;
	s20 =	sadd.s32 $0x4000, s8;
	s23 =	sadd.s32 $0x6000, s8  }
0xb: {  	s7 =	sadd.s32 s6, s7;
	s10 =	sadd.s32 s10, s0;
	s9 =	ssub.s32 s9, s11  }
0xc: {  	s6 =	sshrl.u32 s6, $0x3;
	[dreg:$0x7] =	wrdreg s15;
	s18 =	sadd.s32 s8, s2  }
0xd: {  	s19 =	sadd.s32 s2, s16;
	s22 =	sadd.s32 s2, s20;
	s24 =	sadd.s32 s2, s23  }
0xe: {  	s8 =	sadd.s32 $0x8000, s8;
	s25 =	sadd.s32 s23, s3;
	s15 =	simm.s32 $0x9  }
0xf: {  	s7 =	sshrl.u32 s7, $0x3;
	s5 =	sadd.s32 s5, s6;
	s17 =	sadd.s32 $0x1C400, s10  }
0x10: {  	s6 =	sshrl.u32 s18, $0x3;
	s10 =	sadd.s32 s20, s3;
	s2 =	sadd.s32 s2, s8  }
0x11: {  	s26 =	sadd.s32 s8, s3;
	s14 =	smax.u32 s9, $0x1;
	s18 =	simm.s32 $0xA000  }
0x12: {  	s20 =	simm.s32 $0x3;
	s7 =	sadd.s32 s7, s0;
	[dreg:$0x6] =	wrdreg s5  }
0x13: {  	s0 =	sadd.s32 $0x30400, s0;
	[dreg:$0x8] =	wrdreg s17;
	s5 =	sadd.s32 s16, s3  }
0x14: {  	s2 =	sshrl.u32 s2, $0x3;
	s16 =	simm.s32 $0x5000;
	s17 =	simm.s32 $0x80  }
0x15: {  	s23 =	sshrl.u32 s10, $0x3;
	s7 =	sadd.s32 $0x8400, s7;
	s6 =	sadd.s32 s0, s6  }
0x16: {  	s13 =	sadd.s32 s0, s2;
	s2 =	simm.s32 $0x5;
	[dreg:$0x5] =	wrdreg s7  }
0x17: {  	s7 =	sshrl.u32 s19, $0x3;
	[dreg:$0x9] =	wrdreg s6;
	s6 =	sshrl.u32 s22, $0x3  }
0x18: {  	s19 =	simm.s32 $0xC000;
	s22 =	sshrl.u32 s5, $0x3;
	s21 =	sadd.s32 s0, s7  }
0x19: {  	s5 =	simm.s32 $0x8;
	s6 =	sadd.s32 s0, s6;
	[dreg:$0xa] =	wrdreg s21  }
0x1a: {  	[dreg:$0xb] =	wrdreg s6;
	s6 =	sshrl.u32 s24, $0x3;
	s21 =	simm.s32 $0xE000  }
0x1b: {  	s24 =	sshrl.u32 s25, $0x3;
	s25 =	sshrl.u32 s26, $0x3;
	s26 =	simm.s32 $0x1  }
0x1c: {  	s12 =	sadd.s32 s0, s6;
	s0 =	simm.s32 $0x7;
	s6 =	simm.s32 $0x0  }
.LBB2_1:
0x1d: {  	s7 =	rddreg [dreg:$0x5]  }
0x1e: {  	[tilespmem:s4], [sflag:$0x9] =	stream.linear.gather [hbm4b:s7+s4], $0x5000, $0x38;
	[tilespmem:$0x1C000] =	vst v63  }
0x1f: {  	_ =	swait.ge [sflag:s15], $0x5000  }
0x20: {  	[sflag:s15] =	ssyncset.done $0x0  }
0x21: {  	s9 =	stileid.u32;
	s8 =	rddreg [dreg:$0x6];
	[sflag:s15] =	ssyncadd.s32 $0xFFFFB000  }
0x22: {  	[tilespmem:s16], [sflag:$0x9] =	stream.linear.gather [hbm4b:s8+s4], $0x5000, $0x38;
	[tilespmem:$0x1C000] =	vst v63  }
0x23: {  	s7 =	sshll.u32 s9, $0x6;
	_ =	swait.ge [sflag:s15], $0x5000  }
0x24: {  	s7 =	sor.u32 $0x1C09, s7;
	[sflag:s15] =	ssyncset.done $0x0;
	s8 =	rddreg [dreg:$0x7]  }
0x25: {  	s9 =	rddreg [dreg:$0x8];
	[sflag:s15] =	ssyncadd.s32 $0xFFFFB000;
	s8 =	sshrl.u32 s8, $0x3  }
0x26: {  	[spmem:s8], [sflag:s7] =	dma.local [hbm:s9], $0x1400  }
0x27: {  	_ =	swait.ge [sflag:s15], $0x1400  }
0x28: {  	[sflag:s15] =	ssyncset.done $0x0  }
0x29: {  	[sflag:s15] =	ssyncadd.s32 $0xFFFFEC00  }
0x2a: {  	[bflag:$0x0] =	sbarrier.arrive $0xFFFF  }
0x2b: {  	[tilespmem:s18], [sflag:$0x1] =	stream.indirect.gather [hbm4b:s1+s17], $0x40, s4, s17, $0xb8;
	[tilespmem:$0x1C000] =	vst v63  }
0x2c: {  	_ = 	snop  }
0x2d: {  	[tilespmem:s19], [sflag:$0x2] =	stream.indirect.gather [hbm4b:s1+s17], $0x40, s17, s17, $0xb8;
	[tilespmem:$0x1C000] =	vst v63  }
0x2e: {  	s10 =	simm.s32 $0x100  }
0x2f: {  	[tilespmem:s21], [sflag:$0x3] =	stream.indirect.gather [hbm4b:s1+s17], $0x40, s10, s17, $0xb8;
	[tilespmem:$0x1C000] =	vst v63  }
0x30: {  	_ =	swait.ge [sflag:s26], $0x2000  }
0x31: {  	[sflag:s26] =	ssyncset.done $0x0  }
0x32: {  	[sflag:s26] =	ssyncadd.s32 $0xFFFFE000  }
0x33: {  	[spmem:s3] =	stream.indirect.scatter.add.f32 [tilespmem:s18], [sflag:$0x5], $0x40, s16, s17, $0xb8;
	[tilespmem:$0x1C000] =	vst v63  }
0x34: {  	s11 =	simm.s32 $0x180  }
0x35: {  	[tilespmem:s29], [sflag:$0x4] =	stream.indirect.gather [hbm4b:s1+s17], $0x40, s11, s17, $0xb8;
	[tilespmem:$0x1C000] =	vst v63  }
0x36: {  	_ =	swait.ge [sflag:s30], $0x2000  }
0x37: {  	[sflag:s30] =	ssyncset.done $0x0  }
0x38: {  	s10 =	simm.s32 $0x5080;
	[sflag:s30] =	ssyncadd.s32 $0xFFFFE000  }
0x39: {  	[spmem:s3] =	stream.indirect.scatter.add.f32 [tilespmem:s19], [sflag:$0x6], $0x40, s10, s17, $0xb8;
	[tilespmem:$0x1C000] =	vst v63  }
0x3a: {  	_ =	swait.ge [sflag:s2], $0x2000  }
0x3b: {  	[sflag:s2] =	ssyncset.done $0x0  }
0x3c: {  	s11 =	simm.s32 $0x200;
	[sflag:s2] =	ssyncadd.s32 $0xFFFFE000  }
0x3d: {  	[tilespmem:s18], [sflag:$0x1] =	stream.indirect.gather [hbm4b:s1+s17], $0x40, s11, s17, $0xb8;
	[tilespmem:$0x1C000] =	vst v63  }
0x3e: {  	_ =	swait.ge [sflag:s20], $0x2000  }
0x3f: {  	[sflag:s20] =	ssyncset.done $0x0  }
0x40: {  	s10 =	simm.s32 $0x5100;
	[sflag:s20] =	ssyncadd.s32 $0xFFFFE000  }
0x41: {  	[spmem:s3] =	stream.indirect.scatter.add.f32 [tilespmem:s21], [sflag:$0x7], $0x40, s10, s17, $0xb8;
	[tilespmem:$0x1C000] =	vst v63  }
0x42: {  	_ =	swait.ge [sflag:s31], $0x2000  }
0x43: {  	[sflag:s31] =	ssyncset.done $0x0  }
0x44: {  	s11 =	simm.s32 $0x280;
	[sflag:s31] =	ssyncadd.s32 $0xFFFFE000  }
0x45: {  	[tilespmem:s19], [sflag:$0x2] =	stream.indirect.gather [hbm4b:s1+s17], $0x40, s11, s17, $0xb8;
	[tilespmem:$0x1C000] =	vst v63  }
0x46: {  	_ =	swait.ge [sflag:s28], $0x2000  }
0x47: {  	[sflag:s28] =	ssyncset.done $0x0  }
0x48: {  	s10 =	simm.s32 $0x5180;
	[sflag:s28] =	ssyncadd.s32 $0xFFFFE000  }
0x49: {  	[spmem:s3] =	stream.indirect.scatter.add.f32 [tilespmem:s29], [sflag:$0x8], $0x40, s10, s17, $0xb8;
	[tilespmem:$0x1C000] =	vst v63  }
0x4a: {  	_ =	swait.ge [sflag:s0], $0x2000  }
0x4b: {  	[sflag:s0] =	ssyncset.done $0x0  }
0x4c: {  	s11 =	simm.s32 $0x300;
	[sflag:s0] =	ssyncadd.s32 $0xFFFFE000  }
0x4d: {  	[tilespmem:s21], [sflag:$0x3] =	stream.indirect.gather [hbm4b:s1+s17], $0x40, s11, s17, $0xb8;
	[tilespmem:$0x1C000] =	vst v63  }
0x4e: {  	_ =	swait.ge [sflag:s26], $0x2000  }
0x4f: {  	[sflag:s26] =	ssyncset.done $0x0  }
0x50: {  	s10 =	simm.s32 $0x5200;
	[sflag:s26] =	ssyncadd.s32 $0xFFFFE000  }
0x51: {  	[spmem:s3] =	stream.indirect.scatter.add.f32 [tilespmem:s18], [sflag:$0x5], $0x40, s10, s17, $0xb8;
	[tilespmem:$0x1C000] =	vst v63  }
0x52: {  	_ =	swait.ge [sflag:s5], $0x2000  }
0x53: {  	[sflag:s5] =	ssyncset.done $0x0  }
0x54: {  	s11 =	simm.s32 $0x380;
	[sflag:s5] =	ssyncadd.s32 $0xFFFFE000  }
0x55: {  	[tilespmem:s29], [sflag:$0x4] =	stream.indirect.gather [hbm4b:s1+s17], $0x40, s11, s17, $0xb8;
	[tilespmem:$0x1C000] =	vst v63  }
0x56: {  	_ =	swait.ge [sflag:s30], $0x2000  }
0x57: {  	[sflag:s30] =	ssyncset.done $0x0  }
0x58: {  	s10 =	simm.s32 $0x5280;
	[sflag:s30] =	ssyncadd.s32 $0xFFFFE000  }
0x59: {  	[spmem:s3] =	stream.indirect.scatter.add.f32 [tilespmem:s19], [sflag:$0x6], $0x40, s10, s17, $0xb8;
	[tilespmem:$0x1C000] =	vst v63  }
0x5a: {  	_ =	swait.ge [sflag:s2], $0x2000  }
0x5b: {  	[sflag:s2] =	ssyncset.done $0x0  }
0x5c: {  	s11 =	simm.s32 $0x400;
	[sflag:s2] =	ssyncadd.s32 $0xFFFFE000  }
0x5d: {  	[tilespmem:s18], [sflag:$0x1] =	stream.indirect.gather [hbm4b:s1+s17], $0x40, s11, s17, $0xb8;
	[tilespmem:$0x1C000] =	vst v63  }
0x5e: {  	_ =	swait.ge [sflag:s20], $0x2000  }
0x5f: {  	[sflag:s20] =	ssyncset.done $0x0  }
0x60: {  	s10 =	simm.s32 $0x5300;
	[sflag:s20] =	ssyncadd.s32 $0xFFFFE000  }
0x61: {  	[spmem:s3] =	stream.indirect.scatter.add.f32 [tilespmem:s21], [sflag:$0x7], $0x40, s10, s17, $0xb8;
	[tilespmem:$0x1C000] =	vst v63  }
0x62: {  	_ =	swait.ge [sflag:s31], $0x2000  }
0x63: {  	[sflag:s31] =	ssyncset.done $0x0  }
0x64: {  	s11 =	simm.s32 $0x480;
	[sflag:s31] =	ssyncadd.s32 $0xFFFFE000  }
0x65: {  	[tilespmem:s19], [sflag:$0x2] =	stream.indirect.gather [hbm4b:s1+s17], $0x40, s11, s17, $0xb8;
	[tilespmem:$0x1C000] =	vst v63  }
0x66: {  	_ =	swait.ge [sflag:s28], $0x2000  }
0x67: {  	[sflag:s28] =	ssyncset.done $0x0  }
0x68: {  	s9 =	simm.s32 $0x800;
	s10 =	simm.s32 $0x5380;
	[sflag:s28] =	ssyncadd.s32 $0xFFFFE000  }
.LBB2_2:
0x69: {  	[spmem:s3] =	stream.indirect.scatter.add.f32 [tilespmem:s29], [sflag:$0x8], $0x40, s10, s17, $0xb8;
	[tilespmem:$0x1C000] =	vst v63  }
0x6a: {  	s10 =	smov.u32 s9  }
0x6b: {  	p0 =	sne.s32 s9, $0x12800;
	s9 =	sadd.s32 $0x800, s9;
	_ =	swait.ge [sflag:s0], $0x2000  }
0x6c: {  	s10 =	sshra.s32 s10, $0x2;
	[sflag:s0] =	ssyncset.done $0x0  }
0x6d: {  	s11 =	sadd.s32 $0x300, s10;
	[sflag:s0] =	ssyncadd.s32 $0xFFFFE000  }
0x6e: {  	[tilespmem:s21], [sflag:$0x3] =	stream.indirect.gather [hbm4b:s1+s17], $0x40, s11, s17, $0xb8;
	[tilespmem:$0x1C000] =	vst v63  }
0x6f: {  	_ =	swait.ge [sflag:s26], $0x2000  }
0x70: {  	[sflag:s26] =	ssyncset.done $0x0  }
0x71: {  	s11 =	sadd.s32 $0x5200, s10;
	[sflag:s26] =	ssyncadd.s32 $0xFFFFE000  }
0x72: {  	[spmem:s3] =	stream.indirect.scatter.add.f32 [tilespmem:s18], [sflag:$0x5], $0x40, s11, s17, $0xb8;
	[tilespmem:$0x1C000] =	vst v63  }
0x73: {  	_ =	swait.ge [sflag:s5], $0x2000  }
0x74: {  	[sflag:s5] =	ssyncset.done $0x0  }
0x75: {  	s11 =	sadd.s32 $0x380, s10;
	[sflag:s5] =	ssyncadd.s32 $0xFFFFE000  }
0x76: {  	[tilespmem:s29], [sflag:$0x4] =	stream.indirect.gather [hbm4b:s1+s17], $0x40, s11, s17, $0xb8;
	[tilespmem:$0x1C000] =	vst v63  }
0x77: {  	_ =	swait.ge [sflag:s30], $0x2000  }
0x78: {  	[sflag:s30] =	ssyncset.done $0x0  }
0x79: {  	s11 =	sadd.s32 $0x5280, s10;
	[sflag:s30] =	ssyncadd.s32 $0xFFFFE000  }
0x7a: {  	[spmem:s3] =	stream.indirect.scatter.add.f32 [tilespmem:s19], [sflag:$0x6], $0x40, s11, s17, $0xb8;
	[tilespmem:$0x1C000] =	vst v63  }
0x7b: {  	_ =	swait.ge [sflag:s2], $0x2000  }
0x7c: {  	[sflag:s2] =	ssyncset.done $0x0  }
0x7d: {  	s11 =	sadd.s32 $0x400, s10;
	[sflag:s2] =	ssyncadd.s32 $0xFFFFE000  }
0x7e: {  	[tilespmem:s18], [sflag:$0x1] =	stream.indirect.gather [hbm4b:s1+s17], $0x40, s11, s17, $0xb8;
	[tilespmem:$0x1C000] =	vst v63  }
0x7f: {  	_ =	swait.ge [sflag:s20], $0x2000  }
0x80: {  	[sflag:s20] =	ssyncset.done $0x0  }
0x81: {  	s11 =	sadd.s32 $0x5300, s10;
	[sflag:s20] =	ssyncadd.s32 $0xFFFFE000  }
0x82: {  	[spmem:s3] =	stream.indirect.scatter.add.f32 [tilespmem:s21], [sflag:$0x7], $0x40, s11, s17, $0xb8;
	[tilespmem:$0x1C000] =	vst v63  }
0x83: {  	_ =	swait.ge [sflag:s31], $0x2000  }
0x84: {  	[sflag:s31] =	ssyncset.done $0x0  }
.Ltmp0:
0x85: {  	s11 =	sadd.s32 $0x480, s10;
	[sflag:s31] =	ssyncadd.s32 $0xFFFFE000;
	(pc) =	sbr.rel @p0 .LBB2_2-.Ltmp0, $4  }
0x86: {  	[tilespmem:s19], [sflag:$0x2] =	stream.indirect.gather [hbm4b:s1+s17], $0x40, s11, s17, $0xb8;
	[tilespmem:$0x1C000] =	vst v63  }
0x87: {  	_ =	swait.ge [sflag:s28], $0x2000  }
0x88: {  	[sflag:s28] =	ssyncset.done $0x0  }
0x89: {  	s10 =	sadd.s32 $0x5380, s10;
	[sflag:s28] =	ssyncadd.s32 $0xFFFFE000  }
0x8a: {  	[spmem:s3] =	stream.indirect.scatter.add.f32 [tilespmem:s29], [sflag:$0x8], $0x40, s10, s17, $0xb8;
	[tilespmem:$0x1C000] =	vst v63  }
0x8b: {  	_ =	swait.ge [sflag:s0], $0x2000  }
0x8c: {  	[sflag:s0] =	ssyncset.done $0x0  }
0x8d: {  	s9 =	simm.s32 $0x4F00;
	[sflag:s0] =	ssyncadd.s32 $0xFFFFE000  }
0x8e: {  	[tilespmem:s21], [sflag:$0x3] =	stream.indirect.gather [hbm4b:s1+s17], $0x40, s9, s17, $0xb8;
	[tilespmem:$0x1C000] =	vst v63  }
0x8f: {  	_ =	swait.ge [sflag:s26], $0x2000  }
0x90: {  	[sflag:s26] =	ssyncset.done $0x0  }
0x91: {  	s10 =	simm.s32 $0x9E00;
	[sflag:s26] =	ssyncadd.s32 $0xFFFFE000  }
0x92: {  	[spmem:s3] =	stream.indirect.scatter.add.f32 [tilespmem:s18], [sflag:$0x5], $0x40, s10, s17, $0xb8;
	[tilespmem:$0x1C000] =	vst v63  }
0x93: {  	_ =	swait.ge [sflag:s5], $0x2000  }
0x94: {  	[sflag:s5] =	ssyncset.done $0x0  }
0x95: {  	s11 =	simm.s32 $0x4F80;
	[sflag:s5] =	ssyncadd.s32 $0xFFFFE000  }
0x96: {  	[tilespmem:s29], [sflag:$0x4] =	stream.indirect.gather [hbm4b:s1+s17], $0x40, s11, s17, $0xb8;
	[tilespmem:$0x1C000] =	vst v63  }
0x97: {  	_ =	swait.ge [sflag:s30], $0x2000  }
0x98: {  	[sflag:s30] =	ssyncset.done $0x0  }
0x99: {  	s10 =	simm.s32 $0x9E80;
	[sflag:s30] =	ssyncadd.s32 $0xFFFFE000  }
0x9a: {  	[spmem:s3] =	stream.indirect.scatter.add.f32 [tilespmem:s19], [sflag:$0x6], $0x40, s10, s17, $0xb8;
	[tilespmem:$0x1C000] =	vst v63  }
0x9b: {  	_ =	swait.ge [sflag:s2], $0x2000  }
0x9c: {  	[sflag:s2] =	ssyncset.done $0x0  }
0x9d: {  	[sflag:s2] =	ssyncadd.s32 $0xFFFFE000  }
0x9e: {  	_ =	swait.ge [sflag:s20], $0x2000  }
0x9f: {  	[sflag:s20] =	ssyncset.done $0x0  }
0xa0: {  	s11 =	simm.s32 $0x9F00;
	[sflag:s20] =	ssyncadd.s32 $0xFFFFE000  }
0xa1: {  	[spmem:s3] =	stream.indirect.scatter.add.f32 [tilespmem:s21], [sflag:$0x7], $0x40, s11, s17, $0xb8;
	[tilespmem:$0x1C000] =	vst v63  }
0xa2: {  	_ =	swait.ge [sflag:s31], $0x2000  }
0xa3: {  	[sflag:s31] =	ssyncset.done $0x0  }
0xa4: {  	[sflag:s31] =	ssyncadd.s32 $0xFFFFE000  }
0xa5: {  	_ =	swait.ge [sflag:s28], $0x2000  }
0xa6: {  	[sflag:s28] =	ssyncset.done $0x0  }
0xa7: {  	s10 =	simm.s32 $0x9F80;
	[sflag:s28] =	ssyncadd.s32 $0xFFFFE000  }
0xa8: {  	[spmem:s3] =	stream.indirect.scatter.add.f32 [tilespmem:s29], [sflag:$0x8], $0x40, s10, s17, $0xb8;
	[tilespmem:$0x1C000] =	vst v63  }
0xa9: {  	_ =	swait.ge [sflag:s0], $0x2000  }
0xaa: {  	[sflag:s0] =	ssyncset.done $0x0  }
0xab: {  	[sflag:s0] =	ssyncadd.s32 $0xFFFFE000  }
0xac: {  	_ =	swait.ge [sflag:s5], $0x2000  }
0xad: {  	[sflag:s5] =	ssyncset.done $0x0  }
0xae: {  	[sflag:s5] =	ssyncadd.s32 $0xFFFFE000  }
0xaf: {  	[bflag:$0x0] =	sbarrier.arrive $0xFFFF  }
0xb0: {  	s11 =	rddreg [dreg:$0x9]  }
0xb1: {  	[hbm:s11], [sflag:s7] =	dma.local [spmem:s8], $0x400  }
0xb2: {  	_ =	swait.ge [sflag:s15], $0x400  }
0xb3: {  	[sflag:s15] =	ssyncset.done $0x0  }
0xb4: {  	s10 =	rddreg [dreg:$0xa];
	[sflag:s15] =	ssyncadd.s32 $0xFFFFFC00  }
0xb5: {  	[hbm:s10], [sflag:s7] =	dma.local [spmem:s22], $0x400  }
0xb6: {  	_ =	swait.ge [sflag:s15], $0x400  }
0xb7: {  	[sflag:s15] =	ssyncset.done $0x0  }
0xb8: {  	s11 =	rddreg [dreg:$0xb];
	[sflag:s15] =	ssyncadd.s32 $0xFFFFFC00  }
0xb9: {  	[hbm:s11], [sflag:s7] =	dma.local [spmem:s23], $0x400  }
0xba: {  	_ =	swait.ge [sflag:s15], $0x400  }
0xbb: {  	[sflag:s15] =	ssyncset.done $0x0  }
0xbc: {  	[sflag:s15] =	ssyncadd.s32 $0xFFFFFC00  }
0xbd: {  	[hbm:s12], [sflag:s7] =	dma.local [spmem:s24], $0x400  }
0xbe: {  	s6 =	sadd.s32 $0x1, s6;
	_ =	swait.ge [sflag:s15], $0x400  }
0xbf: {  	p0 =	sne.s32 s6, s14;
	[sflag:s15] =	ssyncset.done $0x0  }
.Ltmp1:
0xc0: {  	[sflag:s15] =	ssyncadd.s32 $0xFFFFFC00;
	(pc) =	sbr.rel @p0 .LBB2_1-.Ltmp1, $4  }
0xc1: {  	[hbm:s13], [sflag:s7] =	dma.local [spmem:s25], $0x400  }
0xc2: {  	_ =	swait.ge [sflag:s15], $0x400  }
0xc3: {  	[sflag:s15] =	ssyncset.done $0x0  }
0xc4: {  	[sflag:s15] =	ssyncadd.s32 $0xFFFFFC00  }
0xc5: {  	_ =	sfence.sel $0x180000  }
0xc6: {  	[bflag:$0x0] =	sbarrier.arrive $0xFFFF  }
0xc7: {  	_ =	strace $0x9000004A  }
0xc8: {  	s0 =	stileid.u32;
	[bflag:$0x2] =	sbarrier.arrive $0xFFFF  }
0xc9: {  	p0 =	sne.s32 s0, $0x0;
	s0 =	rddreg [dreg:$0x4]  }
0xca: {  	s0 =	sadd.s32 @!p0 $0x100000, s0  }
0xcb: {  	[sflag:s0] =	ssyncadd.tile.s32 @!p0 $0x1;
	_ =	shalt  }
.Lfunc_end2:
_tile_overlayer_lowered:
.L_overlay_start_2:
0xcc: {  	(tag) =	ssettag $0x2  }
0xcd: {  	s0 =	rddreg [dreg:$0x0];
	s2 =	stileid.u32  }
0xce: {  	s1 =	rddreg [dreg:$0x1];
	p0 =	sne.s32 s2, $0x0  }
0xcf: {  	s3 =	rddreg [dreg:$0x2];
	[bflag:$0x3] =	sbarrier.arrive $0xFFFF;
	s2 =	simm.s32 @!p0 $0x1C09  }
0xd0: {  	[timem:s3], [sflag:s2] =	dma.local @!p0 [hbm:s0], s1  }
0xd1: {  	s0 =	simm.s32 @!p0 $0x9  }
0xd2: {  	_ =	swait.ge @!p0 [sflag:s0], s1  }
0xd3: {  	s1 =	ssub.s32 @!p0 $0x0, s1;
	[sflag:s0] =	ssyncset.done @!p0 $0x0  }
0xd4: {  	[sflag:s0] =	ssyncadd.s32 @!p0 s1  }
0xd5: {  	[bflag:$0x3] =	sbarrier.arrive $0xFFFF  }
0xd6: {  	_ =	shalt  }

// kernel: kernel.14.cloned.1.call-start
scs
__scs_entry_jumppad:
0x0: {  	(pc) =	sbr.rel $0x88, $3  }
0x1: {  	(tag) =	ssettag $0x0;
	lr =	simm.s32 $0x1  }
0x2: {  	[smem:$0x3F97] =	sst lr;
	_ =	strace $0xD0000000  }
0x3: {  	_ = 	snop  }
0x4: {  	_ = 	snop  }
0x5: {  	_ = 	snop  }
0x6: {  	_ = 	snop  }
0x7: {  	_ = 	snop  }
__scs_overlays_trampoline_lowered:
0x8: {  	[smem:$0x3FA6] =	sst s0  }
0x9: {  	[smem:$0x3FA7] =	sst s1  }
0xa: {  	[smem:$0x3FA8] =	sst s2  }
0xb: {  	[smem:$0x3FA9] =	sst s3  }
0xc: {  	[smem:$0x3FAA] =	sst s4  }
0xd: {  	[smem:$0x3FAB] =	sst s5  }
0xe: {  	[smem:$0x3FAC] =	sst s6  }
0xf: {  	[smem:$0x3FAD] =	sst s7  }
0x10: {  	[smem:$0x3FAE] =	sst s8  }
0x11: {  	[smem:$0x3FAF] =	sst s9;
	s0 =	simm.s32 @!p0 $0x0  }
0x12: {  	s1 =	sld [smem:$0x3F95];
	s0 =	simm.s32 @p0 $0x1  }
0x13: {  	[smem:$0x3FB0] =	sst s0;
	s0 =	simm.s32 @!p1 $0x0  }
0x14: {  	s2 =	sld [smem:$0x3F94];
	s0 =	simm.s32 @p1 $0x1  }
0x15: {  	[smem:$0x3FB1] =	sst s0;
	s0 =	simm.s32 @!p2 $0x0  }
0x16: {  	s3 =	sld [smem:$0x3FDB];
	s0 =	simm.s32 @p2 $0x1  }
0x17: {  	s4 =	simm.s32 $0x1BF5;
	[smem:$0x3FB3] =	sst s0  }
0x18: {  	s0 =	sld [smem:$0x3F96];
	_ =	swait.ge [sflag:s4], $0x0  }
0x19: {  	s7 =	sld [smem:$0x3F97]  }
0x1a: {  	s8 =	sadd.s32 $0xFFFFE003, lr  }
0x1b: {  	s9 =	sadd.s32 $0xFFFFFEF7, lr;
	s5 =	simm.s32 $0xFFFFFFFF;
	p2 =	slt.u32 s8, $0xFFFFF086  }
0x1c: {  	p1 =	slt.u32 s9, $0xF7A;
	s5 =	simm.s32 @!p2 $0x0  }
0x1d: {  	s5 =	simm.s32 @p1 $0x1;
	p0 =	seq.s32 s7, s2  }
0x1e: {  	s7 =	smul.u32 @!p0 $0xF7A, s2;
	p2 =	seq.s32 @!p0 s5, $0x0  }
0x1f: {  	s9 =	smul.u32 $0xF7A, s1;
	s8 =	simm.s32 @!p0 $0x1BF5;
	p2 =	por !p2, p0  }
0x20: {  	[sflag:s8] =	ssyncset.s32 @!p0 $0xFFFFF086;
	s6 =	sadd.s32 @!p0 s3, s7;
	s7 =	simm.s32 @!p0 $0x108  }
0x21: {  	s3 =	sadd.s32 s3, s9;
	s6 =	sadd.s32 @!p0 $0x88, s6;
	s7 =	simm.s32 @p2 $0x1082  }
0x22: {  	[simem:s7], [sflag:s8] =	dma.local @!p0 [hbm:s6], $0xF7A  }
0x23: {  	s9 =	sor.u32 $0xD0000000, s2;
	s6 =	simm.s32 $0x108;
	_ =	swait.ge @!p0 [sflag:s8], $0x0  }
0x24: {  	s3 =	sadd.s32 $0x88, s3;
	s6 =	simm.s32 @!p1 $0x1082;
	[sflag:s4] =	ssyncset.s32 $0xFFFFF086  }
0x25: {  	[simem:s6], [sflag:s4] =	dma.local [hbm:s3], $0xF7A  }
0x26: {  	[smem:$0x3F97] =	sst s1;
	(tag) =	ssettag s2;
	_ =	strace s9  }
0x27: {  	s1 =	sld [smem:$0x3FA7]  }
0x28: {  	s2 =	sld [smem:$0x3FA8]  }
0x29: {  	s4 =	sld [smem:$0x3FAA]  }
0x2a: {  	p0 =	seq.s32 s5, $0x0;
	s5 =	sld [smem:$0x3FAB]  }
0x2b: {  	s6 =	sld [smem:$0x3FAC]  }
0x2c: {  	s7 =	sld [smem:$0x3FAD]  }
0x2d: {  	s3 =	simm.s32 $0x108;
	s8 =	sld [smem:$0x3FAE]  }
0x2e: {  	s3 =	simm.s32 @!p0 $0x1082;
	s9 =	sld [smem:$0x3FAF]  }
0x2f: {  	lr =	sadd.s32 s0, s3;
	s0 =	sld [smem:$0x3FA6]  }
0x30: {  	s3 =	sld [smem:$0x3FA9]  }
0x31: {  	[smem:$0x3FB2] =	sst s10  }
0x32: {  	s10 =	sld [smem:$0x3FB0];
	_ =	sdelay $0x3  }
0x33: {  	p0 =	seq.s32 s10, $0x1;
	s10 =	sld [smem:$0x3FB2];
	_ =	sdelay $0x3  }
0x34: {  	[smem:$0x3FB2] =	sst s10  }
0x35: {  	s10 =	sld [smem:$0x3FB1];
	_ =	sdelay $0x3  }
0x36: {  	p1 =	seq.s32 s10, $0x1;
	s10 =	sld [smem:$0x3FB2];
	_ =	sdelay $0x3  }
0x37: {  	[smem:$0x3FB2] =	sst s10  }
0x38: {  	s10 =	sld [smem:$0x3FB3]  }
0x39: {  	_ = 	snop;
	(pc) =	sbr.ind lr, $3  }
0x3a: {  	_ = 	snop  }
0x3b: {  	_ = 	snop  }
0x3c: {  	p2 =	seq.s32 s10, $0x1;
	s10 =	sld [smem:$0x3FB2]  }
0x3d: {  	_ =	shalt  }
0x3e: {  	_ =	shalt  }
0x3f: {  	_ =	shalt  }
0x40: {  	_ =	shalt  }
0x41: {  	_ =	shalt  }
0x42: {  	_ =	shalt  }
0x43: {  	_ =	shalt  }
0x44: {  	_ =	shalt  }
0x45: {  	_ =	shalt  }
0x46: {  	_ =	shalt  }
0x47: {  	_ =	shalt  }
0x48: {  	_ =	shalt  }
0x49: {  	_ =	shalt  }
0x4a: {  	_ =	shalt  }
0x4b: {  	_ =	shalt  }
0x4c: {  	_ =	shalt  }
0x4d: {  	_ =	shalt  }
0x4e: {  	_ =	shalt  }
0x4f: {  	_ =	shalt  }
0x50: {  	_ =	shalt  }
0x51: {  	_ =	shalt  }
0x52: {  	_ =	shalt  }
0x53: {  	_ =	shalt  }
0x54: {  	_ =	shalt  }
0x55: {  	_ =	shalt  }
0x56: {  	_ =	shalt  }
0x57: {  	_ =	shalt  }
0x58: {  	_ =	shalt  }
0x59: {  	_ =	shalt  }
0x5a: {  	_ =	shalt  }
0x5b: {  	_ =	shalt  }
0x5c: {  	_ =	shalt  }
0x5d: {  	_ =	shalt  }
0x5e: {  	_ =	shalt  }
0x5f: {  	_ =	shalt  }
0x60: {  	_ =	shalt  }
0x61: {  	_ =	shalt  }
0x62: {  	_ =	shalt  }
0x63: {  	_ =	shalt  }
0x64: {  	_ =	shalt  }
0x65: {  	_ =	shalt  }
0x66: {  	_ =	shalt  }
0x67: {  	_ =	shalt  }
0x68: {  	_ =	shalt  }
0x69: {  	_ =	shalt  }
0x6a: {  	_ =	shalt  }
0x6b: {  	_ =	shalt  }
0x6c: {  	_ =	shalt  }
0x6d: {  	_ =	shalt  }
0x6e: {  	_ =	shalt  }
0x6f: {  	_ =	shalt  }
0x70: {  	_ =	shalt  }
0x71: {  	_ =	shalt  }
0x72: {  	_ =	shalt  }
0x73: {  	_ =	shalt  }
0x74: {  	_ =	shalt  }
0x75: {  	_ =	shalt  }
0x76: {  	_ =	shalt  }
0x77: {  	_ =	shalt  }
0x78: {  	_ =	shalt  }
0x79: {  	_ =	shalt  }
0x7a: {  	_ =	shalt  }
0x7b: {  	_ =	shalt  }
0x7c: {  	_ =	shalt  }
0x7d: {  	_ =	shalt  }
0x7e: {  	_ =	shalt  }
0x7f: {  	_ =	shalt  }
0x80: {  	_ =	shalt  }
0x81: {  	_ =	shalt  }
0x82: {  	_ =	shalt  }
0x83: {  	_ =	shalt  }
0x84: {  	_ =	shalt  }
0x85: {  	_ =	shalt  }
0x86: {  	_ =	shalt  }
0x87: {  	_ =	shalt  }
.Lfunc_end0:
.L_simem_size_0:
called_computation.2_lowered:
.L_overlay_start_0:
0x88: {  	s2 =	sld [smem:$0x3FD9]  }
0x89: {  	s3 =	sld [smem:$0x3FFE];
	_ =	sdelay $0x1  }
0x8a: {  	s1 =	srdreg.scid  }
0x8b: {  	s0 =	sand.u32 $0x1, s1  }
0x8c: {  	s14 =	sshll.u32 s0, $0xA;
	s2 =	sadd.s32 s3, s2  }
0x8d: {  	s2 =	sadd.s32 s2, s14  }
0x8e: {  	[smem:$0x3FBE] =	sst s2  }
0x8f: {  	_ = 	snop  }
0x90: {  	s2 =	sld [smem:$0x3FD0];
	_ =	sdelay $0x2  }
0x91: {  	s15 =	simm.s32 $0xA;
	s4 =	simm.s32 $0x10  }
0x92: {  	[smem:s4], [sflag:s15] =	dma.local [hbm:s2], $0x1  }
0x93: {  	_ =	swait.eq [sflag:s15], $0x1  }
0x94: {  	[sflag:s15] =	ssyncset.done $0x0  }
0x95: {  	s16 =	sld [smem:$0x10];
	[sflag:s15] =	ssyncadd.s32 $0xFFFFFFFF  }
0x96: {  	s17 =	sld [smem:$0x11];
	(tm) =	ssettm $0x1  }
0x97: {  	s18 =	sld [smem:$0x3FFB];
	_ =	sdelay $0x3  }
0x98: {  	_ =	strace s18  }
0x99: {  	s4 =	sld [smem:$0x3FFC];
	_ =	sdelay $0x3  }
0x9a: {  	_ =	strace s4  }
0x9b: {  	s4 =	sld [smem:$0x3FFD];
	_ =	sdelay $0x3  }
0x9c: {  	_ =	strace s4  }
0x9d: {  	_ =	strace $0x8FFFFFFF  }
0x9e: {  	s19 =	sld [smem:$0x3FDB];
	_ =	sdelay $0x1  }
0x9f: {  	s5 =	simm.s32 $_scs_section_size  }
0xa0: {  	s6 =	simm.s32 $_size__tile_overlayer_lowered;
	s7 =	simm.s32 $_tile_overlayer_lowered  }
0xa1: {  	s22 =	simm.s32 $0x1BFF;
	s21 =	sshll.u32 s7, $0x1;
	s4 =	sadd.s32 s5, s19  }
0xa2: {  	s8 =	simm.s32 $0x0;
	s20 =	sshll.u32 s6, $0x1;
	s6 =	sadd.s32 s21, s4  }
0xa3: {  	[timem:s8], [sflag:s22] =	dma.local [hbm:s6], s20  }
0xa4: {  	_ =	swait.ge [sflag:s22], s20  }
0xa5: {  	s5 =	ssub.s32 $0x0, s20;
	[sflag:s22] =	ssyncset.done $0x0  }
0xa6: {  	[sflag:s22] =	ssyncadd.s32 s5;
	_ =	sdelay $0x1  }
0xa7: {  	s23 =	simm.s32 $0x1B8B  }
0xa8: {  	_ =	swait.ge [sflag:s23], $0x1  }
0xa9: {  	[sflag:s23] =	ssyncset.done $0x0  }
0xaa: {  	s25 =	simm.s32 $0x1B8E;
	s24 =	sld [smem:$0x3FFE];
	[sflag:s23] =	ssyncadd.s32 $0xFFFFFFFF  }
0xab: {  	s26 =	simm.s32 $execute0_lowered;
	[smem:$0x3FD2] =	sst s25  }
0xac: {  	s6 =	sshll.u32 s26, $0x1;
	_ =	strace $0x8000004C;
	[dreg:$0x1] =	wrdreg $0xFFFFFFFF  }
0xad: {  	s28 =	simm.s32 $_size_execute0_lowered;
	s4 =	sadd.s32 s4, s6;
	[dreg:$0x0] =	wrdreg $0x0  }
0xae: {  	s6 =	sshll.u32 s28, $0x1;
	[dreg:$0x2] =	wrdreg s4  }
0xaf: {  	[dreg:$0x3] =	wrdreg s6  }
0xb0: {  	[dreg:$0x4] =	wrdreg $0xC0  }
0xb1: {  	_ =	task [dreg:s8], $0x5FFFF  }
0xb2: {  	[dreg:$0x1] =	wrdreg $0xFFFFFFFF  }
0xb3: {  	[dreg:$0x0] =	wrdreg $0x60  }
0xb4: {  	[dreg:$0x2] =	wrdreg s16  }
0xb5: {  	[dreg:$0x3] =	wrdreg s24  }
0xb6: {  	[dreg:$0x4] =	wrdreg s17  }
0xb7: {  	[dreg:$0x5] =	wrdreg $0x120000  }
0xb8: {  	[dreg:$0x6] =	wrdreg $0x9  }
0xb9: {  	_ =	task.clear_ibuf [dreg:s8], $0x7FFFF;
	_ =	strace $0x9000004C  }
0xba: {  	s29 =	simm.s32 $0x9;
	_ =	strace $0x8000004E  }
0xbb: {  	_ =	swait.ge [sflag:s29], $0x1  }
0xbc: {  	[sflag:s29] =	ssyncadd.s32 $0xFFFFFFFF  }
0xbd: {  	_ =	strace $0x9000004E  }
0xbe: {  	_ =	sfence  }
0xbf: {  	s30 =	sld [smem:$0x0];
	_ =	sdelay $0x2  }
0xc0: {  	s31 =	sshll.u32 s1, $0xD;
	s1 =	sshrl.u32 s1, $0x2  }
0xc1: {  	s3 =	sand.u32 $0x4000, s31;
	s1 =	sadd.s32 s1, s30  }
0xc2: {  	s0 =	sor.u32 s3, s0;
	s1 =	sshll.u32 s1, $0x11  }
0xc3: {  	s0 =	sor.u32 s1, s0  }
0xc4: {  	s0 =	sadd.s32 $0x8F2B, s0  }
0xc5: {  	[sflag:s0] =	ssyncadd.remote.s32 $0x1  }
0xc6: {  	_ =	sfence.sel $0xFFFF  }
0xc7: {  	[dreg:$0x0] =	wrdreg $0xFFFFFFFF;
	(pc) =	sbr.abs _section_cstart, $3  }
0xc8: {  	[dreg:$0x1] =	wrdreg $0xFFFFFFFF  }
0xc9: {  	_ =	task.clear_ibuf [dreg:s8], $0x2FFFF;
	_ =	strace $0x9FFFFFFF  }
0xca: {  	(tm) =	ssettm $0x7FFFFFFF  }
0xcb: {  	_ =	shalt  }
tec
execute0_lowered:
.L_overlay_start_1:
0x0: {  	(tag) =	ssettag $0x1  }
0x1: {  	s1 =	rddreg [dreg:$0x0]  }
0x2: {  	s0 =	rddreg [dreg:$0x1]  }
0x3: {  	s2 =	srdreg.scid;
	s5 =	rddreg [dreg:$0x2]  }
0x4: {  	s8 =	stileid.u32;
	s3 =	rddreg [dreg:$0x3];
	s4 =	simm.s32 $0x0  }
0x5: {  	s29 =	simm.s32 $0x10000;
	s30 =	simm.s32 $0x2;
	s6 =	smul.u32 $0x5000, s8  }
0x6: {  	s31 =	simm.s32 $0x6;
	s2 =	sand.u32 $0x1, s2;
	s8 =	smul.u32 $0xA000, s8  }
0x7: {  	s28 =	simm.s32 $0x4;
	[smem:$0x7FF] =	sst s4;
	s7 =	smul.u32 $0x50000, s2  }
0x8: {  	_ =	strace $0x8000004D;
	s9 =	ssub.s32 $0x2, s2;
	s2 =	smul.u32 $0xA0000, s2  }
0x9: {  	s10 =	sshrl.u32 s8, $0x3;
	s11 =	sshrl.u32 s9, $0x1;
	s15 =	sadd.s32 s8, s3  }
0xa: {  	s16 =	sadd.s32 $0x2000, s8;
	s20 =	sadd.s32 $0x4000, s8;
	s23 =	sadd.s32 $0x6000, s8  }
0xb: {  	s7 =	sadd.s32 s6, s7;
	s10 =	sadd.s32 s10, s0;
	s9 =	ssub.s32 s9, s11  }
0xc: {  	s6 =	sshrl.u32 s6, $0x3;
	[dreg:$0x7] =	wrdreg s15;
	s18 =	sadd.s32 s8, s2  }
0xd: {  	s19 =	sadd.s32 s2, s16;
	s22 =	sadd.s32 s2, s20;
	s24 =	sadd.s32 s2, s23  }
0xe: {  	s8 =	sadd.s32 $0x8000, s8;
	s25 =	sadd.s32 s23, s3;
	s15 =	simm.s32 $0x9  }
0xf: {  	s7 =	sshrl.u32 s7, $0x3;
	s5 =	sadd.s32 s5, s6;
	s17 =	sadd.s32 $0x1C400, s10  }
0x10: {  	s6 =	sshrl.u32 s18, $0x3;
	s10 =	sadd.s32 s20, s3;
	s2 =	sadd.s32 s2, s8  }
0x11: {  	s26 =	sadd.s32 s8, s3;
	s14 =	smax.u32 s9, $0x1;
	s18 =	simm.s32 $0xA000  }
0x12: {  	s20 =	simm.s32 $0x3;
	s7 =	sadd.s32 s7, s0;
	[dreg:$0x6] =	wrdreg s5  }
0x13: {  	s0 =	sadd.s32 $0x30400, s0;
	[dreg:$0x8] =	wrdreg s17;
	s5 =	sadd.s32 s16, s3  }
0x14: {  	s2 =	sshrl.u32 s2, $0x3;
	s16 =	simm.s32 $0x5000;
	s17 =	simm.s32 $0x80  }
0x15: {  	s23 =	sshrl.u32 s10, $0x3;
	s7 =	sadd.s32 $0x8400, s7;
	s6 =	sadd.s32 s0, s6  }
0x16: {  	s13 =	sadd.s32 s0, s2;
	s2 =	simm.s32 $0x5;
	[dreg:$0x5] =	wrdreg s7  }
0x17: {  	s7 =	sshrl.u32 s19, $0x3;
	[dreg:$0x9] =	wrdreg s6;
	s6 =	sshrl.u32 s22, $0x3  }
0x18: {  	s19 =	simm.s32 $0xC000;
	s22 =	sshrl.u32 s5, $0x3;
	s21 =	sadd.s32 s0, s7  }
0x19: {  	s5 =	simm.s32 $0x8;
	s6 =	sadd.s32 s0, s6;
	[dreg:$0xa] =	wrdreg s21  }
0x1a: {  	[dreg:$0xb] =	wrdreg s6;
	s6 =	sshrl.u32 s24, $0x3;
	s21 =	simm.s32 $0xE000  }
0x1b: {  	s24 =	sshrl.u32 s25, $0x3;
	s25 =	sshrl.u32 s26, $0x3;
	s26 =	simm.s32 $0x1  }
0x1c: {  	s12 =	sadd.s32 s0, s6;
	s0 =	simm.s32 $0x7;
	s6 =	simm.s32 $0x0  }
.LBB2_1:
0x1d: {  	s7 =	rddreg [dreg:$0x5]  }
0x1e: {  	[tilespmem:s4], [sflag:$0x9] =	stream.linear.gather [hbm4b:s7+s4], $0x5000, $0x38;
	[tilespmem:$0x1C000] =	vst v63  }
0x1f: {  	_ =	swait.ge [sflag:s15], $0x5000  }
0x20: {  	[sflag:s15] =	ssyncset.done $0x0  }
0x21: {  	s9 =	stileid.u32;
	s8 =	rddreg [dreg:$0x6];
	[sflag:s15] =	ssyncadd.s32 $0xFFFFB000  }
0x22: {  	[tilespmem:s16], [sflag:$0x9] =	stream.linear.gather [hbm4b:s8+s4], $0x5000, $0x38;
	[tilespmem:$0x1C000] =	vst v63  }
0x23: {  	s7 =	sshll.u32 s9, $0x6;
	_ =	swait.ge [sflag:s15], $0x5000  }
0x24: {  	s7 =	sor.u32 $0x1C09, s7;
	[sflag:s15] =	ssyncset.done $0x0;
	s8 =	rddreg [dreg:$0x7]  }
0x25: {  	s9 =	rddreg [dreg:$0x8];
	[sflag:s15] =	ssyncadd.s32 $0xFFFFB000;
	s8 =	sshrl.u32 s8, $0x3  }
0x26: {  	[spmem:s8], [sflag:s7] =	dma.local [hbm:s9], $0x1400  }
0x27: {  	_ =	swait.ge [sflag:s15], $0x1400  }
0x28: {  	[sflag:s15] =	ssyncset.done $0x0  }
0x29: {  	[sflag:s15] =	ssyncadd.s32 $0xFFFFEC00  }
0x2a: {  	[bflag:$0x0] =	sbarrier.arrive $0xFFFF  }
0x2b: {  	[tilespmem:s18], [sflag:$0x1] =	stream.indirect.gather [hbm4b:s1+s17], $0x40, s4, s17, $0xb8;
	[tilespmem:$0x1C000] =	vst v63  }
0x2c: {  	_ = 	snop  }
0x2d: {  	[tilespmem:s19], [sflag:$0x2] =	stream.indirect.gather [hbm4b:s1+s17], $0x40, s17, s17, $0xb8;
	[tilespmem:$0x1C000] =	vst v63  }
0x2e: {  	s10 =	simm.s32 $0x100  }
0x2f: {  	[tilespmem:s21], [sflag:$0x3] =	stream.indirect.gather [hbm4b:s1+s17], $0x40, s10, s17, $0xb8;
	[tilespmem:$0x1C000] =	vst v63  }
0x30: {  	_ =	swait.ge [sflag:s26], $0x2000  }
0x31: {  	[sflag:s26] =	ssyncset.done $0x0  }
0x32: {  	[sflag:s26] =	ssyncadd.s32 $0xFFFFE000  }
0x33: {  	[spmem:s3] =	stream.indirect.scatter.add.f32 [tilespmem:s18], [sflag:$0x5], $0x40, s16, s17, $0xb8;
	[tilespmem:$0x1C000] =	vst v63  }
0x34: {  	s11 =	simm.s32 $0x180  }
0x35: {  	[tilespmem:s29], [sflag:$0x4] =	stream.indirect.gather [hbm4b:s1+s17], $0x40, s11, s17, $0xb8;
	[tilespmem:$0x1C000] =	vst v63  }
0x36: {  	_ =	swait.ge [sflag:s30], $0x2000  }
0x37: {  	[sflag:s30] =	ssyncset.done $0x0  }
0x38: {  	s10 =	simm.s32 $0x5080;
	[sflag:s30] =	ssyncadd.s32 $0xFFFFE000  }
0x39: {  	[spmem:s3] =	stream.indirect.scatter.add.f32 [tilespmem:s19], [sflag:$0x6], $0x40, s10, s17, $0xb8;
	[tilespmem:$0x1C000] =	vst v63  }
0x3a: {  	_ =	swait.ge [sflag:s2], $0x2000  }
0x3b: {  	[sflag:s2] =	ssyncset.done $0x0  }
0x3c: {  	s11 =	simm.s32 $0x200;
	[sflag:s2] =	ssyncadd.s32 $0xFFFFE000  }
0x3d: {  	[tilespmem:s18], [sflag:$0x1] =	stream.indirect.gather [hbm4b:s1+s17], $0x40, s11, s17, $0xb8;
	[tilespmem:$0x1C000] =	vst v63  }
0x3e: {  	_ =	swait.ge [sflag:s20], $0x2000  }
0x3f: {  	[sflag:s20] =	ssyncset.done $0x0  }
0x40: {  	s10 =	simm.s32 $0x5100;
	[sflag:s20] =	ssyncadd.s32 $0xFFFFE000  }
0x41: {  	[spmem:s3] =	stream.indirect.scatter.add.f32 [tilespmem:s21], [sflag:$0x7], $0x40, s10, s17, $0xb8;
	[tilespmem:$0x1C000] =	vst v63  }
0x42: {  	_ =	swait.ge [sflag:s31], $0x2000  }
0x43: {  	[sflag:s31] =	ssyncset.done $0x0  }
0x44: {  	s11 =	simm.s32 $0x280;
	[sflag:s31] =	ssyncadd.s32 $0xFFFFE000  }
0x45: {  	[tilespmem:s19], [sflag:$0x2] =	stream.indirect.gather [hbm4b:s1+s17], $0x40, s11, s17, $0xb8;
	[tilespmem:$0x1C000] =	vst v63  }
0x46: {  	_ =	swait.ge [sflag:s28], $0x2000  }
0x47: {  	[sflag:s28] =	ssyncset.done $0x0  }
0x48: {  	s10 =	simm.s32 $0x5180;
	[sflag:s28] =	ssyncadd.s32 $0xFFFFE000  }
0x49: {  	[spmem:s3] =	stream.indirect.scatter.add.f32 [tilespmem:s29], [sflag:$0x8], $0x40, s10, s17, $0xb8;
	[tilespmem:$0x1C000] =	vst v63  }
0x4a: {  	_ =	swait.ge [sflag:s0], $0x2000  }
0x4b: {  	[sflag:s0] =	ssyncset.done $0x0  }
0x4c: {  	s11 =	simm.s32 $0x300;
	[sflag:s0] =	ssyncadd.s32 $0xFFFFE000  }
0x4d: {  	[tilespmem:s21], [sflag:$0x3] =	stream.indirect.gather [hbm4b:s1+s17], $0x40, s11, s17, $0xb8;
	[tilespmem:$0x1C000] =	vst v63  }
0x4e: {  	_ =	swait.ge [sflag:s26], $0x2000  }
0x4f: {  	[sflag:s26] =	ssyncset.done $0x0  }
0x50: {  	s10 =	simm.s32 $0x5200;
	[sflag:s26] =	ssyncadd.s32 $0xFFFFE000  }
0x51: {  	[spmem:s3] =	stream.indirect.scatter.add.f32 [tilespmem:s18], [sflag:$0x5], $0x40, s10, s17, $0xb8;
	[tilespmem:$0x1C000] =	vst v63  }
0x52: {  	_ =	swait.ge [sflag:s5], $0x2000  }
0x53: {  	[sflag:s5] =	ssyncset.done $0x0  }
0x54: {  	s11 =	simm.s32 $0x380;
	[sflag:s5] =	ssyncadd.s32 $0xFFFFE000  }
0x55: {  	[tilespmem:s29], [sflag:$0x4] =	stream.indirect.gather [hbm4b:s1+s17], $0x40, s11, s17, $0xb8;
	[tilespmem:$0x1C000] =	vst v63  }
0x56: {  	_ =	swait.ge [sflag:s30], $0x2000  }
0x57: {  	[sflag:s30] =	ssyncset.done $0x0  }
0x58: {  	s10 =	simm.s32 $0x5280;
	[sflag:s30] =	ssyncadd.s32 $0xFFFFE000  }
0x59: {  	[spmem:s3] =	stream.indirect.scatter.add.f32 [tilespmem:s19], [sflag:$0x6], $0x40, s10, s17, $0xb8;
	[tilespmem:$0x1C000] =	vst v63  }
0x5a: {  	_ =	swait.ge [sflag:s2], $0x2000  }
0x5b: {  	[sflag:s2] =	ssyncset.done $0x0  }
0x5c: {  	s11 =	simm.s32 $0x400;
	[sflag:s2] =	ssyncadd.s32 $0xFFFFE000  }
0x5d: {  	[tilespmem:s18], [sflag:$0x1] =	stream.indirect.gather [hbm4b:s1+s17], $0x40, s11, s17, $0xb8;
	[tilespmem:$0x1C000] =	vst v63  }
0x5e: {  	_ =	swait.ge [sflag:s20], $0x2000  }
0x5f: {  	[sflag:s20] =	ssyncset.done $0x0  }
0x60: {  	s10 =	simm.s32 $0x5300;
	[sflag:s20] =	ssyncadd.s32 $0xFFFFE000  }
0x61: {  	[spmem:s3] =	stream.indirect.scatter.add.f32 [tilespmem:s21], [sflag:$0x7], $0x40, s10, s17, $0xb8;
	[tilespmem:$0x1C000] =	vst v63  }
0x62: {  	_ =	swait.ge [sflag:s31], $0x2000  }
0x63: {  	[sflag:s31] =	ssyncset.done $0x0  }
0x64: {  	s11 =	simm.s32 $0x480;
	[sflag:s31] =	ssyncadd.s32 $0xFFFFE000  }
0x65: {  	[tilespmem:s19], [sflag:$0x2] =	stream.indirect.gather [hbm4b:s1+s17], $0x40, s11, s17, $0xb8;
	[tilespmem:$0x1C000] =	vst v63  }
0x66: {  	_ =	swait.ge [sflag:s28], $0x2000  }
0x67: {  	[sflag:s28] =	ssyncset.done $0x0  }
0x68: {  	s9 =	simm.s32 $0x800;
	s10 =	simm.s32 $0x5380;
	[sflag:s28] =	ssyncadd.s32 $0xFFFFE000  }
.LBB2_2:
0x69: {  	[spmem:s3] =	stream.indirect.scatter.add.f32 [tilespmem:s29], [sflag:$0x8], $0x40, s10, s17, $0xb8;
	[tilespmem:$0x1C000] =	vst v63  }
0x6a: {  	s10 =	smov.u32 s9  }
0x6b: {  	p0 =	sne.s32 s9, $0x12800;
	s9 =	sadd.s32 $0x800, s9;
	_ =	swait.ge [sflag:s0], $0x2000  }
0x6c: {  	s10 =	sshra.s32 s10, $0x2;
	[sflag:s0] =	ssyncset.done $0x0  }
0x6d: {  	s11 =	sadd.s32 $0x300, s10;
	[sflag:s0] =	ssyncadd.s32 $0xFFFFE000  }
0x6e: {  	[tilespmem:s21], [sflag:$0x3] =	stream.indirect.gather [hbm4b:s1+s17], $0x40, s11, s17, $0xb8;
	[tilespmem:$0x1C000] =	vst v63  }
0x6f: {  	_ =	swait.ge [sflag:s26], $0x2000  }
0x70: {  	[sflag:s26] =	ssyncset.done $0x0  }
0x71: {  	s11 =	sadd.s32 $0x5200, s10;
	[sflag:s26] =	ssyncadd.s32 $0xFFFFE000  }
0x72: {  	[spmem:s3] =	stream.indirect.scatter.add.f32 [tilespmem:s18], [sflag:$0x5], $0x40, s11, s17, $0xb8;
	[tilespmem:$0x1C000] =	vst v63  }
0x73: {  	_ =	swait.ge [sflag:s5], $0x2000  }
0x74: {  	[sflag:s5] =	ssyncset.done $0x0  }
0x75: {  	s11 =	sadd.s32 $0x380, s10;
	[sflag:s5] =	ssyncadd.s32 $0xFFFFE000  }
0x76: {  	[tilespmem:s29], [sflag:$0x4] =	stream.indirect.gather [hbm4b:s1+s17], $0x40, s11, s17, $0xb8;
	[tilespmem:$0x1C000] =	vst v63  }
0x77: {  	_ =	swait.ge [sflag:s30], $0x2000  }
0x78: {  	[sflag:s30] =	ssyncset.done $0x0  }
0x79: {  	s11 =	sadd.s32 $0x5280, s10;
	[sflag:s30] =	ssyncadd.s32 $0xFFFFE000  }
0x7a: {  	[spmem:s3] =	stream.indirect.scatter.add.f32 [tilespmem:s19], [sflag:$0x6], $0x40, s11, s17, $0xb8;
	[tilespmem:$0x1C000] =	vst v63  }
0x7b: {  	_ =	swait.ge [sflag:s2], $0x2000  }
0x7c: {  	[sflag:s2] =	ssyncset.done $0x0  }
0x7d: {  	s11 =	sadd.s32 $0x400, s10;
	[sflag:s2] =	ssyncadd.s32 $0xFFFFE000  }
0x7e: {  	[tilespmem:s18], [sflag:$0x1] =	stream.indirect.gather [hbm4b:s1+s17], $0x40, s11, s17, $0xb8;
	[tilespmem:$0x1C000] =	vst v63  }
0x7f: {  	_ =	swait.ge [sflag:s20], $0x2000  }
0x80: {  	[sflag:s20] =	ssyncset.done $0x0  }
0x81: {  	s11 =	sadd.s32 $0x5300, s10;
	[sflag:s20] =	ssyncadd.s32 $0xFFFFE000  }
0x82: {  	[spmem:s3] =	stream.indirect.scatter.add.f32 [tilespmem:s21], [sflag:$0x7], $0x40, s11, s17, $0xb8;
	[tilespmem:$0x1C000] =	vst v63  }
0x83: {  	_ =	swait.ge [sflag:s31], $0x2000  }
0x84: {  	[sflag:s31] =	ssyncset.done $0x0  }
.Ltmp0:
0x85: {  	s11 =	sadd.s32 $0x480, s10;
	[sflag:s31] =	ssyncadd.s32 $0xFFFFE000;
	(pc) =	sbr.rel @p0 .LBB2_2-.Ltmp0, $4  }
0x86: {  	[tilespmem:s19], [sflag:$0x2] =	stream.indirect.gather [hbm4b:s1+s17], $0x40, s11, s17, $0xb8;
	[tilespmem:$0x1C000] =	vst v63  }
0x87: {  	_ =	swait.ge [sflag:s28], $0x2000  }
0x88: {  	[sflag:s28] =	ssyncset.done $0x0  }
0x89: {  	s10 =	sadd.s32 $0x5380, s10;
	[sflag:s28] =	ssyncadd.s32 $0xFFFFE000  }
0x8a: {  	[spmem:s3] =	stream.indirect.scatter.add.f32 [tilespmem:s29], [sflag:$0x8], $0x40, s10, s17, $0xb8;
	[tilespmem:$0x1C000] =	vst v63  }
0x8b: {  	_ =	swait.ge [sflag:s0], $0x2000  }
0x8c: {  	[sflag:s0] =	ssyncset.done $0x0  }
0x8d: {  	s9 =	simm.s32 $0x4F00;
	[sflag:s0] =	ssyncadd.s32 $0xFFFFE000  }
0x8e: {  	[tilespmem:s21], [sflag:$0x3] =	stream.indirect.gather [hbm4b:s1+s17], $0x40, s9, s17, $0xb8;
	[tilespmem:$0x1C000] =	vst v63  }
0x8f: {  	_ =	swait.ge [sflag:s26], $0x2000  }
0x90: {  	[sflag:s26] =	ssyncset.done $0x0  }
0x91: {  	s10 =	simm.s32 $0x9E00;
	[sflag:s26] =	ssyncadd.s32 $0xFFFFE000  }
0x92: {  	[spmem:s3] =	stream.indirect.scatter.add.f32 [tilespmem:s18], [sflag:$0x5], $0x40, s10, s17, $0xb8;
	[tilespmem:$0x1C000] =	vst v63  }
0x93: {  	_ =	swait.ge [sflag:s5], $0x2000  }
0x94: {  	[sflag:s5] =	ssyncset.done $0x0  }
0x95: {  	s11 =	simm.s32 $0x4F80;
	[sflag:s5] =	ssyncadd.s32 $0xFFFFE000  }
0x96: {  	[tilespmem:s29], [sflag:$0x4] =	stream.indirect.gather [hbm4b:s1+s17], $0x40, s11, s17, $0xb8;
	[tilespmem:$0x1C000] =	vst v63  }
0x97: {  	_ =	swait.ge [sflag:s30], $0x2000  }
0x98: {  	[sflag:s30] =	ssyncset.done $0x0  }
0x99: {  	s10 =	simm.s32 $0x9E80;
	[sflag:s30] =	ssyncadd.s32 $0xFFFFE000  }
0x9a: {  	[spmem:s3] =	stream.indirect.scatter.add.f32 [tilespmem:s19], [sflag:$0x6], $0x40, s10, s17, $0xb8;
	[tilespmem:$0x1C000] =	vst v63  }
0x9b: {  	_ =	swait.ge [sflag:s2], $0x2000  }
0x9c: {  	[sflag:s2] =	ssyncset.done $0x0  }
0x9d: {  	[sflag:s2] =	ssyncadd.s32 $0xFFFFE000  }
0x9e: {  	_ =	swait.ge [sflag:s20], $0x2000  }
0x9f: {  	[sflag:s20] =	ssyncset.done $0x0  }
0xa0: {  	s11 =	simm.s32 $0x9F00;
	[sflag:s20] =	ssyncadd.s32 $0xFFFFE000  }
0xa1: {  	[spmem:s3] =	stream.indirect.scatter.add.f32 [tilespmem:s21], [sflag:$0x7], $0x40, s11, s17, $0xb8;
	[tilespmem:$0x1C000] =	vst v63  }
0xa2: {  	_ =	swait.ge [sflag:s31], $0x2000  }
0xa3: {  	[sflag:s31] =	ssyncset.done $0x0  }
0xa4: {  	[sflag:s31] =	ssyncadd.s32 $0xFFFFE000  }
0xa5: {  	_ =	swait.ge [sflag:s28], $0x2000  }
0xa6: {  	[sflag:s28] =	ssyncset.done $0x0  }
0xa7: {  	s10 =	simm.s32 $0x9F80;
	[sflag:s28] =	ssyncadd.s32 $0xFFFFE000  }
0xa8: {  	[spmem:s3] =	stream.indirect.scatter.add.f32 [tilespmem:s29], [sflag:$0x8], $0x40, s10, s17, $0xb8;
	[tilespmem:$0x1C000] =	vst v63  }
0xa9: {  	_ =	swait.ge [sflag:s0], $0x2000  }
0xaa: {  	[sflag:s0] =	ssyncset.done $0x0  }
0xab: {  	[sflag:s0] =	ssyncadd.s32 $0xFFFFE000  }
0xac: {  	_ =	swait.ge [sflag:s5], $0x2000  }
0xad: {  	[sflag:s5] =	ssyncset.done $0x0  }
0xae: {  	[sflag:s5] =	ssyncadd.s32 $0xFFFFE000  }
0xaf: {  	[bflag:$0x0] =	sbarrier.arrive $0xFFFF  }
0xb0: {  	s11 =	rddreg [dreg:$0x9]  }
0xb1: {  	[hbm:s11], [sflag:s7] =	dma.local [spmem:s8], $0x400  }
0xb2: {  	_ =	swait.ge [sflag:s15], $0x400  }
0xb3: {  	[sflag:s15] =	ssyncset.done $0x0  }
0xb4: {  	s10 =	rddreg [dreg:$0xa];
	[sflag:s15] =	ssyncadd.s32 $0xFFFFFC00  }
0xb5: {  	[hbm:s10], [sflag:s7] =	dma.local [spmem:s22], $0x400  }
0xb6: {  	_ =	swait.ge [sflag:s15], $0x400  }
0xb7: {  	[sflag:s15] =	ssyncset.done $0x0  }
0xb8: {  	s11 =	rddreg [dreg:$0xb];
	[sflag:s15] =	ssyncadd.s32 $0xFFFFFC00  }
0xb9: {  	[hbm:s11], [sflag:s7] =	dma.local [spmem:s23], $0x400  }
0xba: {  	_ =	swait.ge [sflag:s15], $0x400  }
0xbb: {  	[sflag:s15] =	ssyncset.done $0x0  }
0xbc: {  	[sflag:s15] =	ssyncadd.s32 $0xFFFFFC00  }
0xbd: {  	[hbm:s12], [sflag:s7] =	dma.local [spmem:s24], $0x400  }
0xbe: {  	s6 =	sadd.s32 $0x1, s6;
	_ =	swait.ge [sflag:s15], $0x400  }
0xbf: {  	p0 =	sne.s32 s6, s14;
	[sflag:s15] =	ssyncset.done $0x0  }
.Ltmp1:
0xc0: {  	[sflag:s15] =	ssyncadd.s32 $0xFFFFFC00;
	(pc) =	sbr.rel @p0 .LBB2_1-.Ltmp1, $4  }
0xc1: {  	[hbm:s13], [sflag:s7] =	dma.local [spmem:s25], $0x400  }
0xc2: {  	_ =	swait.ge [sflag:s15], $0x400  }
0xc3: {  	[sflag:s15] =	ssyncset.done $0x0  }
0xc4: {  	[sflag:s15] =	ssyncadd.s32 $0xFFFFFC00  }
0xc5: {  	_ =	sfence.sel $0x180000  }
0xc6: {  	[bflag:$0x0] =	sbarrier.arrive $0xFFFF  }
0xc7: {  	_ =	strace $0x9000004D  }
0xc8: {  	s0 =	stileid.u32;
	[bflag:$0x2] =	sbarrier.arrive $0xFFFF  }
0xc9: {  	p0 =	sne.s32 s0, $0x0;
	s0 =	rddreg [dreg:$0x4]  }
0xca: {  	s0 =	sadd.s32 @!p0 $0x100000, s0  }
0xcb: {  	[sflag:s0] =	ssyncadd.tile.s32 @!p0 $0x1;
	_ =	shalt  }
.Lfunc_end2:
_tile_overlayer_lowered:
.L_overlay_start_2:
0xcc: {  	(tag) =	ssettag $0x2  }
0xcd: {  	s0 =	rddreg [dreg:$0x0];
	s2 =	stileid.u32  }
0xce: {  	s1 =	rddreg [dreg:$0x1];
	p0 =	sne.s32 s2, $0x0  }
0xcf: {  	s3 =	rddreg [dreg:$0x2];
	[bflag:$0x3] =	sbarrier.arrive $0xFFFF;
	s2 =	simm.s32 @!p0 $0x1C09  }
0xd0: {  	[timem:s3], [sflag:s2] =	dma.local @!p0 [hbm:s0], s1  }
0xd1: {  	s0 =	simm.s32 @!p0 $0x9  }
0xd2: {  	_ =	swait.ge @!p0 [sflag:s0], s1  }
0xd3: {  	s1 =	ssub.s32 @!p0 $0x0, s1;
	[sflag:s0] =	ssyncset.done @!p0 $0x0  }
0xd4: {  	[sflag:s0] =	ssyncadd.s32 @!p0 s1  }
0xd5: {  	[bflag:$0x3] =	sbarrier.arrive $0xFFFF  }
0xd6: {  	_ =	shalt  }

// kernel: kernel.8.cloned.1.call-start
scs
__scs_entry_jumppad:
0x0: {  	(pc) =	sbr.rel $0x88, $3  }
0x1: {  	(tag) =	ssettag $0x0;
	lr =	simm.s32 $0x1  }
0x2: {  	[smem:$0x3F97] =	sst lr;
	_ =	strace $0xD0000000  }
0x3: {  	_ = 	snop  }
0x4: {  	_ = 	snop  }
0x5: {  	_ = 	snop  }
0x6: {  	_ = 	snop  }
0x7: {  	_ = 	snop  }
__scs_overlays_trampoline_lowered:
0x8: {  	[smem:$0x3FA6] =	sst s0  }
0x9: {  	[smem:$0x3FA7] =	sst s1  }
0xa: {  	[smem:$0x3FA8] =	sst s2  }
0xb: {  	[smem:$0x3FA9] =	sst s3  }
0xc: {  	[smem:$0x3FAA] =	sst s4  }
0xd: {  	[smem:$0x3FAB] =	sst s5  }
0xe: {  	[smem:$0x3FAC] =	sst s6  }
0xf: {  	[smem:$0x3FAD] =	sst s7  }
0x10: {  	[smem:$0x3FAE] =	sst s8  }
0x11: {  	[smem:$0x3FAF] =	sst s9;
	s0 =	simm.s32 @!p0 $0x0  }
0x12: {  	s1 =	sld [smem:$0x3F95];
	s0 =	simm.s32 @p0 $0x1  }
0x13: {  	[smem:$0x3FB0] =	sst s0;
	s0 =	simm.s32 @!p1 $0x0  }
0x14: {  	s2 =	sld [smem:$0x3F94];
	s0 =	simm.s32 @p1 $0x1  }
0x15: {  	[smem:$0x3FB1] =	sst s0;
	s0 =	simm.s32 @!p2 $0x0  }
0x16: {  	s3 =	sld [smem:$0x3FDB];
	s0 =	simm.s32 @p2 $0x1  }
0x17: {  	s4 =	simm.s32 $0x1BF5;
	[smem:$0x3FB3] =	sst s0  }
0x18: {  	s0 =	sld [smem:$0x3F96];
	_ =	swait.ge [sflag:s4], $0x0  }
0x19: {  	s7 =	sld [smem:$0x3F97]  }
0x1a: {  	s8 =	sadd.s32 $0xFFFFE003, lr  }
0x1b: {  	s9 =	sadd.s32 $0xFFFFFEF7, lr;
	s5 =	simm.s32 $0xFFFFFFFF;
	p2 =	slt.u32 s8, $0xFFFFF086  }
0x1c: {  	p1 =	slt.u32 s9, $0xF7A;
	s5 =	simm.s32 @!p2 $0x0  }
0x1d: {  	s5 =	simm.s32 @p1 $0x1;
	p0 =	seq.s32 s7, s2  }
0x1e: {  	s7 =	smul.u32 @!p0 $0xF7A, s2;
	p2 =	seq.s32 @!p0 s5, $0x0  }
0x1f: {  	s9 =	smul.u32 $0xF7A, s1;
	s8 =	simm.s32 @!p0 $0x1BF5;
	p2 =	por !p2, p0  }
0x20: {  	[sflag:s8] =	ssyncset.s32 @!p0 $0xFFFFF086;
	s6 =	sadd.s32 @!p0 s3, s7;
	s7 =	simm.s32 @!p0 $0x108  }
0x21: {  	s3 =	sadd.s32 s3, s9;
	s6 =	sadd.s32 @!p0 $0x88, s6;
	s7 =	simm.s32 @p2 $0x1082  }
0x22: {  	[simem:s7], [sflag:s8] =	dma.local @!p0 [hbm:s6], $0xF7A  }
0x23: {  	s9 =	sor.u32 $0xD0000000, s2;
	s6 =	simm.s32 $0x108;
	_ =	swait.ge @!p0 [sflag:s8], $0x0  }
0x24: {  	s3 =	sadd.s32 $0x88, s3;
	s6 =	simm.s32 @!p1 $0x1082;
	[sflag:s4] =	ssyncset.s32 $0xFFFFF086  }
0x25: {  	[simem:s6], [sflag:s4] =	dma.local [hbm:s3], $0xF7A  }
0x26: {  	[smem:$0x3F97] =	sst s1;
	(tag) =	ssettag s2;
	_ =	strace s9  }
0x27: {  	s1 =	sld [smem:$0x3FA7]  }
0x28: {  	s2 =	sld [smem:$0x3FA8]  }
0x29: {  	s4 =	sld [smem:$0x3FAA]  }
0x2a: {  	p0 =	seq.s32 s5, $0x0;
	s5 =	sld [smem:$0x3FAB]  }
0x2b: {  	s6 =	sld [smem:$0x3FAC]  }
0x2c: {  	s7 =	sld [smem:$0x3FAD]  }
0x2d: {  	s3 =	simm.s32 $0x108;
	s8 =	sld [smem:$0x3FAE]  }
0x2e: {  	s3 =	simm.s32 @!p0 $0x1082;
	s9 =	sld [smem:$0x3FAF]  }
0x2f: {  	lr =	sadd.s32 s0, s3;
	s0 =	sld [smem:$0x3FA6]  }
0x30: {  	s3 =	sld [smem:$0x3FA9]  }
0x31: {  	[smem:$0x3FB2] =	sst s10  }
0x32: {  	s10 =	sld [smem:$0x3FB0];
	_ =	sdelay $0x3  }
0x33: {  	p0 =	seq.s32 s10, $0x1;
	s10 =	sld [smem:$0x3FB2];
	_ =	sdelay $0x3  }
0x34: {  	[smem:$0x3FB2] =	sst s10  }
0x35: {  	s10 =	sld [smem:$0x3FB1];
	_ =	sdelay $0x3  }
0x36: {  	p1 =	seq.s32 s10, $0x1;
	s10 =	sld [smem:$0x3FB2];
	_ =	sdelay $0x3  }
0x37: {  	[smem:$0x3FB2] =	sst s10  }
0x38: {  	s10 =	sld [smem:$0x3FB3]  }
0x39: {  	_ = 	snop;
	(pc) =	sbr.ind lr, $3  }
0x3a: {  	_ = 	snop  }
0x3b: {  	_ = 	snop  }
0x3c: {  	p2 =	seq.s32 s10, $0x1;
	s10 =	sld [smem:$0x3FB2]  }
0x3d: {  	_ =	shalt  }
0x3e: {  	_ =	shalt  }
0x3f: {  	_ =	shalt  }
0x40: {  	_ =	shalt  }
0x41: {  	_ =	shalt  }
0x42: {  	_ =	shalt  }
0x43: {  	_ =	shalt  }
0x44: {  	_ =	shalt  }
0x45: {  	_ =	shalt  }
0x46: {  	_ =	shalt  }
0x47: {  	_ =	shalt  }
0x48: {  	_ =	shalt  }
0x49: {  	_ =	shalt  }
0x4a: {  	_ =	shalt  }
0x4b: {  	_ =	shalt  }
0x4c: {  	_ =	shalt  }
0x4d: {  	_ =	shalt  }
0x4e: {  	_ =	shalt  }
0x4f: {  	_ =	shalt  }
0x50: {  	_ =	shalt  }
0x51: {  	_ =	shalt  }
0x52: {  	_ =	shalt  }
0x53: {  	_ =	shalt  }
0x54: {  	_ =	shalt  }
0x55: {  	_ =	shalt  }
0x56: {  	_ =	shalt  }
0x57: {  	_ =	shalt  }
0x58: {  	_ =	shalt  }
0x59: {  	_ =	shalt  }
0x5a: {  	_ =	shalt  }
0x5b: {  	_ =	shalt  }
0x5c: {  	_ =	shalt  }
0x5d: {  	_ =	shalt  }
0x5e: {  	_ =	shalt  }
0x5f: {  	_ =	shalt  }
0x60: {  	_ =	shalt  }
0x61: {  	_ =	shalt  }
0x62: {  	_ =	shalt  }
0x63: {  	_ =	shalt  }
0x64: {  	_ =	shalt  }
0x65: {  	_ =	shalt  }
0x66: {  	_ =	shalt  }
0x67: {  	_ =	shalt  }
0x68: {  	_ =	shalt  }
0x69: {  	_ =	shalt  }
0x6a: {  	_ =	shalt  }
0x6b: {  	_ =	shalt  }
0x6c: {  	_ =	shalt  }
0x6d: {  	_ =	shalt  }
0x6e: {  	_ =	shalt  }
0x6f: {  	_ =	shalt  }
0x70: {  	_ =	shalt  }
0x71: {  	_ =	shalt  }
0x72: {  	_ =	shalt  }
0x73: {  	_ =	shalt  }
0x74: {  	_ =	shalt  }
0x75: {  	_ =	shalt  }
0x76: {  	_ =	shalt  }
0x77: {  	_ =	shalt  }
0x78: {  	_ =	shalt  }
0x79: {  	_ =	shalt  }
0x7a: {  	_ =	shalt  }
0x7b: {  	_ =	shalt  }
0x7c: {  	_ =	shalt  }
0x7d: {  	_ =	shalt  }
0x7e: {  	_ =	shalt  }
0x7f: {  	_ =	shalt  }
0x80: {  	_ =	shalt  }
0x81: {  	_ =	shalt  }
0x82: {  	_ =	shalt  }
0x83: {  	_ =	shalt  }
0x84: {  	_ =	shalt  }
0x85: {  	_ =	shalt  }
0x86: {  	_ =	shalt  }
0x87: {  	_ =	shalt  }
.Lfunc_end0:
.L_simem_size_0:
called_computation_lowered:
.L_overlay_start_0:
0x88: {  	s2 =	sld [smem:$0x3FD9]  }
0x89: {  	s3 =	sld [smem:$0x3FFE];
	_ =	sdelay $0x1  }
0x8a: {  	s1 =	srdreg.scid  }
0x8b: {  	s0 =	sand.u32 $0x1, s1  }
0x8c: {  	s14 =	sshll.u32 s0, $0xA;
	s2 =	sadd.s32 s3, s2  }
0x8d: {  	s2 =	sadd.s32 s2, s14  }
0x8e: {  	[smem:$0x3FBE] =	sst s2  }
0x8f: {  	_ = 	snop  }
0x90: {  	s2 =	sld [smem:$0x3FD0];
	_ =	sdelay $0x2  }
0x91: {  	s15 =	simm.s32 $0xA;
	s4 =	simm.s32 $0x10  }
0x92: {  	[smem:s4], [sflag:s15] =	dma.local [hbm:s2], $0x1  }
0x93: {  	_ =	swait.eq [sflag:s15], $0x1  }
0x94: {  	[sflag:s15] =	ssyncset.done $0x0  }
0x95: {  	s16 =	sld [smem:$0x10];
	[sflag:s15] =	ssyncadd.s32 $0xFFFFFFFF  }
0x96: {  	s17 =	sld [smem:$0x11];
	(tm) =	ssettm $0x1  }
0x97: {  	s18 =	sld [smem:$0x3FFB];
	_ =	sdelay $0x3  }
0x98: {  	_ =	strace s18  }
0x99: {  	s4 =	sld [smem:$0x3FFC];
	_ =	sdelay $0x3  }
0x9a: {  	_ =	strace s4  }
0x9b: {  	s4 =	sld [smem:$0x3FFD];
	_ =	sdelay $0x3  }
0x9c: {  	_ =	strace s4  }
0x9d: {  	_ =	strace $0x8FFFFFFF  }
0x9e: {  	s19 =	sld [smem:$0x3FDB];
	_ =	sdelay $0x1  }
0x9f: {  	s5 =	simm.s32 $_scs_section_size  }
0xa0: {  	s6 =	simm.s32 $_size__tile_overlayer_lowered;
	s7 =	simm.s32 $_tile_overlayer_lowered  }
0xa1: {  	s22 =	simm.s32 $0x1BFF;
	s21 =	sshll.u32 s7, $0x1;
	s4 =	sadd.s32 s5, s19  }
0xa2: {  	s8 =	simm.s32 $0x0;
	s20 =	sshll.u32 s6, $0x1;
	s6 =	sadd.s32 s21, s4  }
0xa3: {  	[timem:s8], [sflag:s22] =	dma.local [hbm:s6], s20  }
0xa4: {  	_ =	swait.ge [sflag:s22], s20  }
0xa5: {  	s5 =	ssub.s32 $0x0, s20;
	[sflag:s22] =	ssyncset.done $0x0  }
0xa6: {  	[sflag:s22] =	ssyncadd.s32 s5;
	_ =	sdelay $0x1  }
0xa7: {  	s23 =	simm.s32 $0x1B8B  }
0xa8: {  	_ =	swait.ge [sflag:s23], $0x1  }
0xa9: {  	[sflag:s23] =	ssyncset.done $0x0  }
0xaa: {  	s25 =	simm.s32 $0x1B8E;
	s24 =	sld [smem:$0x3FFE];
	[sflag:s23] =	ssyncadd.s32 $0xFFFFFFFF  }
0xab: {  	s26 =	simm.s32 $execute0_lowered;
	[smem:$0x3FD2] =	sst s25  }
0xac: {  	s6 =	sshll.u32 s26, $0x1;
	_ =	strace $0x80000046;
	[dreg:$0x1] =	wrdreg $0xFFFFFFFF  }
0xad: {  	s28 =	simm.s32 $_size_execute0_lowered;
	s4 =	sadd.s32 s4, s6;
	[dreg:$0x0] =	wrdreg $0x0  }
0xae: {  	s6 =	sshll.u32 s28, $0x1;
	[dreg:$0x2] =	wrdreg s4  }
0xaf: {  	[dreg:$0x3] =	wrdreg s6  }
0xb0: {  	[dreg:$0x4] =	wrdreg $0xC0  }
0xb1: {  	_ =	task [dreg:s8], $0x5FFFF  }
0xb2: {  	[dreg:$0x1] =	wrdreg $0xFFFFFFFF  }
0xb3: {  	[dreg:$0x0] =	wrdreg $0x60  }
0xb4: {  	[dreg:$0x2] =	wrdreg s17  }
0xb5: {  	[dreg:$0x3] =	wrdreg s24  }
0xb6: {  	[dreg:$0x4] =	wrdreg s16  }
0xb7: {  	[dreg:$0x5] =	wrdreg $0x30000  }
0xb8: {  	[dreg:$0x6] =	wrdreg $0x9  }
0xb9: {  	_ =	task.clear_ibuf [dreg:s8], $0x7FFFF;
	_ =	strace $0x90000046  }
0xba: {  	s29 =	simm.s32 $0x9;
	_ =	strace $0x80000048  }
0xbb: {  	_ =	swait.ge [sflag:s29], $0x1  }
0xbc: {  	[sflag:s29] =	ssyncadd.s32 $0xFFFFFFFF  }
0xbd: {  	_ =	strace $0x90000048  }
0xbe: {  	_ =	sfence  }
0xbf: {  	s30 =	sld [smem:$0x0];
	_ =	sdelay $0x2  }
0xc0: {  	s31 =	sshll.u32 s1, $0xD;
	s1 =	sshrl.u32 s1, $0x2  }
0xc1: {  	s3 =	sand.u32 $0x4000, s31;
	s1 =	sadd.s32 s1, s30  }
0xc2: {  	s0 =	sor.u32 s3, s0;
	s1 =	sshll.u32 s1, $0x11  }
0xc3: {  	s0 =	sor.u32 s1, s0  }
0xc4: {  	s0 =	sadd.s32 $0x8F2B, s0  }
0xc5: {  	[sflag:s0] =	ssyncadd.remote.s32 $0x1  }
0xc6: {  	_ =	sfence.sel $0xFFFF  }
0xc7: {  	[dreg:$0x0] =	wrdreg $0xFFFFFFFF;
	(pc) =	sbr.abs _section_cstart, $3  }
0xc8: {  	[dreg:$0x1] =	wrdreg $0xFFFFFFFF  }
0xc9: {  	_ =	task.clear_ibuf [dreg:s8], $0x2FFFF;
	_ =	strace $0x9FFFFFFF  }
0xca: {  	(tm) =	ssettm $0x7FFFFFFF  }
0xcb: {  	_ =	shalt  }
tec
execute0_lowered:
.L_overlay_start_1:
0x0: {  	(tag) =	ssettag $0x1  }
0x1: {  	s5 =	rddreg [dreg:$0x0]  }
0x2: {  	s6 =	rddreg [dreg:$0x1]  }
0x3: {  	s12 =	rddreg [dreg:$0x2]  }
0x4: {  	s2 =	rddreg [dreg:$0x3]  }
0x5: {  	s0 =	rddreg [dreg:$0x4];
	s1 =	stileid.u32  }
0x6: {  	s4 =	srdreg.scid;
	s3 =	simm.s32 $0x0;
	s10 =	smul.u32 $0x2800, s1  }
0x7: {  	s22 =	simm.s32 $0x0;
	s7 =	sand.u32 $0x1, s4;
	s8 =	smul.u32 $0x5000, s1  }
0x8: {  	[smem:$0x7FF] =	sst s3;
	s4 =	sadd.s32 $0x3200, s6;
	s31 =	sshll.u32 s1, $0x6  }
0x9: {  	s9 =	smul.u32 $0x2800, s7;
	_ =	strace $0x80000047;
	s13 =	ssub.s32 $0x2, s7  }
0xa: {  	s14 =	smul.u32 $0x28000, s7;
	s11 =	sshrl.u32 s10, $0x3;
	s23 =	sshrl.u32 s13, $0x1  }
0xb: {  	s26 =	sadd.s32 $0x800, s10;
	s15 =	sadd.s32 $0x1000, s10;
	s16 =	sadd.s32 $0x1800, s10  }
0xc: {  	s17 =	sadd.s32 $0x2000, s10;
	s8 =	sadd.s32 s9, s8;
	s24 =	sadd.s32 s11, s6  }
0xd: {  	s13 =	ssub.s32 s13, s23;
	s6 =	sadd.s32 s10, s2;
	s25 =	sadd.s32 s10, s14  }
0xe: {  	s28 =	sadd.s32 s14, s26;
	s18 =	sadd.s32 s26, s2;
	s29 =	sadd.s32 s14, s15  }
0xf: {  	s30 =	sadd.s32 s14, s16;
	s14 =	sadd.s32 s14, s17;
	s19 =	sadd.s32 s15, s2  }
0x10: {  	s20 =	sadd.s32 s16, s2;
	s21 =	sadd.s32 s17, s2;
	s15 =	simm.s32 $0x2800  }
0x11: {  	s16 =	sor.u32 $0x1C01, s31;
	s17 =	simm.s32 $0x80;
	s8 =	sshrl.u32 s8, $0x3  }
0x12: {  	s7 =	sadd.s32 $0x3400, s24;
	s9 =	sshrl.u32 s28, $0x3;
	s11 =	sshrl.u32 s29, $0x3  }
0x13: {  	s14 =	sshrl.u32 s14, $0x3;
	s13 =	smax.u32 s13, $0x1;
	s18 =	sshrl.u32 s18, $0x3  }
0x14: {  	s19 =	sshrl.u32 s19, $0x3;
	s20 =	sshrl.u32 s20, $0x3;
	s21 =	sshrl.u32 s21, $0x3  }
0x15: {  	s5 =	sadd.s32 s5, s8;
	s8 =	sshrl.u32 s25, $0x3;
	s9 =	sadd.s32 s12, s9  }
0x16: {  	s10 =	sadd.s32 s12, s11;
	s11 =	sshrl.u32 s30, $0x3;
	s8 =	sadd.s32 s12, s8  }
0x17: {  	s11 =	sadd.s32 s12, s11;
	s12 =	sadd.s32 s12, s14;
	s14 =	simm.s32 $0x1  }
.LBB2_1:
0x18: {  	[tilespmem:s3], [sflag:$0x1] =	stream.linear.gather [hbm4b:s5+s3], $0x2800, $0x38;
	[tilespmem:$0x5800] =	vst v63  }
0x19: {  	_ =	swait.ge [sflag:s14], $0x2800  }
0x1a: {  	[sflag:s14] =	ssyncset.done $0x0  }
0x1b: {  	[sflag:s14] =	ssyncadd.s32 $0xFFFFD800  }
0x1c: {  	[tilespmem:s15], [sflag:$0x1] =	stream.linear.gather [hbm4b:s4+s3], $0x800, $0x38;
	[tilespmem:$0x5800] =	vst v63  }
0x1d: {  	_ =	swait.ge [sflag:s14], $0x800  }
0x1e: {  	[sflag:s14] =	ssyncset.done $0x0  }
0x1f: {  	s23 =	sshrl.u32 s6, $0x3;
	[sflag:s14] =	ssyncadd.s32 $0xFFFFF800  }
0x20: {  	[spmem:s23], [sflag:s16] =	dma.local [hbm:s7], $0x500  }
0x21: {  	_ =	swait.ge [sflag:s14], $0x500  }
0x22: {  	[sflag:s14] =	ssyncset.done $0x0  }
0x23: {  	[sflag:s14] =	ssyncadd.s32 $0xFFFFFB00  }
0x24: {  	s24 =	simm.s32 $0x0;
	[bflag:$0x0] =	sbarrier.arrive $0xFFFF  }
0x25: {  	[spmem:s2] =	stream.indirect.scatter.add.f32 [tilespmem:s15], [sflag:$0x1], $0x10, s24, s17, $0xb8;
	[tilespmem:$0x5800] =	vst v63  }
0x26: {  	_ =	swait.ge [sflag:s14], $0x800  }
0x27: {  	s24 =	simm.s32 $0x200;
	[sflag:s14] =	ssyncset.done $0x0  }
.LBB2_2:
0x28: {  	s25 =	sshra.s32 s24, $0x2;
	[sflag:s14] =	ssyncadd.s32 $0xFFFFF800;
	p0 =	sne.s32 s24, $0x9E00  }
0x29: {  	[spmem:s2] =	stream.indirect.scatter.add.f32 [tilespmem:s15], [sflag:$0x1], $0x10, s25, s17, $0xb8;
	[tilespmem:$0x5800] =	vst v63  }
.Ltmp0:
0x2a: {  	_ = 	snop;
	(pc) =	sbr.rel @p0 .LBB2_2-.Ltmp0, $4  }
0x2b: {  	_ = 	snop  }
0x2c: {  	s24 =	sadd.s32 $0x200, s24  }
0x2d: {  	_ =	swait.ge [sflag:s14], $0x800  }
0x2e: {  	[sflag:s14] =	ssyncset.done $0x0  }
0x2f: {  	[sflag:s14] =	ssyncadd.s32 $0xFFFFF800  }
0x30: {  	[bflag:$0x0] =	sbarrier.arrive $0xFFFF  }
0x31: {  	[hbm:s8], [sflag:s16] =	dma.local [spmem:s23], $0x100  }
0x32: {  	_ =	swait.ge [sflag:s14], $0x100  }
0x33: {  	[sflag:s14] =	ssyncset.done $0x0  }
0x34: {  	[sflag:s14] =	ssyncadd.s32 $0xFFFFFF00  }
0x35: {  	[hbm:s9], [sflag:s16] =	dma.local [spmem:s18], $0x100  }
0x36: {  	_ =	swait.ge [sflag:s14], $0x100  }
0x37: {  	[sflag:s14] =	ssyncset.done $0x0  }
0x38: {  	[sflag:s14] =	ssyncadd.s32 $0xFFFFFF00  }
0x39: {  	[hbm:s10], [sflag:s16] =	dma.local [spmem:s19], $0x100  }
0x3a: {  	_ =	swait.ge [sflag:s14], $0x100  }
0x3b: {  	[sflag:s14] =	ssyncset.done $0x0  }
0x3c: {  	[sflag:s14] =	ssyncadd.s32 $0xFFFFFF00  }
0x3d: {  	[hbm:s11], [sflag:s16] =	dma.local [spmem:s20], $0x100  }
0x3e: {  	s22 =	sadd.s32 $0x1, s22;
	_ =	swait.ge [sflag:s14], $0x100  }
0x3f: {  	p0 =	sne.s32 s22, s13;
	[sflag:s14] =	ssyncset.done $0x0  }
.Ltmp1:
0x40: {  	[sflag:s14] =	ssyncadd.s32 $0xFFFFFF00;
	(pc) =	sbr.rel @p0 .LBB2_1-.Ltmp1, $4  }
0x41: {  	[hbm:s12], [sflag:s16] =	dma.local [spmem:s21], $0x100  }
0x42: {  	_ =	swait.ge [sflag:s14], $0x100  }
0x43: {  	[sflag:s14] =	ssyncset.done $0x0  }
0x44: {  	[sflag:s14] =	ssyncadd.s32 $0xFFFFFF00  }
0x45: {  	_ =	sfence.sel $0x180000  }
0x46: {  	[bflag:$0x0] =	sbarrier.arrive $0xFFFF  }
0x47: {  	p0 =	sne.s32 s1, $0x0;
	_ =	strace $0x90000047  }
0x48: {  	s0 =	sadd.s32 @!p0 $0x100000, s0;
	[bflag:$0x2] =	sbarrier.arrive $0xFFFF  }
0x49: {  	[sflag:s0] =	ssyncadd.tile.s32 @!p0 $0x1;
	_ =	shalt  }
.Lfunc_end2:
_tile_overlayer_lowered:
.L_overlay_start_2:
0x4a: {  	(tag) =	ssettag $0x2  }
0x4b: {  	s0 =	rddreg [dreg:$0x0];
	s2 =	stileid.u32  }
0x4c: {  	s1 =	rddreg [dreg:$0x1];
	p0 =	sne.s32 s2, $0x0  }
0x4d: {  	s3 =	rddreg [dreg:$0x2];
	[bflag:$0x3] =	sbarrier.arrive $0xFFFF;
	s2 =	simm.s32 @!p0 $0x1C01  }
0x4e: {  	[timem:s3], [sflag:s2] =	dma.local @!p0 [hbm:s0], s1  }
0x4f: {  	s0 =	simm.s32 @!p0 $0x1  }
0x50: {  	_ =	swait.ge @!p0 [sflag:s0], s1  }
0x51: {  	s1 =	ssub.s32 @!p0 $0x0, s1;
	[sflag:s0] =	ssyncset.done @!p0 $0x0  }
0x52: {  	[sflag:s0] =	ssyncadd.s32 @!p0 s1  }
0x53: {  	[bflag:$0x3] =	sbarrier.arrive $0xFFFF  }
0x54: {  	_ =	shalt  }

</sc_bundles>
